<compile_context>
chip_gen: v7x
topology: tpu7x:2x2x1
jax: 0.10.2.dev20260603
libtpu: 0.0.44.dev20260713+nightly
codegen_flags: <defaults>
</compile_context>

<pallas_src>
import functools

import jax
import jax.numpy as jnp
from jax import lax
from jax.experimental import pallas as pl
from jax.experimental.pallas import tpu as pltpu
from jax.experimental.pallas import tpu_sc as plsc

_N = 2048
_D = 128
_E = 32768
_ALPHA = 0.5

_NC = 2
_NS = 16
_EDGES_PER_TILE = _E // _NS
_BAND = 512
_PASSES = 2
_ACC_WORDS = _BAND * _N
_ZW = _ACC_WORDS // _NS
_ZB = 4096
_STREAM = 128
_NSTREAMS = _EDGES_PER_TILE // _STREAM

def _sc_count_body(
    src_hbm, dst_hbm, out_hbm, acc, srcb, dstb, idxb, valb, cbuf, zbuf, sem
):
    cid = lax.axis_index("c")
    sid = lax.axis_index("s")
    _lane_iota = lax.iota(jnp.int32, 16)
    ebase = sid * _EDGES_PER_TILE
    pltpu.sync_copy(src_hbm.at[pl.ds(ebase, _EDGES_PER_TILE)], srcb)
    pltpu.sync_copy(dst_hbm.at[pl.ds(ebase, _EDGES_PER_TILE)], dstb)

    @pl.loop(0, _ZB // 16)
    def _(i):
        zbuf[pl.ds(i * 16, 16)] = jnp.zeros((16,), jnp.float32)

    for p in range(_PASSES):
        band_base = cid * (_PASSES * _BAND) + p * _BAND
        zcps = [
            pltpu.async_copy(
                zbuf, acc.at[pl.ds(sid * _ZW + z * _ZB, _ZB)], sem
            )
            for z in range(_ZW // _ZB)
        ]
        for cp in zcps:
            cp.wait()
        plsc.subcore_barrier()

        def _compact(g, cur):
            s = srcb[pl.ds(g * 16, 16)]
            d = dstb[pl.ds(g * 16, 16)]
            lr = d - band_base
            m = (lr >= 0) & (lr < _BAND)
            flat = lr * _N + s
            plsc.store_compressed(cbuf.at[pl.ds(cur, 16)], flat, mask=m)
            return cur + jnp.sum(jnp.where(m, 1, 0))

        count = lax.fori_loop(0, _EDGES_PER_TILE // 16, _compact, 0)
        padded = lax.div(count + (_STREAM - 1), _STREAM) * _STREAM
        for z in range(_STREAM // 16):
            @pl.when(count + z * 16 < padded)
            def _():
                cbuf[pl.ds(count + z * 16, 16)] = jnp.zeros((16,), jnp.int32)

        def _fill(t, _):
            j = lax.div(t, _STREAM // 16)
            k = lax.rem(t, _STREAM // 16)
            v = cbuf[pl.ds(t * 16, 16)]
            idxb[j, pl.ds(k * 16, 16)] = v
            lane = t * 16 + _lane_iota
            valb[j, pl.ds(k * 16, 16)] = jnp.where(lane < count, 1.0, 0.0)
            return 0

        lax.fori_loop(0, lax.div(padded, 16), _fill, 0)
        nstreams = lax.div(padded, _STREAM)

        for j in range(_NSTREAMS):
            @pl.when(j < nstreams)
            def _():
                pltpu.async_copy(
                    valb.at[j], acc.at[idxb.at[j]], sem, add=True
                )
        for j in range(_NSTREAMS):
            @pl.when(j < nstreams)
            def _():
                pltpu.make_async_copy(valb.at[j], acc.at[idxb.at[j]], sem).wait()
        plsc.subcore_barrier()

        obase = band_base * _N + sid * _ZW
        pltpu.sync_copy(acc.at[pl.ds(sid * _ZW, _ZW)], out_hbm.at[pl.ds(obase, _ZW)])


@functools.lru_cache(maxsize=1)
def _make_sc_count():
    mesh = plsc.VectorSubcoreMesh(core_axis_name="c", subcore_axis_name="s")
    return pl.kernel(
        _sc_count_body,
        compiler_params=pltpu.CompilerParams(needs_layout_passes=False),
        out_type=jax.ShapeDtypeStruct((_N * _N,), jnp.float32),
        mesh=mesh,
        scratch_types=[
            pltpu.VMEM_SHARED((_ACC_WORDS,), jnp.float32),
            pltpu.VMEM((_EDGES_PER_TILE,), jnp.int32),
            pltpu.VMEM((_EDGES_PER_TILE,), jnp.int32),
            pltpu.VMEM((_NSTREAMS, _STREAM), jnp.int32),
            pltpu.VMEM((_NSTREAMS, _STREAM), jnp.float32),
            pltpu.VMEM((_EDGES_PER_TILE + 16, ), jnp.int32),
            pltpu.VMEM((_ZB,), jnp.float32),
            pltpu.SemaphoreType.DMA,
        ],
    )



_BM = 512
_GRID = _N // _BM


def _diag_patch(out_ref, i, scale=None, add=None):
    sub = out_ref[:, pl.ds(i * _BM, _BM)]
    r = lax.broadcasted_iota(jnp.int32, (_BM, _BM), 0)
    c = lax.broadcasted_iota(jnp.int32, (_BM, _BM), 1)
    m = r == c
    if scale is not None:
        out_ref[:, pl.ds(i * _BM, _BM)] = jnp.where(m, sub * scale, sub)
    else:
        out_ref[:, pl.ds(i * _BM, _BM)] = jnp.where(m, sub + add, sub)


def _band_eye(b):
    rows = b * _BM + lax.broadcasted_iota(jnp.int32, (_BM, _N), 0)
    cols = lax.broadcasted_iota(jnp.int32, (_BM, _N), 1)
    return jnp.where(rows == cols, 1.0, 0.0)


def _dense_body(cnt_ref, x_ref, w_ref, out_ref, ahat_scr, q_scr, kff_scr,
                dis_scr, vd_scr):
    i = pl.program_id(0)

    @pl.when(i < _GRID)
    def _():
        b = i
        c = cnt_ref[...]
        deg = jnp.sum(c, axis=1) + 1.0
        dis_scr[0, pl.ds(b * _BM, _BM)] = lax.rsqrt(deg)
        colsum = jnp.sum(c, axis=0)

        @pl.when(i == 0)
        def _():
            vd_scr[0, :] = colsum

        @pl.when(i > 0)
        def _():
            vd_scr[0, :] = vd_scr[0, :] + colsum

        x = x_ref[...]
        w = w_ref[0, :]
        xb = x_ref[pl.ds(b * _BM, _BM), :]
        sb = jnp.sum(xb * xb * w[None, :], axis=1)
        sf = jnp.sum(x * x * w[None, :], axis=1)
        cross = lax.dot_general(
            xb * w[None, :], x, (((1,), (1,)), ((), ())),
            preferred_element_type=jnp.float32,
        )
        v = sb[:, None] + sf[None, :] - 2.0 * cross
        kff_scr[pl.ds(b * _BM, _BM), :] = v
        sub = kff_scr[pl.ds(b * _BM, _BM), pl.ds(b * _BM, _BM)]
        r = lax.broadcasted_iota(jnp.int32, (_BM, _BM), 0)
        cc = lax.broadcasted_iota(jnp.int32, (_BM, _BM), 1)
        kff_scr[pl.ds(b * _BM, _BM), pl.ds(b * _BM, _BM)] = jnp.where(
            r == cc, 1.0, sub
        )

    @pl.when((i >= _GRID) & (i < 2 * _GRID))
    def _():
        b = i - _GRID
        c = cnt_ref[...]
        drow = dis_scr[0, pl.ds(b * _BM, _BM)]
        dis = dis_scr[0, :]
        ahat_scr[pl.ds(b * _BM, _BM), :] = (
            drow[:, None] * (c + _band_eye(b)) * dis[None, :]
        ).astype(jnp.bfloat16)

    @pl.when((i >= 2 * _GRID) & (i < 3 * _GRID))
    def _():
        b = i - 2 * _GRID
        aband = ahat_scr[pl.ds(b * _BM, _BM), :]
        s = jnp.dot(
            aband, ahat_scr[...], preferred_element_type=jnp.float32
        )
        c1 = (1.0 - _ALPHA) * (1.0 - _ALPHA)
        c2 = _ALPHA * (1.0 - _ALPHA)
        q_scr[pl.ds(b * _BM, _BM), :] = (
            c1 * s + c2 * aband.astype(jnp.float32)
            + _band_eye(b) * _ALPHA
        )

    @pl.when(i >= 3 * _GRID)
    def _():
        b = i - 3 * _GRID
        qb = q_scr[pl.ds(b * _BM, _BM), :]
        t = jnp.dot(qb, kff_scr[...], preferred_element_type=jnp.float32)
        out_ref[...] = lax.dot_general(
            t, q_scr[...], (((1,), (1,)), ((), ())),
            preferred_element_type=jnp.float32,
        )
        vdb = 1.0 / (vd_scr[0, pl.ds(b * _BM, _BM)] + 1.0)
        _diag_patch(out_ref, b, scale=vdb[None, :])


_dense = pl.pallas_call(
    _dense_body,
    grid=(4 * _GRID,),
    in_specs=[
        pl.BlockSpec(
            (_BM, _N),
            lambda i: (jnp.where(i < 2 * _GRID, lax.rem(i, _GRID), _GRID - 1), 0),
        ),
        pl.BlockSpec((_N, _D), lambda i: (0, 0)),
        pl.BlockSpec((1, _D), lambda i: (0, 0)),
    ],
    out_specs=pl.BlockSpec(
        (_BM, _N), lambda i: (jnp.maximum(i - 3 * _GRID, 0), 0)
    ),
    out_shape=jax.ShapeDtypeStruct((_N, _N), jnp.float32),
    scratch_shapes=[
        pltpu.VMEM((_N, _N), jnp.bfloat16),
        pltpu.VMEM((_N, _N), jnp.float32),
        pltpu.VMEM((_N, _N), jnp.float32),
        pltpu.VMEM((1, _N), jnp.float32),
        pltpu.VMEM((1, _N), jnp.float32),
    ],
    compiler_params=pltpu.CompilerParams(
        vmem_limit_bytes=64 * 1024 * 1024
    ),
)


@jax.jit
def kernel(edge_index, x_train, w):
    src = edge_index[0]
    dst = edge_index[1]
    cnt = _make_sc_count()(src, dst).reshape(_N, _N)
    return _dense(cnt, x_train, w.reshape(1, _D))

# --- scband reference (transcript-rebuilt; emitter-appended) ---
"""Pipeline reference for scband-gcgp-70660801954331 (READ-ONLY COPY).

The authoritative reference and input builder live on the scoring server;
editing this copy changes nothing except your own understanding.
"""

import jax, jax.numpy as jnp
import numpy as np

N = 2048
D = 128
E = 32768
HOPS = 2
ALPHA = 0.5


def appnp(x, edge_index, K, alpha, n):
    # torch_geometric-style APPNP with self-loops and symmetric gcn normalization
    src = edge_index[0]
    dst = edge_index[1]
    loop = jnp.arange(n, dtype=src.dtype)
    row = jnp.concatenate([src, loop])
    col = jnp.concatenate([dst, loop])
    ew = jnp.ones(row.shape[0], dtype=x.dtype)
    deg = jax.ops.segment_sum(ew, col, num_segments=n)
    dis = jnp.where(deg > 0, deg ** -0.5, 0.0)
    norm = dis[row] * ew * dis[col]
    h = x
    x0 = x
    for _ in range(K):
        msg = norm[:, None] * h[row]
        agg = jax.ops.segment_sum(msg, col, num_segments=n)
        h = (1.0 - alpha) * agg + alpha * x0
    return h


def rbf_kernel(x, w):
    # Faithful vectorization of the O(N^2) loop:
    # var[i,j] = sum_d w[d] * (x[i,d]-x[j,d])^2 for i<j, then var + var.T + I.
    # Expand: w.(xi-xj)^2 = s_i + s_j - 2*(x*w) @ x.T, symmetric with zero diagonal.
    s = (x * x) @ w                      # [N]
    cross = (x * w[None, :]) @ x.T       # [N, N]
    var = s[:, None] + s[None, :] - 2.0 * cross
    var = var - jnp.diag(jnp.diag(var))  # diagonal is exactly 0 in the loop version
    return var + jnp.eye(x.shape[0], dtype=x.dtype)


def setup_inputs(seed: int = 0) -> dict:
    key = jax.random.key(seed)
    k1, k2, k3 = jax.random.split(key, 3)
    x_train = jax.random.normal(k1, (N, D), dtype=jnp.float32)
    # kernel_scale: torch.nn.Linear(D, 1, bias=False) weight, kaiming-uniform-ish init
    w = jax.random.uniform(k2, (D,), dtype=jnp.float32, minval=-1.0, maxval=1.0) / np.sqrt(D)
    edge_index = jax.random.randint(k3, (2, E), 0, N, dtype=jnp.int32)
    return {"edge_index": edge_index, "x_train": x_train, "w": w}


def reference(edge_index, x_train, w):
    kff = rbf_kernel(x_train, w)
    kgg = appnp(kff, edge_index, HOPS, ALPHA, N)
    kgg = appnp(kgg.T, edge_index, HOPS, ALPHA, N)
    # dense adjacency from sparse COO (duplicate edges accumulate, as in to_dense())
    adj = jnp.zeros((N, N), dtype=jnp.float32).at[edge_index[0], edge_index[1]].add(1.0)
    deg_mat = jnp.diag(adj.sum(axis=1))
    # NOTE: torch code adds scalar 1 to the FULL diag matrix, so off-diagonals become 1**-0.5 == 1
    M = (deg_mat + 1.0) ** (-0.5)
    kgg = M * kgg
    kgg = M * kgg.T
    return kgg

if __name__ == "__main__":
    import jax
    _d = setup_inputs()
    print(jax.jit(kernel)(*tuple(_d.values())))

</pallas_src>

<mosaic_0001>
#map = affine_map<(d0, d1) -> (0)>
module attributes {stable_mosaic.version = 14 : i64} {
  func.func @_sc_count_body(%arg0: i32, %arg1: i32, %arg2: memref<32768xi32, #tpu.memory_space<hbm>>, %arg3: memref<32768xi32, #tpu.memory_space<hbm>>, %arg4: memref<4194304xf32, #tpu.memory_space<hbm>>, %arg5: memref<1048576xf32, #tpu.memory_space<vmem_shared>>, %arg6: memref<2048xi32, #tpu.memory_space<vmem>>, %arg7: memref<2048xi32, #tpu.memory_space<vmem>>, %arg8: memref<16x128xi32, #tpu.memory_space<vmem>>, %arg9: memref<16x128xf32, #tpu.memory_space<vmem>>, %arg10: memref<2064xi32, #tpu.memory_space<vmem>>, %arg11: memref<4096xf32, #tpu.memory_space<vmem>>, %arg12: memref<!tpu.dma_semaphore, #tpu.memory_space<semaphore_mem>>) attributes {dimension_semantics = [#tpu.dimension_semantics<core_parallel>, #tpu.dimension_semantics<subcore_parallel>], iteration_bounds = array<i64: 2, 16>, scalar_prefetch = 0 : i64, scratch_operands = 8 : i64, tpu.core_type = #tpu.core_type<sc_vector_subcore>, window_params = [{transform_indices = #map}, {transform_indices = #map}, {transform_indices = #map}]} {
    %iota3A = tpu.iota {dimensions = array<i32: 0>} : vector<16xi32>
    %mul3A = arith.constant 2048 : i32
    %mul3A_0 = arith.muli %arg1, %mul3A : i32
    "tpu.region"() ({
      %run_scoped3A = tpu.sem_alloc : memref<!tpu.dma_semaphore, #tpu.memory_space<semaphore_mem>>
      %dma_start3A_751 = tpu.memref_slice %arg2[%mul3A_0] : memref<32768xi32, #tpu.memory_space<hbm>> -> memref<2048xi32, #tpu.memory_space<hbm>>
      %dma_start3A_752 = tpu.memref_slice %arg2[%mul3A_0] : memref<32768xi32, #tpu.memory_space<hbm>> -> memref<2048xi32, #tpu.memory_space<hbm>>
      tpu.enqueue_dma source(%dma_start3A_752 : memref<2048xi32, #tpu.memory_space<hbm>>) target(%arg6 : memref<2048xi32, #tpu.memory_space<vmem>>) target_semaphore(%run_scoped3A : memref<!tpu.dma_semaphore, #tpu.memory_space<semaphore_mem>>)
      %dma_wait3A_753 = tpu.memref_slice %arg2[%mul3A_0] : memref<32768xi32, #tpu.memory_space<hbm>> -> memref<2048xi32, #tpu.memory_space<hbm>>
      %dma_wait3A_754 = tpu.memref_slice %arg2[%mul3A_0] : memref<32768xi32, #tpu.memory_space<hbm>> -> memref<2048xi32, #tpu.memory_space<hbm>>
      tpu.wait_dma2 semaphore(%run_scoped3A : memref<!tpu.dma_semaphore, #tpu.memory_space<semaphore_mem>>) src(%dma_wait3A_754 : memref<2048xi32, #tpu.memory_space<hbm>>) dst(%arg6 : memref<2048xi32, #tpu.memory_space<vmem>>)
      tpu.yield
    }) : () -> ()
    "tpu.region"() ({
      %run_scoped3A = tpu.sem_alloc : memref<!tpu.dma_semaphore, #tpu.memory_space<semaphore_mem>>
      %dma_start3A_751 = tpu.memref_slice %arg3[%mul3A_0] : memref<32768xi32, #tpu.memory_space<hbm>> -> memref<2048xi32, #tpu.memory_space<hbm>>
      %dma_start3A_752 = tpu.memref_slice %arg3[%mul3A_0] : memref<32768xi32, #tpu.memory_space<hbm>> -> memref<2048xi32, #tpu.memory_space<hbm>>
      tpu.enqueue_dma source(%dma_start3A_752 : memref<2048xi32, #tpu.memory_space<hbm>>) target(%arg7 : memref<2048xi32, #tpu.memory_space<vmem>>) target_semaphore(%run_scoped3A : memref<!tpu.dma_semaphore, #tpu.memory_space<semaphore_mem>>)
      %dma_wait3A_753 = tpu.memref_slice %arg3[%mul3A_0] : memref<32768xi32, #tpu.memory_space<hbm>> -> memref<2048xi32, #tpu.memory_space<hbm>>
      %dma_wait3A_754 = tpu.memref_slice %arg3[%mul3A_0] : memref<32768xi32, #tpu.memory_space<hbm>> -> memref<2048xi32, #tpu.memory_space<hbm>>
      tpu.wait_dma2 semaphore(%run_scoped3A : memref<!tpu.dma_semaphore, #tpu.memory_space<semaphore_mem>>) src(%dma_wait3A_754 : memref<2048xi32, #tpu.memory_space<hbm>>) dst(%arg7 : memref<2048xi32, #tpu.memory_space<vmem>>)
      tpu.yield
    }) : () -> ()
    %scan3A = arith.constant 0 : i32
    %scan3A_1 = arith.constant 256 : i32
    %scan3A_2 = arith.addi %scan3A, %scan3A_1 : i32
    %scan3A_3 = arith.constant 1 : i32
    scf.for %scan3A_751 = %scan3A to %scan3A_2 step %scan3A_3  : i32 {
      %mul3A_752 = arith.constant 1 : i32
      %mul3A_753 = arith.muli %scan3A_751, %mul3A_752 : i32
      %add3A_754 = arith.constant 0 : i32
      %add3A_755 = arith.addi %add3A_754, %mul3A_753 : i32
      %broadcast_in_dim3A = arith.constant 0.000000e+00 : f32
      %broadcast_in_dim3A_756 = vector.broadcast %broadcast_in_dim3A : f32 to vector<16xf32>
      %mul3A_757 = arith.constant 16 : i32
      %mul3A_758 = arith.muli %add3A_755, %mul3A_757 : i32
      %swap3A = arith.index_cast %mul3A_758 : i32 to index
      %swap3A_759 = tpu.vector_load %arg11[%swap3A] {strides = array<i32>} : memref<4096xf32, #tpu.memory_space<vmem>>, vector<16xf32>,
      tpu.vector_store %arg11[%swap3A], %broadcast_in_dim3A_756 {strides = array<i32>} : memref<4096xf32, #tpu.memory_space<vmem>>, vector<16xf32>,
    }
    %scan3A_4 = arith.constant 256 : i32
    %mul3A_5 = arith.constant 1024 : i32
    %mul3A_6 = arith.muli %arg0, %mul3A_5 : i32
    %add3A = arith.constant 0 : i32
    %add3A_7 = arith.addi %mul3A_6, %add3A : i32
    %mul3A_8 = arith.constant 65536 : i32
    %mul3A_9 = arith.muli %arg1, %mul3A_8 : i32
    %add3A_10 = arith.constant 0 : i32
    %add3A_11 = arith.addi %mul3A_9, %add3A_10 : i32
    %dma_start3A = tpu.memref_slice %arg5[%add3A_11] : memref<1048576xf32, #tpu.memory_space<vmem_shared>> -> memref<4096xf32, #tpu.memory_space<vmem_shared>>
    %dma_start3A_12 = tpu.memref_slice %arg5[%add3A_11] : memref<1048576xf32, #tpu.memory_space<vmem_shared>> -> memref<4096xf32, #tpu.memory_space<vmem_shared>>
    tpu.enqueue_dma source(%arg11 : memref<4096xf32, #tpu.memory_space<vmem>>) target(%dma_start3A_12 : memref<4096xf32, #tpu.memory_space<vmem_shared>>) target_semaphore(%arg12 : memref<!tpu.dma_semaphore, #tpu.memory_space<semaphore_mem>>)
    %mul3A_13 = arith.constant 65536 : i32
    %mul3A_14 = arith.muli %arg1, %mul3A_13 : i32
    %add3A_15 = arith.constant 4096 : i32
    %add3A_16 = arith.addi %mul3A_14, %add3A_15 : i32
    %dma_start3A_17 = tpu.memref_slice %arg5[%add3A_16] : memref<1048576xf32, #tpu.memory_space<vmem_shared>> -> memref<4096xf32, #tpu.memory_space<vmem_shared>>
    %dma_start3A_18 = tpu.memref_slice %arg5[%add3A_16] : memref<1048576xf32, #tpu.memory_space<vmem_shared>> -> memref<4096xf32, #tpu.memory_space<vmem_shared>>
    tpu.enqueue_dma source(%arg11 : memref<4096xf32, #tpu.memory_space<vmem>>) target(%dma_start3A_18 : memref<4096xf32, #tpu.memory_space<vmem_shared>>) target_semaphore(%arg12 : memref<!tpu.dma_semaphore, #tpu.memory_space<semaphore_mem>>)
    %mul3A_19 = arith.constant 65536 : i32
    %mul3A_20 = arith.muli %arg1, %mul3A_19 : i32
    %add3A_21 = arith.constant 8192 : i32
    %add3A_22 = arith.addi %mul3A_20, %add3A_21 : i32
    %dma_start3A_23 = tpu.memref_slice %arg5[%add3A_22] : memref<1048576xf32, #tpu.memory_space<vmem_shared>> -> memref<4096xf32, #tpu.memory_space<vmem_shared>>
    %dma_start3A_24 = tpu.memref_slice %arg5[%add3A_22] : memref<1048576xf32, #tpu.memory_space<vmem_shared>> -> memref<4096xf32, #tpu.memory_space<vmem_shared>>
    tpu.enqueue_dma source(%arg11 : memref<4096xf32, #tpu.memory_space<vmem>>) target(%dma_start3A_24 : memref<4096xf32, #tpu.memory_space<vmem_shared>>) target_semaphore(%arg12 : memref<!tpu.dma_semaphore, #tpu.memory_space<semaphore_mem>>)
    %mul3A_25 = arith.constant 65536 : i32
    %mul3A_26 = arith.muli %arg1, %mul3A_25 : i32
    %add3A_27 = arith.constant 12288 : i32
    %add3A_28 = arith.addi %mul3A_26, %add3A_27 : i32
    %dma_start3A_29 = tpu.memref_slice %arg5[%add3A_28] : memref<1048576xf32, #tpu.memory_space<vmem_shared>> -> memref<4096xf32, #tpu.memory_space<vmem_shared>>
    %dma_start3A_30 = tpu.memref_slice %arg5[%add3A_28] : memref<1048576xf32, #tpu.memory_space<vmem_shared>> -> memref<4096xf32, #tpu.memory_space<vmem_shared>>
    tpu.enqueue_dma source(%arg11 : memref<4096xf32, #tpu.memory_space<vmem>>) target(%dma_start3A_30 : memref<4096xf32, #tpu.memory_space<vmem_shared>>) target_semaphore(%arg12 : memref<!tpu.dma_semaphore, #tpu.memory_space<semaphore_mem>>)
    %mul3A_31 = arith.constant 65536 : i32
    %mul3A_32 = arith.muli %arg1, %mul3A_31 : i32
    %add3A_33 = arith.constant 16384 : i32
    %add3A_34 = arith.addi %mul3A_32, %add3A_33 : i32
    %dma_start3A_35 = tpu.memref_slice %arg5[%add3A_34] : memref<1048576xf32, #tpu.memory_space<vmem_shared>> -> memref<4096xf32, #tpu.memory_space<vmem_shared>>
    %dma_start3A_36 = tpu.memref_slice %arg5[%add3A_34] : memref<1048576xf32, #tpu.memory_space<vmem_shared>> -> memref<4096xf32, #tpu.memory_space<vmem_shared>>
    tpu.enqueue_dma source(%arg11 : memref<4096xf32, #tpu.memory_space<vmem>>) target(%dma_start3A_36 : memref<4096xf32, #tpu.memory_space<vmem_shared>>) target_semaphore(%arg12 : memref<!tpu.dma_semaphore, #tpu.memory_space<semaphore_mem>>)
    %mul3A_37 = arith.constant 65536 : i32
    %mul3A_38 = arith.muli %arg1, %mul3A_37 : i32
    %add3A_39 = arith.constant 20480 : i32
    %add3A_40 = arith.addi %mul3A_38, %add3A_39 : i32
    %dma_start3A_41 = tpu.memref_slice %arg5[%add3A_40] : memref<1048576xf32, #tpu.memory_space<vmem_shared>> -> memref<4096xf32, #tpu.memory_space<vmem_shared>>
    %dma_start3A_42 = tpu.memref_slice %arg5[%add3A_40] : memref<1048576xf32, #tpu.memory_space<vmem_shared>> -> memref<4096xf32, #tpu.memory_space<vmem_shared>>
    tpu.enqueue_dma source(%arg11 : memref<4096xf32, #tpu.memory_space<vmem>>) target(%dma_start3A_42 : memref<4096xf32, #tpu.memory_space<vmem_shared>>) target_semaphore(%arg12 : memref<!tpu.dma_semaphore, #tpu.memory_space<semaphore_mem>>)
    %mul3A_43 = arith.constant 65536 : i32
    %mul3A_44 = arith.muli %arg1, %mul3A_43 : i32
    %add3A_45 = arith.constant 24576 : i32
    %add3A_46 = arith.addi %mul3A_44, %add3A_45 : i32
    %dma_start3A_47 = tpu.memref_slice %arg5[%add3A_46] : memref<1048576xf32, #tpu.memory_space<vmem_shared>> -> memref<4096xf32, #tpu.memory_space<vmem_shared>>
    %dma_start3A_48 = tpu.memref_slice %arg5[%add3A_46] : memref<1048576xf32, #tpu.memory_space<vmem_shared>> -> memref<4096xf32, #tpu.memory_space<vmem_shared>>
    tpu.enqueue_dma source(%arg11 : memref<4096xf32, #tpu.memory_space<vmem>>) target(%dma_start3A_48 : memref<4096xf32, #tpu.memory_space<vmem_shared>>) target_semaphore(%arg12 : memref<!tpu.dma_semaphore, #tpu.memory_space<semaphore_mem>>)
    %mul3A_49 = arith.constant 65536 : i32
    %mul3A_50 = arith.muli %arg1, %mul3A_49 : i32
    %add3A_51 = arith.constant 28672 : i32
    %add3A_52 = arith.addi %mul3A_50, %add3A_51 : i32
    %dma_start3A_53 = tpu.memref_slice %arg5[%add3A_52] : memref<1048576xf32, #tpu.memory_space<vmem_shared>> -> memref<4096xf32, #tpu.memory_space<vmem_shared>>
    %dma_start3A_54 = tpu.memref_slice %arg5[%add3A_52] : memref<1048576xf32, #tpu.memory_space<vmem_shared>> -> memref<4096xf32, #tpu.memory_space<vmem_shared>>
    tpu.enqueue_dma source(%arg11 : memref<4096xf32, #tpu.memory_space<vmem>>) target(%dma_start3A_54 : memref<4096xf32, #tpu.memory_space<vmem_shared>>) target_semaphore(%arg12 : memref<!tpu.dma_semaphore, #tpu.memory_space<semaphore_mem>>)
    %mul3A_55 = arith.constant 65536 : i32
    %mul3A_56 = arith.muli %arg1, %mul3A_55 : i32
    %add3A_57 = arith.constant 32768 : i32
    %add3A_58 = arith.addi %mul3A_56, %add3A_57 : i32
    %dma_start3A_59 = tpu.memref_slice %arg5[%add3A_58] : memref<1048576xf32, #tpu.memory_space<vmem_shared>> -> memref<4096xf32, #tpu.memory_space<vmem_shared>>
    %dma_start3A_60 = tpu.memref_slice %arg5[%add3A_58] : memref<1048576xf32, #tpu.memory_space<vmem_shared>> -> memref<4096xf32, #tpu.memory_space<vmem_shared>>
    tpu.enqueue_dma source(%arg11 : memref<4096xf32, #tpu.memory_space<vmem>>) target(%dma_start3A_60 : memref<4096xf32, #tpu.memory_space<vmem_shared>>) target_semaphore(%arg12 : memref<!tpu.dma_semaphore, #tpu.memory_space<semaphore_mem>>)
    %mul3A_61 = arith.constant 65536 : i32
    %mul3A_62 = arith.muli %arg1, %mul3A_61 : i32
    %add3A_63 = arith.constant 36864 : i32
    %add3A_64 = arith.addi %mul3A_62, %add3A_63 : i32
    %dma_start3A_65 = tpu.memref_slice %arg5[%add3A_64] : memref<1048576xf32, #tpu.memory_space<vmem_shared>> -> memref<4096xf32, #tpu.memory_space<vmem_shared>>
    %dma_start3A_66 = tpu.memref_slice %arg5[%add3A_64] : memref<1048576xf32, #tpu.memory_space<vmem_shared>> -> memref<4096xf32, #tpu.memory_space<vmem_shared>>
    tpu.enqueue_dma source(%arg11 : memref<4096xf32, #tpu.memory_space<vmem>>) target(%dma_start3A_66 : memref<4096xf32, #tpu.memory_space<vmem_shared>>) target_semaphore(%arg12 : memref<!tpu.dma_semaphore, #tpu.memory_space<semaphore_mem>>)
    %mul3A_67 = arith.constant 65536 : i32
    %mul3A_68 = arith.muli %arg1, %mul3A_67 : i32
    %add3A_69 = arith.constant 40960 : i32
    %add3A_70 = arith.addi %mul3A_68, %add3A_69 : i32
    %dma_start3A_71 = tpu.memref_slice %arg5[%add3A_70] : memref<1048576xf32, #tpu.memory_space<vmem_shared>> -> memref<4096xf32, #tpu.memory_space<vmem_shared>>
    %dma_start3A_72 = tpu.memref_slice %arg5[%add3A_70] : memref<1048576xf32, #tpu.memory_space<vmem_shared>> -> memref<4096xf32, #tpu.memory_space<vmem_shared>>
    tpu.enqueue_dma source(%arg11 : memref<4096xf32, #tpu.memory_space<vmem>>) target(%dma_start3A_72 : memref<4096xf32, #tpu.memory_space<vmem_shared>>) target_semaphore(%arg12 : memref<!tpu.dma_semaphore, #tpu.memory_space<semaphore_mem>>)
    %mul3A_73 = arith.constant 65536 : i32
    %mul3A_74 = arith.muli %arg1, %mul3A_73 : i32
    %add3A_75 = arith.constant 45056 : i32
    %add3A_76 = arith.addi %mul3A_74, %add3A_75 : i32
    %dma_start3A_77 = tpu.memref_slice %arg5[%add3A_76] : memref<1048576xf32, #tpu.memory_space<vmem_shared>> -> memref<4096xf32, #tpu.memory_space<vmem_shared>>
    %dma_start3A_78 = tpu.memref_slice %arg5[%add3A_76] : memref<1048576xf32, #tpu.memory_space<vmem_shared>> -> memref<4096xf32, #tpu.memory_space<vmem_shared>>
    tpu.enqueue_dma source(%arg11 : memref<4096xf32, #tpu.memory_space<vmem>>) target(%dma_start3A_78 : memref<4096xf32, #tpu.memory_space<vmem_shared>>) target_semaphore(%arg12 : memref<!tpu.dma_semaphore, #tpu.memory_space<semaphore_mem>>)
    %mul3A_79 = arith.constant 65536 : i32
    %mul3A_80 = arith.muli %arg1, %mul3A_79 : i32
    %add3A_81 = arith.constant 49152 : i32
    %add3A_82 = arith.addi %mul3A_80, %add3A_81 : i32
    %dma_start3A_83 = tpu.memref_slice %arg5[%add3A_82] : memref<1048576xf32, #tpu.memory_space<vmem_shared>> -> memref<4096xf32, #tpu.memory_space<vmem_shared>>
    %dma_start3A_84 = tpu.memref_slice %arg5[%add3A_82] : memref<1048576xf32, #tpu.memory_space<vmem_shared>> -> memref<4096xf32, #tpu.memory_space<vmem_shared>>
    tpu.enqueue_dma source(%arg11 : memref<4096xf32, #tpu.memory_space<vmem>>) target(%dma_start3A_84 : memref<4096xf32, #tpu.memory_space<vmem_shared>>) target_semaphore(%arg12 : memref<!tpu.dma_semaphore, #tpu.memory_space<semaphore_mem>>)
    %mul3A_85 = arith.constant 65536 : i32
    %mul3A_86 = arith.muli %arg1, %mul3A_85 : i32
    %add3A_87 = arith.constant 53248 : i32
    %add3A_88 = arith.addi %mul3A_86, %add3A_87 : i32
    %dma_start3A_89 = tpu.memref_slice %arg5[%add3A_88] : memref<1048576xf32, #tpu.memory_space<vmem_shared>> -> memref<4096xf32, #tpu.memory_space<vmem_shared>>
    %dma_start3A_90 = tpu.memref_slice %arg5[%add3A_88] : memref<1048576xf32, #tpu.memory_space<vmem_shared>> -> memref<4096xf32, #tpu.memory_space<vmem_shared>>
    tpu.enqueue_dma source(%arg11 : memref<4096xf32, #tpu.memory_space<vmem>>) target(%dma_start3A_90 : memref<4096xf32, #tpu.memory_space<vmem_shared>>) target_semaphore(%arg12 : memref<!tpu.dma_semaphore, #tpu.memory_space<semaphore_mem>>)
    %mul3A_91 = arith.constant 65536 : i32
    %mul3A_92 = arith.muli %arg1, %mul3A_91 : i32
    %add3A_93 = arith.constant 57344 : i32
    %add3A_94 = arith.addi %mul3A_92, %add3A_93 : i32
    %dma_start3A_95 = tpu.memref_slice %arg5[%add3A_94] : memref<1048576xf32, #tpu.memory_space<vmem_shared>> -> memref<4096xf32, #tpu.memory_space<vmem_shared>>
    %dma_start3A_96 = tpu.memref_slice %arg5[%add3A_94] : memref<1048576xf32, #tpu.memory_space<vmem_shared>> -> memref<4096xf32, #tpu.memory_space<vmem_shared>>
    tpu.enqueue_dma source(%arg11 : memref<4096xf32, #tpu.memory_space<vmem>>) target(%dma_start3A_96 : memref<4096xf32, #tpu.memory_space<vmem_shared>>) target_semaphore(%arg12 : memref<!tpu.dma_semaphore, #tpu.memory_space<semaphore_mem>>)
    %mul3A_97 = arith.constant 65536 : i32
    %mul3A_98 = arith.muli %arg1, %mul3A_97 : i32
    %add3A_99 = arith.constant 61440 : i32
    %add3A_100 = arith.addi %mul3A_98, %add3A_99 : i32
    %dma_start3A_101 = tpu.memref_slice %arg5[%add3A_100] : memref<1048576xf32, #tpu.memory_space<vmem_shared>> -> memref<4096xf32, #tpu.memory_space<vmem_shared>>
    %dma_start3A_102 = tpu.memref_slice %arg5[%add3A_100] : memref<1048576xf32, #tpu.memory_space<vmem_shared>> -> memref<4096xf32, #tpu.memory_space<vmem_shared>>
    tpu.enqueue_dma source(%arg11 : memref<4096xf32, #tpu.memory_space<vmem>>) target(%dma_start3A_102 : memref<4096xf32, #tpu.memory_space<vmem_shared>>) target_semaphore(%arg12 : memref<!tpu.dma_semaphore, #tpu.memory_space<semaphore_mem>>)
    %dma_wait3A = tpu.memref_slice %arg5[%add3A_11] : memref<1048576xf32, #tpu.memory_space<vmem_shared>> -> memref<4096xf32, #tpu.memory_space<vmem_shared>>
    %dma_wait3A_103 = tpu.memref_slice %arg5[%add3A_11] : memref<1048576xf32, #tpu.memory_space<vmem_shared>> -> memref<4096xf32, #tpu.memory_space<vmem_shared>>
    tpu.wait_dma2 semaphore(%arg12 : memref<!tpu.dma_semaphore, #tpu.memory_space<semaphore_mem>>) src(%arg11 : memref<4096xf32, #tpu.memory_space<vmem>>) dst(%dma_wait3A_103 : memref<4096xf32, #tpu.memory_space<vmem_shared>>)
    %dma_wait3A_104 = tpu.memref_slice %arg5[%add3A_16] : memref<1048576xf32, #tpu.memory_space<vmem_shared>> -> memref<4096xf32, #tpu.memory_space<vmem_shared>>
    %dma_wait3A_105 = tpu.memref_slice %arg5[%add3A_16] : memref<1048576xf32, #tpu.memory_space<vmem_shared>> -> memref<4096xf32, #tpu.memory_space<vmem_shared>>
    tpu.wait_dma2 semaphore(%arg12 : memref<!tpu.dma_semaphore, #tpu.memory_space<semaphore_mem>>) src(%arg11 : memref<4096xf32, #tpu.memory_space<vmem>>) dst(%dma_wait3A_105 : memref<4096xf32, #tpu.memory_space<vmem_shared>>)
    %dma_wait3A_106 = tpu.memref_slice %arg5[%add3A_22] : memref<1048576xf32, #tpu.memory_space<vmem_shared>> -> memref<4096xf32, #tpu.memory_space<vmem_shared>>
    %dma_wait3A_107 = tpu.memref_slice %arg5[%add3A_22] : memref<1048576xf32, #tpu.memory_space<vmem_shared>> -> memref<4096xf32, #tpu.memory_space<vmem_shared>>
    tpu.wait_dma2 semaphore(%arg12 : memref<!tpu.dma_semaphore, #tpu.memory_space<semaphore_mem>>) src(%arg11 : memref<4096xf32, #tpu.memory_space<vmem>>) dst(%dma_wait3A_107 : memref<4096xf32, #tpu.memory_space<vmem_shared>>)
    %dma_wait3A_108 = tpu.memref_slice %arg5[%add3A_28] : memref<1048576xf32, #tpu.memory_space<vmem_shared>> -> memref<4096xf32, #tpu.memory_space<vmem_shared>>
    %dma_wait3A_109 = tpu.memref_slice %arg5[%add3A_28] : memref<1048576xf32, #tpu.memory_space<vmem_shared>> -> memref<4096xf32, #tpu.memory_space<vmem_shared>>
    tpu.wait_dma2 semaphore(%arg12 : memref<!tpu.dma_semaphore, #tpu.memory_space<semaphore_mem>>) src(%arg11 : memref<4096xf32, #tpu.memory_space<vmem>>) dst(%dma_wait3A_109 : memref<4096xf32, #tpu.memory_space<vmem_shared>>)
    %dma_wait3A_110 = tpu.memref_slice %arg5[%add3A_34] : memref<1048576xf32, #tpu.memory_space<vmem_shared>> -> memref<4096xf32, #tpu.memory_space<vmem_shared>>
    %dma_wait3A_111 = tpu.memref_slice %arg5[%add3A_34] : memref<1048576xf32, #tpu.memory_space<vmem_shared>> -> memref<4096xf32, #tpu.memory_space<vmem_shared>>
    tpu.wait_dma2 semaphore(%arg12 : memref<!tpu.dma_semaphore, #tpu.memory_space<semaphore_mem>>) src(%arg11 : memref<4096xf32, #tpu.memory_space<vmem>>) dst(%dma_wait3A_111 : memref<4096xf32, #tpu.memory_space<vmem_shared>>)
    %dma_wait3A_112 = tpu.memref_slice %arg5[%add3A_40] : memref<1048576xf32, #tpu.memory_space<vmem_shared>> -> memref<4096xf32, #tpu.memory_space<vmem_shared>>
    %dma_wait3A_113 = tpu.memref_slice %arg5[%add3A_40] : memref<1048576xf32, #tpu.memory_space<vmem_shared>> -> memref<4096xf32, #tpu.memory_space<vmem_shared>>
    tpu.wait_dma2 semaphore(%arg12 : memref<!tpu.dma_semaphore, #tpu.memory_space<semaphore_mem>>) src(%arg11 : memref<4096xf32, #tpu.memory_space<vmem>>) dst(%dma_wait3A_113 : memref<4096xf32, #tpu.memory_space<vmem_shared>>)
    %dma_wait3A_114 = tpu.memref_slice %arg5[%add3A_46] : memref<1048576xf32, #tpu.memory_space<vmem_shared>> -> memref<4096xf32, #tpu.memory_space<vmem_shared>>
    %dma_wait3A_115 = tpu.memref_slice %arg5[%add3A_46] : memref<1048576xf32, #tpu.memory_space<vmem_shared>> -> memref<4096xf32, #tpu.memory_space<vmem_shared>>
    tpu.wait_dma2 semaphore(%arg12 : memref<!tpu.dma_semaphore, #tpu.memory_space<semaphore_mem>>) src(%arg11 : memref<4096xf32, #tpu.memory_space<vmem>>) dst(%dma_wait3A_115 : memref<4096xf32, #tpu.memory_space<vmem_shared>>)
    %dma_wait3A_116 = tpu.memref_slice %arg5[%add3A_52] : memref<1048576xf32, #tpu.memory_space<vmem_shared>> -> memref<4096xf32, #tpu.memory_space<vmem_shared>>
    %dma_wait3A_117 = tpu.memref_slice %arg5[%add3A_52] : memref<1048576xf32, #tpu.memory_space<vmem_shared>> -> memref<4096xf32, #tpu.memory_space<vmem_shared>>
    tpu.wait_dma2 semaphore(%arg12 : memref<!tpu.dma_semaphore, #tpu.memory_space<semaphore_mem>>) src(%arg11 : memref<4096xf32, #tpu.memory_space<vmem>>) dst(%dma_wait3A_117 : memref<4096xf32, #tpu.memory_space<vmem_shared>>)
    %dma_wait3A_118 = tpu.memref_slice %arg5[%add3A_58] : memref<1048576xf32, #tpu.memory_space<vmem_shared>> -> memref<4096xf32, #tpu.memory_space<vmem_shared>>
    %dma_wait3A_119 = tpu.memref_slice %arg5[%add3A_58] : memref<1048576xf32, #tpu.memory_space<vmem_shared>> -> memref<4096xf32, #tpu.memory_space<vmem_shared>>
    tpu.wait_dma2 semaphore(%arg12 : memref<!tpu.dma_semaphore, #tpu.memory_space<semaphore_mem>>) src(%arg11 : memref<4096xf32, #tpu.memory_space<vmem>>) dst(%dma_wait3A_119 : memref<4096xf32, #tpu.memory_space<vmem_shared>>)
    %dma_wait3A_120 = tpu.memref_slice %arg5[%add3A_64] : memref<1048576xf32, #tpu.memory_space<vmem_shared>> -> memref<4096xf32, #tpu.memory_space<vmem_shared>>
    %dma_wait3A_121 = tpu.memref_slice %arg5[%add3A_64] : memref<1048576xf32, #tpu.memory_space<vmem_shared>> -> memref<4096xf32, #tpu.memory_space<vmem_shared>>
    tpu.wait_dma2 semaphore(%arg12 : memref<!tpu.dma_semaphore, #tpu.memory_space<semaphore_mem>>) src(%arg11 : memref<4096xf32, #tpu.memory_space<vmem>>) dst(%dma_wait3A_121 : memref<4096xf32, #tpu.memory_space<vmem_shared>>)
    %dma_wait3A_122 = tpu.memref_slice %arg5[%add3A_70] : memref<1048576xf32, #tpu.memory_space<vmem_shared>> -> memref<4096xf32, #tpu.memory_space<vmem_shared>>
    %dma_wait3A_123 = tpu.memref_slice %arg5[%add3A_70] : memref<1048576xf32, #tpu.memory_space<vmem_shared>> -> memref<4096xf32, #tpu.memory_space<vmem_shared>>
    tpu.wait_dma2 semaphore(%arg12 : memref<!tpu.dma_semaphore, #tpu.memory_space<semaphore_mem>>) src(%arg11 : memref<4096xf32, #tpu.memory_space<vmem>>) dst(%dma_wait3A_123 : memref<4096xf32, #tpu.memory_space<vmem_shared>>)
    %dma_wait3A_124 = tpu.memref_slice %arg5[%add3A_76] : memref<1048576xf32, #tpu.memory_space<vmem_shared>> -> memref<4096xf32, #tpu.memory_space<vmem_shared>>
    %dma_wait3A_125 = tpu.memref_slice %arg5[%add3A_76] : memref<1048576xf32, #tpu.memory_space<vmem_shared>> -> memref<4096xf32, #tpu.memory_space<vmem_shared>>
    tpu.wait_dma2 semaphore(%arg12 : memref<!tpu.dma_semaphore, #tpu.memory_space<semaphore_mem>>) src(%arg11 : memref<4096xf32, #tpu.memory_space<vmem>>) dst(%dma_wait3A_125 : memref<4096xf32, #tpu.memory_space<vmem_shared>>)
    %dma_wait3A_126 = tpu.memref_slice %arg5[%add3A_82] : memref<1048576xf32, #tpu.memory_space<vmem_shared>> -> memref<4096xf32, #tpu.memory_space<vmem_shared>>
    %dma_wait3A_127 = tpu.memref_slice %arg5[%add3A_82] : memref<1048576xf32, #tpu.memory_space<vmem_shared>> -> memref<4096xf32, #tpu.memory_space<vmem_shared>>
    tpu.wait_dma2 semaphore(%arg12 : memref<!tpu.dma_semaphore, #tpu.memory_space<semaphore_mem>>) src(%arg11 : memref<4096xf32, #tpu.memory_space<vmem>>) dst(%dma_wait3A_127 : memref<4096xf32, #tpu.memory_space<vmem_shared>>)
    %dma_wait3A_128 = tpu.memref_slice %arg5[%add3A_88] : memref<1048576xf32, #tpu.memory_space<vmem_shared>> -> memref<4096xf32, #tpu.memory_space<vmem_shared>>
    %dma_wait3A_129 = tpu.memref_slice %arg5[%add3A_88] : memref<1048576xf32, #tpu.memory_space<vmem_shared>> -> memref<4096xf32, #tpu.memory_space<vmem_shared>>
    tpu.wait_dma2 semaphore(%arg12 : memref<!tpu.dma_semaphore, #tpu.memory_space<semaphore_mem>>) src(%arg11 : memref<4096xf32, #tpu.memory_space<vmem>>) dst(%dma_wait3A_129 : memref<4096xf32, #tpu.memory_space<vmem_shared>>)
    %dma_wait3A_130 = tpu.memref_slice %arg5[%add3A_94] : memref<1048576xf32, #tpu.memory_space<vmem_shared>> -> memref<4096xf32, #tpu.memory_space<vmem_shared>>
    %dma_wait3A_131 = tpu.memref_slice %arg5[%add3A_94] : memref<1048576xf32, #tpu.memory_space<vmem_shared>> -> memref<4096xf32, #tpu.memory_space<vmem_shared>>
    tpu.wait_dma2 semaphore(%arg12 : memref<!tpu.dma_semaphore, #tpu.memory_space<semaphore_mem>>) src(%arg11 : memref<4096xf32, #tpu.memory_space<vmem>>) dst(%dma_wait3A_131 : memref<4096xf32, #tpu.memory_space<vmem_shared>>)
    %dma_wait3A_132 = tpu.memref_slice %arg5[%add3A_100] : memref<1048576xf32, #tpu.memory_space<vmem_shared>> -> memref<4096xf32, #tpu.memory_space<vmem_shared>>
    %dma_wait3A_133 = tpu.memref_slice %arg5[%add3A_100] : memref<1048576xf32, #tpu.memory_space<vmem_shared>> -> memref<4096xf32, #tpu.memory_space<vmem_shared>>
    tpu.wait_dma2 semaphore(%arg12 : memref<!tpu.dma_semaphore, #tpu.memory_space<semaphore_mem>>) src(%arg11 : memref<4096xf32, #tpu.memory_space<vmem>>) dst(%dma_wait3A_133 : memref<4096xf32, #tpu.memory_space<vmem_shared>>)
    %barrier3A = arith.constant 0 : index
    tpu.barrier barrier_id(%barrier3A)
    %scan3A_134 = arith.constant 0 : i32
    %scan3A_135 = arith.constant 0 : i32
    %scan3A_136 = arith.constant 128 : i32
    %scan3A_137 = arith.addi %scan3A_135, %scan3A_136 : i32
    %scan3A_138 = arith.constant 1 : i32
    %scan3A_139 = scf.for %scan3A_751 = %scan3A_135 to %scan3A_137 step %scan3A_138 iter_args(%scan3A_752 = %scan3A_134) -> (i32)  : i32 {
      %mul3A_753 = arith.constant 16 : i32
      %mul3A_754 = arith.muli %scan3A_751, %mul3A_753 : i32
      %get3A = arith.index_cast %mul3A_754 : i32 to index
      %get3A_755 = tpu.vector_load %arg6[%get3A] {strides = array<i32>} : memref<2048xi32, #tpu.memory_space<vmem>>, vector<16xi32>,
      %mul3A_756 = arith.constant 16 : i32
      %mul3A_757 = arith.muli %scan3A_751, %mul3A_756 : i32
      %get3A_758 = arith.index_cast %mul3A_757 : i32 to index
      %get3A_759 = tpu.vector_load %arg7[%get3A_758] {strides = array<i32>} : memref<2048xi32, #tpu.memory_space<vmem>>, vector<16xi32>,
      %sub3A = vector.broadcast %add3A_7 : i32 to vector<16xi32>
      %sub3A_760 = arith.subi %get3A_759, %sub3A : vector<16xi32>
      %ge3A = arith.constant 0 : i32
      %ge3A_761 = vector.broadcast %ge3A : i32 to vector<16xi32>
      %ge3A_762 = arith.cmpi sge, %sub3A_760, %ge3A_761 : vector<16xi32>
      %lt3A_763 = arith.constant 512 : i32
      %lt3A_764 = vector.broadcast %lt3A_763 : i32 to vector<16xi32>
      %lt3A_765 = arith.cmpi slt, %sub3A_760, %lt3A_764 : vector<16xi32>
      %and3A = arith.andi %ge3A_762, %lt3A_765 : vector<16xi1>
      %mul3A_766 = arith.constant 2048 : i32
      %mul3A_767 = vector.broadcast %mul3A_766 : i32 to vector<16xi32>
      %mul3A_768 = arith.muli %sub3A_760, %mul3A_767 : vector<16xi32>
      %add3A_769 = arith.addi %mul3A_768, %get3A_755 : vector<16xi32>
      %swap3A = arith.index_cast %scan3A_752 : i32 to index
      %swap3A_770 = tpu.vector_load %arg10[%swap3A] masked %and3A {strides = array<i32>} : memref<2064xi32, #tpu.memory_space<vmem>>, vector<16xi32>, vector<16xi1>
      tpu.vector_store %arg10[%swap3A], %add3A_769 masked %and3A {strides = array<i32>} : memref<2064xi32, #tpu.memory_space<vmem>>, vector<16xi32>, vector<16xi1>
      %jit3A = arith.constant 1 : i32
      %jit3A_771 = arith.constant 0 : i32
      %broadcast_in_dim3A = vector.broadcast %jit3A : i32 to vector<16xi32>
      %broadcast_in_dim3A_772 = vector.broadcast %jit3A_771 : i32 to vector<16xi32>
      %select_n3A = arith.select %and3A, %broadcast_in_dim3A, %broadcast_in_dim3A_772 : vector<16xi1>, vector<16xi32>
      %reduce_sum3A = arith.constant true
      %reduce_sum3A_773 = vector.broadcast %reduce_sum3A : i1 to vector<16xi1>
      %reduce_sum3A_774 = tpu.scan <sum>, %select_n3A masked %reduce_sum3A_773 : vector<16xi32>, vector<16xi1> -> vector<16xi32>
      %reduce_sum3A_775 = vector.extract %reduce_sum3A_774[15] : i32 from vector<16xi32>
      %add3A_776 = arith.addi %scan3A_752, %reduce_sum3A_775 : i32
      scf.yield %add3A_776 : i32
    }
    %scan3A_140 = arith.constant 128 : i32
    %add3A_141 = arith.constant 127 : i32
    %add3A_142 = arith.addi %scan3A_139, %add3A_141 : i32
    %div3A = arith.constant 128 : i32
    %div3A_143 = arith.divsi %add3A_142, %div3A : i32
    %mul3A_144 = arith.constant 128 : i32
    %mul3A_145 = arith.muli %div3A_143, %mul3A_144 : i32
    %add3A_146 = arith.constant 0 : i32
    %add3A_147 = arith.addi %scan3A_139, %add3A_146 : i32
    %lt3A = arith.cmpi slt, %add3A_147, %mul3A_145 : i32
    %convert_element_type3A = arith.extui %lt3A : i1 to i32
    %cond3A = arith.constant 0 : i32
    %cond3A_148 = arith.cmpi ne, %convert_element_type3A, %cond3A : i32
    scf.if %cond3A_148 {
      %broadcast_in_dim3A = arith.constant 0 : i32
      %broadcast_in_dim3A_751 = vector.broadcast %broadcast_in_dim3A : i32 to vector<16xi32>
      %add3A_752 = arith.constant 0 : i32
      %add3A_753 = arith.addi %scan3A_139, %add3A_752 : i32
      %swap3A = arith.index_cast %add3A_753 : i32 to index
      %swap3A_754 = tpu.vector_load %arg10[%swap3A] {strides = array<i32>} : memref<2064xi32, #tpu.memory_space<vmem>>, vector<16xi32>,
      tpu.vector_store %arg10[%swap3A], %broadcast_in_dim3A_751 {strides = array<i32>} : memref<2064xi32, #tpu.memory_space<vmem>>, vector<16xi32>,
    } else {
    }
    %add3A_149 = arith.constant 16 : i32
    %add3A_150 = arith.addi %scan3A_139, %add3A_149 : i32
    %lt3A_151 = arith.cmpi slt, %add3A_150, %mul3A_145 : i32
    %convert_element_type3A_152 = arith.extui %lt3A_151 : i1 to i32
    %cond3A_153 = arith.constant 0 : i32
    %cond3A_154 = arith.cmpi ne, %convert_element_type3A_152, %cond3A_153 : i32
    scf.if %cond3A_154 {
      %broadcast_in_dim3A = arith.constant 0 : i32
      %broadcast_in_dim3A_751 = vector.broadcast %broadcast_in_dim3A : i32 to vector<16xi32>
      %add3A_752 = arith.constant 16 : i32
      %add3A_753 = arith.addi %scan3A_139, %add3A_752 : i32
      %swap3A = arith.index_cast %add3A_753 : i32 to index
      %swap3A_754 = tpu.vector_load %arg10[%swap3A] {strides = array<i32>} : memref<2064xi32, #tpu.memory_space<vmem>>, vector<16xi32>,
      tpu.vector_store %arg10[%swap3A], %broadcast_in_dim3A_751 {strides = array<i32>} : memref<2064xi32, #tpu.memory_space<vmem>>, vector<16xi32>,
    } else {
    }
    %add3A_155 = arith.constant 32 : i32
    %add3A_156 = arith.addi %scan3A_139, %add3A_155 : i32
    %lt3A_157 = arith.cmpi slt, %add3A_156, %mul3A_145 : i32
    %convert_element_type3A_158 = arith.extui %lt3A_157 : i1 to i32
    %cond3A_159 = arith.constant 0 : i32
    %cond3A_160 = arith.cmpi ne, %convert_element_type3A_158, %cond3A_159 : i32
    scf.if %cond3A_160 {
      %broadcast_in_dim3A = arith.constant 0 : i32
      %broadcast_in_dim3A_751 = vector.broadcast %broadcast_in_dim3A : i32 to vector<16xi32>
      %add3A_752 = arith.constant 32 : i32
      %add3A_753 = arith.addi %scan3A_139, %add3A_752 : i32
      %swap3A = arith.index_cast %add3A_753 : i32 to index
      %swap3A_754 = tpu.vector_load %arg10[%swap3A] {strides = array<i32>} : memref<2064xi32, #tpu.memory_space<vmem>>, vector<16xi32>,
      tpu.vector_store %arg10[%swap3A], %broadcast_in_dim3A_751 {strides = array<i32>} : memref<2064xi32, #tpu.memory_space<vmem>>, vector<16xi32>,
    } else {
    }
    %add3A_161 = arith.constant 48 : i32
    %add3A_162 = arith.addi %scan3A_139, %add3A_161 : i32
    %lt3A_163 = arith.cmpi slt, %add3A_162, %mul3A_145 : i32
    %convert_element_type3A_164 = arith.extui %lt3A_163 : i1 to i32
    %cond3A_165 = arith.constant 0 : i32
    %cond3A_166 = arith.cmpi ne, %convert_element_type3A_164, %cond3A_165 : i32
    scf.if %cond3A_166 {
      %broadcast_in_dim3A = arith.constant 0 : i32
      %broadcast_in_dim3A_751 = vector.broadcast %broadcast_in_dim3A : i32 to vector<16xi32>
      %add3A_752 = arith.constant 48 : i32
      %add3A_753 = arith.addi %scan3A_139, %add3A_752 : i32
      %swap3A = arith.index_cast %add3A_753 : i32 to index
      %swap3A_754 = tpu.vector_load %arg10[%swap3A] {strides = array<i32>} : memref<2064xi32, #tpu.memory_space<vmem>>, vector<16xi32>,
      tpu.vector_store %arg10[%swap3A], %broadcast_in_dim3A_751 {strides = array<i32>} : memref<2064xi32, #tpu.memory_space<vmem>>, vector<16xi32>,
    } else {
    }
    %add3A_167 = arith.constant 64 : i32
    %add3A_168 = arith.addi %scan3A_139, %add3A_167 : i32
    %lt3A_169 = arith.cmpi slt, %add3A_168, %mul3A_145 : i32
    %convert_element_type3A_170 = arith.extui %lt3A_169 : i1 to i32
    %cond3A_171 = arith.constant 0 : i32
    %cond3A_172 = arith.cmpi ne, %convert_element_type3A_170, %cond3A_171 : i32
    scf.if %cond3A_172 {
      %broadcast_in_dim3A = arith.constant 0 : i32
      %broadcast_in_dim3A_751 = vector.broadcast %broadcast_in_dim3A : i32 to vector<16xi32>
      %add3A_752 = arith.constant 64 : i32
      %add3A_753 = arith.addi %scan3A_139, %add3A_752 : i32
      %swap3A = arith.index_cast %add3A_753 : i32 to index
      %swap3A_754 = tpu.vector_load %arg10[%swap3A] {strides = array<i32>} : memref<2064xi32, #tpu.memory_space<vmem>>, vector<16xi32>,
      tpu.vector_store %arg10[%swap3A], %broadcast_in_dim3A_751 {strides = array<i32>} : memref<2064xi32, #tpu.memory_space<vmem>>, vector<16xi32>,
    } else {
    }
    %add3A_173 = arith.constant 80 : i32
    %add3A_174 = arith.addi %scan3A_139, %add3A_173 : i32
    %lt3A_175 = arith.cmpi slt, %add3A_174, %mul3A_145 : i32
    %convert_element_type3A_176 = arith.extui %lt3A_175 : i1 to i32
    %cond3A_177 = arith.constant 0 : i32
    %cond3A_178 = arith.cmpi ne, %convert_element_type3A_176, %cond3A_177 : i32
    scf.if %cond3A_178 {
      %broadcast_in_dim3A = arith.constant 0 : i32
      %broadcast_in_dim3A_751 = vector.broadcast %broadcast_in_dim3A : i32 to vector<16xi32>
      %add3A_752 = arith.constant 80 : i32
      %add3A_753 = arith.addi %scan3A_139, %add3A_752 : i32
      %swap3A = arith.index_cast %add3A_753 : i32 to index
      %swap3A_754 = tpu.vector_load %arg10[%swap3A] {strides = array<i32>} : memref<2064xi32, #tpu.memory_space<vmem>>, vector<16xi32>,
      tpu.vector_store %arg10[%swap3A], %broadcast_in_dim3A_751 {strides = array<i32>} : memref<2064xi32, #tpu.memory_space<vmem>>, vector<16xi32>,
    } else {
    }
    %add3A_179 = arith.constant 96 : i32
    %add3A_180 = arith.addi %scan3A_139, %add3A_179 : i32
    %lt3A_181 = arith.cmpi slt, %add3A_180, %mul3A_145 : i32
    %convert_element_type3A_182 = arith.extui %lt3A_181 : i1 to i32
    %cond3A_183 = arith.constant 0 : i32
    %cond3A_184 = arith.cmpi ne, %convert_element_type3A_182, %cond3A_183 : i32
    scf.if %cond3A_184 {
      %broadcast_in_dim3A = arith.constant 0 : i32
      %broadcast_in_dim3A_751 = vector.broadcast %broadcast_in_dim3A : i32 to vector<16xi32>
      %add3A_752 = arith.constant 96 : i32
      %add3A_753 = arith.addi %scan3A_139, %add3A_752 : i32
      %swap3A = arith.index_cast %add3A_753 : i32 to index
      %swap3A_754 = tpu.vector_load %arg10[%swap3A] {strides = array<i32>} : memref<2064xi32, #tpu.memory_space<vmem>>, vector<16xi32>,
      tpu.vector_store %arg10[%swap3A], %broadcast_in_dim3A_751 {strides = array<i32>} : memref<2064xi32, #tpu.memory_space<vmem>>, vector<16xi32>,
    } else {
    }
    %add3A_185 = arith.constant 112 : i32
    %add3A_186 = arith.addi %scan3A_139, %add3A_185 : i32
    %lt3A_187 = arith.cmpi slt, %add3A_186, %mul3A_145 : i32
    %convert_element_type3A_188 = arith.extui %lt3A_187 : i1 to i32
    %cond3A_189 = arith.constant 0 : i32
    %cond3A_190 = arith.cmpi ne, %convert_element_type3A_188, %cond3A_189 : i32
    scf.if %cond3A_190 {
      %broadcast_in_dim3A = arith.constant 0 : i32
      %broadcast_in_dim3A_751 = vector.broadcast %broadcast_in_dim3A : i32 to vector<16xi32>
      %add3A_752 = arith.constant 112 : i32
      %add3A_753 = arith.addi %scan3A_139, %add3A_752 : i32
      %swap3A = arith.index_cast %add3A_753 : i32 to index
      %swap3A_754 = tpu.vector_load %arg10[%swap3A] {strides = array<i32>} : memref<2064xi32, #tpu.memory_space<vmem>>, vector<16xi32>,
      tpu.vector_store %arg10[%swap3A], %broadcast_in_dim3A_751 {strides = array<i32>} : memref<2064xi32, #tpu.memory_space<vmem>>, vector<16xi32>,
    } else {
    }
    %div3A_191 = arith.constant 16 : i32
    %div3A_192 = arith.divsi %mul3A_145, %div3A_191 : i32
    %while3A = arith.constant 0 : i32
    %while3A_193 = arith.constant 0 : i32
    %while3A_194 = arith.subi %div3A_192, %while3A : i32
    %while3A_195 = arith.addi %while3A, %while3A_194 : i32
    %while3A_196 = arith.constant 1 : i32
    %while3A_197 = arith.divsi %while3A_194, %while3A_196 : i32
    %while3A_198 = arith.muli %while3A_197, %while3A_196 : i32
    %while3A_199 = arith.addi %while3A, %while3A_198 : i32
    %while3A_200 = arith.constant 1 : i32
    %while3A_201 = scf.for %while3A_751 = %while3A to %while3A_199 step %while3A_200 iter_args(%while3A_752 = %while3A_193) -> (i32)  : i32 {
      %div3A_753 = arith.constant 8 : i32
      %div3A_754 = arith.divsi %while3A_751, %div3A_753 : i32
      %rem3A = arith.constant 8 : i32
      %rem3A_755 = arith.remsi %while3A_751, %rem3A : i32
      %mul3A_756 = arith.constant 16 : i32
      %mul3A_757 = arith.muli %while3A_751, %mul3A_756 : i32
      %get3A = arith.index_cast %mul3A_757 : i32 to index
      %get3A_758 = tpu.vector_load %arg10[%get3A] {strides = array<i32>} : memref<2064xi32, #tpu.memory_space<vmem>>, vector<16xi32>,
      %mul3A_759 = arith.constant 16 : i32
      %mul3A_760 = arith.muli %rem3A_755, %mul3A_759 : i32
      %swap3A = arith.index_cast %div3A_754 : i32 to index
      %swap3A_761 = arith.index_cast %mul3A_760 : i32 to index
      %swap3A_762 = tpu.vector_load %arg8[%swap3A, %swap3A_761] {strides = array<i32>} : memref<16x128xi32, #tpu.memory_space<vmem>>, vector<16xi32>,
      tpu.vector_store %arg8[%swap3A, %swap3A_761], %get3A_758 {strides = array<i32>} : memref<16x128xi32, #tpu.memory_space<vmem>>, vector<16xi32>,
      %mul3A_763 = arith.constant 16 : i32
      %mul3A_764 = arith.muli %while3A_751, %mul3A_763 : i32
      %add3A_765 = vector.broadcast %mul3A_764 : i32 to vector<16xi32>
      %add3A_766 = arith.addi %add3A_765, %iota3A : vector<16xi32>
      %lt3A_767 = vector.broadcast %scan3A_139 : i32 to vector<16xi32>
      %lt3A_768 = arith.cmpi slt, %add3A_766, %lt3A_767 : vector<16xi32>
      %jit3A = arith.constant 1.000000e+00 : f32
      %jit3A_769 = arith.constant 0.000000e+00 : f32
      %broadcast_in_dim3A = vector.broadcast %jit3A : f32 to vector<16xf32>
      %broadcast_in_dim3A_770 = vector.broadcast %jit3A_769 : f32 to vector<16xf32>
      %select_n3A = arith.select %lt3A_768, %broadcast_in_dim3A, %broadcast_in_dim3A_770 : vector<16xi1>, vector<16xf32>
      %mul3A_771 = arith.constant 16 : i32
      %mul3A_772 = arith.muli %rem3A_755, %mul3A_771 : i32
      %swap3A_773 = arith.index_cast %div3A_754 : i32 to index
      %swap3A_774 = arith.index_cast %mul3A_772 : i32 to index
      %swap3A_775 = tpu.vector_load %arg9[%swap3A_773, %swap3A_774] {strides = array<i32>} : memref<16x128xf32, #tpu.memory_space<vmem>>, vector<16xf32>,
      tpu.vector_store %arg9[%swap3A_773, %swap3A_774], %select_n3A {strides = array<i32>} : memref<16x128xf32, #tpu.memory_space<vmem>>, vector<16xf32>,
      %while3A_776 = arith.constant 0 : i32
      scf.yield %while3A_776 : i32
    }
    %while3A_202 = arith.constant 1 : i32
    %while3A_203 = scf.for %while3A_751 = %while3A_199 to %while3A_195 step %while3A_202 iter_args(%while3A_752 = %while3A_201) -> (i32)  : i32 {
      %div3A_753 = arith.constant 8 : i32
      %div3A_754 = arith.divsi %while3A_751, %div3A_753 : i32
      %rem3A = arith.constant 8 : i32
      %rem3A_755 = arith.remsi %while3A_751, %rem3A : i32
      %mul3A_756 = arith.constant 16 : i32
      %mul3A_757 = arith.muli %while3A_751, %mul3A_756 : i32
      %get3A = arith.index_cast %mul3A_757 : i32 to index
      %get3A_758 = tpu.vector_load %arg10[%get3A] {strides = array<i32>} : memref<2064xi32, #tpu.memory_space<vmem>>, vector<16xi32>,
      %mul3A_759 = arith.constant 16 : i32
      %mul3A_760 = arith.muli %rem3A_755, %mul3A_759 : i32
      %swap3A = arith.index_cast %div3A_754 : i32 to index
      %swap3A_761 = arith.index_cast %mul3A_760 : i32 to index
      %swap3A_762 = tpu.vector_load %arg8[%swap3A, %swap3A_761] {strides = array<i32>} : memref<16x128xi32, #tpu.memory_space<vmem>>, vector<16xi32>,
      tpu.vector_store %arg8[%swap3A, %swap3A_761], %get3A_758 {strides = array<i32>} : memref<16x128xi32, #tpu.memory_space<vmem>>, vector<16xi32>,
      %mul3A_763 = arith.constant 16 : i32
      %mul3A_764 = arith.muli %while3A_751, %mul3A_763 : i32
      %add3A_765 = vector.broadcast %mul3A_764 : i32 to vector<16xi32>
      %add3A_766 = arith.addi %add3A_765, %iota3A : vector<16xi32>
      %lt3A_767 = vector.broadcast %scan3A_139 : i32 to vector<16xi32>
      %lt3A_768 = arith.cmpi slt, %add3A_766, %lt3A_767 : vector<16xi32>
      %jit3A = arith.constant 1.000000e+00 : f32
      %jit3A_769 = arith.constant 0.000000e+00 : f32
      %broadcast_in_dim3A = vector.broadcast %jit3A : f32 to vector<16xf32>
      %broadcast_in_dim3A_770 = vector.broadcast %jit3A_769 : f32 to vector<16xf32>
      %select_n3A = arith.select %lt3A_768, %broadcast_in_dim3A, %broadcast_in_dim3A_770 : vector<16xi1>, vector<16xf32>
      %mul3A_771 = arith.constant 16 : i32
      %mul3A_772 = arith.muli %rem3A_755, %mul3A_771 : i32
      %swap3A_773 = arith.index_cast %div3A_754 : i32 to index
      %swap3A_774 = arith.index_cast %mul3A_772 : i32 to index
      %swap3A_775 = tpu.vector_load %arg9[%swap3A_773, %swap3A_774] {strides = array<i32>} : memref<16x128xf32, #tpu.memory_space<vmem>>, vector<16xf32>,
      tpu.vector_store %arg9[%swap3A_773, %swap3A_774], %select_n3A {strides = array<i32>} : memref<16x128xf32, #tpu.memory_space<vmem>>, vector<16xf32>,
      %while3A_776 = arith.constant 0 : i32
      scf.yield %while3A_776 : i32
    }
    %div3A_204 = arith.constant 128 : i32
    %div3A_205 = arith.divsi %mul3A_145, %div3A_204 : i32
    %gt3A = arith.constant 0 : i32
    %gt3A_206 = arith.cmpi sgt, %div3A_205, %gt3A : i32
    %convert_element_type3A_207 = arith.extui %gt3A_206 : i1 to i32
    %cond3A_208 = arith.constant 0 : i32
    %cond3A_209 = arith.cmpi ne, %convert_element_type3A_207, %cond3A_208 : i32
    scf.if %cond3A_209 {
      %dma_start3A_751 = arith.constant 0 : i32
      %dma_start3A_752 = arith.constant 0 : i32
      %dma_start3A_753 = arith.constant 0 : i32
      %dma_start3A_754 = tpu.memref_slice %arg9[%dma_start3A_751, %dma_start3A_753] : memref<16x128xf32, #tpu.memory_space<vmem>> -> memref<1x128xf32, #tpu.memory_space<vmem>>
      %dma_start3A_755 = tpu.memref_squeeze %dma_start3A_754 : memref<1x128xf32, #tpu.memory_space<vmem>> -> memref<128xf32, #tpu.memory_space<vmem>>
      %dma_start3A_756 = arith.constant 0 : i32
      %dma_start3A_757 = tpu.memref_slice %arg8[%dma_start3A_752, %dma_start3A_756] : memref<16x128xi32, #tpu.memory_space<vmem>> -> memref<1x128xi32, #tpu.memory_space<vmem>>
      %dma_start3A_758 = tpu.memref_squeeze %dma_start3A_757 : memref<1x128xi32, #tpu.memory_space<vmem>> -> memref<128xi32, #tpu.memory_space<vmem>>
      %dma_start3A_759 = arith.constant 0 : i32
      %dma_start3A_760 = tpu.memref_slice %arg5[%dma_start3A_759] : memref<1048576xf32, #tpu.memory_space<vmem_shared>> -> memref<1048576xf32, #tpu.memory_space<vmem_shared>>
      tpu.enqueue_indirect_dma source(%dma_start3A_755 : memref<128xf32, #tpu.memory_space<vmem>>) target(%dma_start3A_760 : memref<1048576xf32, #tpu.memory_space<vmem_shared>>) offsets(%dma_start3A_758 : memref<128xi32, #tpu.memory_space<vmem>>) semaphore(%arg12 : memref<!tpu.dma_semaphore, #tpu.memory_space<semaphore_mem>>) {add = true}
    } else {
    }
    %gt3A_210 = arith.constant 1 : i32
    %gt3A_211 = arith.cmpi sgt, %div3A_205, %gt3A_210 : i32
    %convert_element_type3A_212 = arith.extui %gt3A_211 : i1 to i32
    %cond3A_213 = arith.constant 0 : i32
    %cond3A_214 = arith.cmpi ne, %convert_element_type3A_212, %cond3A_213 : i32
    scf.if %cond3A_214 {
      %dma_start3A_751 = arith.constant 1 : i32
      %dma_start3A_752 = arith.constant 1 : i32
      %dma_start3A_753 = arith.constant 0 : i32
      %dma_start3A_754 = tpu.memref_slice %arg9[%dma_start3A_751, %dma_start3A_753] : memref<16x128xf32, #tpu.memory_space<vmem>> -> memref<1x128xf32, #tpu.memory_space<vmem>>
      %dma_start3A_755 = tpu.memref_squeeze %dma_start3A_754 : memref<1x128xf32, #tpu.memory_space<vmem>> -> memref<128xf32, #tpu.memory_space<vmem>>
      %dma_start3A_756 = arith.constant 0 : i32
      %dma_start3A_757 = tpu.memref_slice %arg8[%dma_start3A_752, %dma_start3A_756] : memref<16x128xi32, #tpu.memory_space<vmem>> -> memref<1x128xi32, #tpu.memory_space<vmem>>
      %dma_start3A_758 = tpu.memref_squeeze %dma_start3A_757 : memref<1x128xi32, #tpu.memory_space<vmem>> -> memref<128xi32, #tpu.memory_space<vmem>>
      %dma_start3A_759 = arith.constant 0 : i32
      %dma_start3A_760 = tpu.memref_slice %arg5[%dma_start3A_759] : memref<1048576xf32, #tpu.memory_space<vmem_shared>> -> memref<1048576xf32, #tpu.memory_space<vmem_shared>>
      tpu.enqueue_indirect_dma source(%dma_start3A_755 : memref<128xf32, #tpu.memory_space<vmem>>) target(%dma_start3A_760 : memref<1048576xf32, #tpu.memory_space<vmem_shared>>) offsets(%dma_start3A_758 : memref<128xi32, #tpu.memory_space<vmem>>) semaphore(%arg12 : memref<!tpu.dma_semaphore, #tpu.memory_space<semaphore_mem>>) {add = true}
    } else {
    }
    %gt3A_215 = arith.constant 2 : i32
    %gt3A_216 = arith.cmpi sgt, %div3A_205, %gt3A_215 : i32
    %convert_element_type3A_217 = arith.extui %gt3A_216 : i1 to i32
    %cond3A_218 = arith.constant 0 : i32
    %cond3A_219 = arith.cmpi ne, %convert_element_type3A_217, %cond3A_218 : i32
    scf.if %cond3A_219 {
      %dma_start3A_751 = arith.constant 2 : i32
      %dma_start3A_752 = arith.constant 2 : i32
      %dma_start3A_753 = arith.constant 0 : i32
      %dma_start3A_754 = tpu.memref_slice %arg9[%dma_start3A_751, %dma_start3A_753] : memref<16x128xf32, #tpu.memory_space<vmem>> -> memref<1x128xf32, #tpu.memory_space<vmem>>
      %dma_start3A_755 = tpu.memref_squeeze %dma_start3A_754 : memref<1x128xf32, #tpu.memory_space<vmem>> -> memref<128xf32, #tpu.memory_space<vmem>>
      %dma_start3A_756 = arith.constant 0 : i32
      %dma_start3A_757 = tpu.memref_slice %arg8[%dma_start3A_752, %dma_start3A_756] : memref<16x128xi32, #tpu.memory_space<vmem>> -> memref<1x128xi32, #tpu.memory_space<vmem>>
      %dma_start3A_758 = tpu.memref_squeeze %dma_start3A_757 : memref<1x128xi32, #tpu.memory_space<vmem>> -> memref<128xi32, #tpu.memory_space<vmem>>
      %dma_start3A_759 = arith.constant 0 : i32
      %dma_start3A_760 = tpu.memref_slice %arg5[%dma_start3A_759] : memref<1048576xf32, #tpu.memory_space<vmem_shared>> -> memref<1048576xf32, #tpu.memory_space<vmem_shared>>
      tpu.enqueue_indirect_dma source(%dma_start3A_755 : memref<128xf32, #tpu.memory_space<vmem>>) target(%dma_start3A_760 : memref<1048576xf32, #tpu.memory_space<vmem_shared>>) offsets(%dma_start3A_758 : memref<128xi32, #tpu.memory_space<vmem>>) semaphore(%arg12 : memref<!tpu.dma_semaphore, #tpu.memory_space<semaphore_mem>>) {add = true}
    } else {
    }
    %gt3A_220 = arith.constant 3 : i32
    %gt3A_221 = arith.cmpi sgt, %div3A_205, %gt3A_220 : i32
    %convert_element_type3A_222 = arith.extui %gt3A_221 : i1 to i32
    %cond3A_223 = arith.constant 0 : i32
    %cond3A_224 = arith.cmpi ne, %convert_element_type3A_222, %cond3A_223 : i32
    scf.if %cond3A_224 {
      %dma_start3A_751 = arith.constant 3 : i32
      %dma_start3A_752 = arith.constant 3 : i32
      %dma_start3A_753 = arith.constant 0 : i32
      %dma_start3A_754 = tpu.memref_slice %arg9[%dma_start3A_751, %dma_start3A_753] : memref<16x128xf32, #tpu.memory_space<vmem>> -> memref<1x128xf32, #tpu.memory_space<vmem>>
      %dma_start3A_755 = tpu.memref_squeeze %dma_start3A_754 : memref<1x128xf32, #tpu.memory_space<vmem>> -> memref<128xf32, #tpu.memory_space<vmem>>
      %dma_start3A_756 = arith.constant 0 : i32
      %dma_start3A_757 = tpu.memref_slice %arg8[%dma_start3A_752, %dma_start3A_756] : memref<16x128xi32, #tpu.memory_space<vmem>> -> memref<1x128xi32, #tpu.memory_space<vmem>>
      %dma_start3A_758 = tpu.memref_squeeze %dma_start3A_757 : memref<1x128xi32, #tpu.memory_space<vmem>> -> memref<128xi32, #tpu.memory_space<vmem>>
      %dma_start3A_759 = arith.constant 0 : i32
      %dma_start3A_760 = tpu.memref_slice %arg5[%dma_start3A_759] : memref<1048576xf32, #tpu.memory_space<vmem_shared>> -> memref<1048576xf32, #tpu.memory_space<vmem_shared>>
      tpu.enqueue_indirect_dma source(%dma_start3A_755 : memref<128xf32, #tpu.memory_space<vmem>>) target(%dma_start3A_760 : memref<1048576xf32, #tpu.memory_space<vmem_shared>>) offsets(%dma_start3A_758 : memref<128xi32, #tpu.memory_space<vmem>>) semaphore(%arg12 : memref<!tpu.dma_semaphore, #tpu.memory_space<semaphore_mem>>) {add = true}
    } else {
    }
    %gt3A_225 = arith.constant 4 : i32
    %gt3A_226 = arith.cmpi sgt, %div3A_205, %gt3A_225 : i32
    %convert_element_type3A_227 = arith.extui %gt3A_226 : i1 to i32
    %cond3A_228 = arith.constant 0 : i32
    %cond3A_229 = arith.cmpi ne, %convert_element_type3A_227, %cond3A_228 : i32
    scf.if %cond3A_229 {
      %dma_start3A_751 = arith.constant 4 : i32
      %dma_start3A_752 = arith.constant 4 : i32
      %dma_start3A_753 = arith.constant 0 : i32
      %dma_start3A_754 = tpu.memref_slice %arg9[%dma_start3A_751, %dma_start3A_753] : memref<16x128xf32, #tpu.memory_space<vmem>> -> memref<1x128xf32, #tpu.memory_space<vmem>>
      %dma_start3A_755 = tpu.memref_squeeze %dma_start3A_754 : memref<1x128xf32, #tpu.memory_space<vmem>> -> memref<128xf32, #tpu.memory_space<vmem>>
      %dma_start3A_756 = arith.constant 0 : i32
      %dma_start3A_757 = tpu.memref_slice %arg8[%dma_start3A_752, %dma_start3A_756] : memref<16x128xi32, #tpu.memory_space<vmem>> -> memref<1x128xi32, #tpu.memory_space<vmem>>
      %dma_start3A_758 = tpu.memref_squeeze %dma_start3A_757 : memref<1x128xi32, #tpu.memory_space<vmem>> -> memref<128xi32, #tpu.memory_space<vmem>>
      %dma_start3A_759 = arith.constant 0 : i32
      %dma_start3A_760 = tpu.memref_slice %arg5[%dma_start3A_759] : memref<1048576xf32, #tpu.memory_space<vmem_shared>> -> memref<1048576xf32, #tpu.memory_space<vmem_shared>>
      tpu.enqueue_indirect_dma source(%dma_start3A_755 : memref<128xf32, #tpu.memory_space<vmem>>) target(%dma_start3A_760 : memref<1048576xf32, #tpu.memory_space<vmem_shared>>) offsets(%dma_start3A_758 : memref<128xi32, #tpu.memory_space<vmem>>) semaphore(%arg12 : memref<!tpu.dma_semaphore, #tpu.memory_space<semaphore_mem>>) {add = true}
    } else {
    }
    %gt3A_230 = arith.constant 5 : i32
    %gt3A_231 = arith.cmpi sgt, %div3A_205, %gt3A_230 : i32
    %convert_element_type3A_232 = arith.extui %gt3A_231 : i1 to i32
    %cond3A_233 = arith.constant 0 : i32
    %cond3A_234 = arith.cmpi ne, %convert_element_type3A_232, %cond3A_233 : i32
    scf.if %cond3A_234 {
      %dma_start3A_751 = arith.constant 5 : i32
      %dma_start3A_752 = arith.constant 5 : i32
      %dma_start3A_753 = arith.constant 0 : i32
      %dma_start3A_754 = tpu.memref_slice %arg9[%dma_start3A_751, %dma_start3A_753] : memref<16x128xf32, #tpu.memory_space<vmem>> -> memref<1x128xf32, #tpu.memory_space<vmem>>
      %dma_start3A_755 = tpu.memref_squeeze %dma_start3A_754 : memref<1x128xf32, #tpu.memory_space<vmem>> -> memref<128xf32, #tpu.memory_space<vmem>>
      %dma_start3A_756 = arith.constant 0 : i32
      %dma_start3A_757 = tpu.memref_slice %arg8[%dma_start3A_752, %dma_start3A_756] : memref<16x128xi32, #tpu.memory_space<vmem>> -> memref<1x128xi32, #tpu.memory_space<vmem>>
      %dma_start3A_758 = tpu.memref_squeeze %dma_start3A_757 : memref<1x128xi32, #tpu.memory_space<vmem>> -> memref<128xi32, #tpu.memory_space<vmem>>
      %dma_start3A_759 = arith.constant 0 : i32
      %dma_start3A_760 = tpu.memref_slice %arg5[%dma_start3A_759] : memref<1048576xf32, #tpu.memory_space<vmem_shared>> -> memref<1048576xf32, #tpu.memory_space<vmem_shared>>
      tpu.enqueue_indirect_dma source(%dma_start3A_755 : memref<128xf32, #tpu.memory_space<vmem>>) target(%dma_start3A_760 : memref<1048576xf32, #tpu.memory_space<vmem_shared>>) offsets(%dma_start3A_758 : memref<128xi32, #tpu.memory_space<vmem>>) semaphore(%arg12 : memref<!tpu.dma_semaphore, #tpu.memory_space<semaphore_mem>>) {add = true}
    } else {
    }
    %gt3A_235 = arith.constant 6 : i32
    %gt3A_236 = arith.cmpi sgt, %div3A_205, %gt3A_235 : i32
    %convert_element_type3A_237 = arith.extui %gt3A_236 : i1 to i32
    %cond3A_238 = arith.constant 0 : i32
    %cond3A_239 = arith.cmpi ne, %convert_element_type3A_237, %cond3A_238 : i32
    scf.if %cond3A_239 {
      %dma_start3A_751 = arith.constant 6 : i32
      %dma_start3A_752 = arith.constant 6 : i32
      %dma_start3A_753 = arith.constant 0 : i32
      %dma_start3A_754 = tpu.memref_slice %arg9[%dma_start3A_751, %dma_start3A_753] : memref<16x128xf32, #tpu.memory_space<vmem>> -> memref<1x128xf32, #tpu.memory_space<vmem>>
      %dma_start3A_755 = tpu.memref_squeeze %dma_start3A_754 : memref<1x128xf32, #tpu.memory_space<vmem>> -> memref<128xf32, #tpu.memory_space<vmem>>
      %dma_start3A_756 = arith.constant 0 : i32
      %dma_start3A_757 = tpu.memref_slice %arg8[%dma_start3A_752, %dma_start3A_756] : memref<16x128xi32, #tpu.memory_space<vmem>> -> memref<1x128xi32, #tpu.memory_space<vmem>>
      %dma_start3A_758 = tpu.memref_squeeze %dma_start3A_757 : memref<1x128xi32, #tpu.memory_space<vmem>> -> memref<128xi32, #tpu.memory_space<vmem>>
      %dma_start3A_759 = arith.constant 0 : i32
      %dma_start3A_760 = tpu.memref_slice %arg5[%dma_start3A_759] : memref<1048576xf32, #tpu.memory_space<vmem_shared>> -> memref<1048576xf32, #tpu.memory_space<vmem_shared>>
      tpu.enqueue_indirect_dma source(%dma_start3A_755 : memref<128xf32, #tpu.memory_space<vmem>>) target(%dma_start3A_760 : memref<1048576xf32, #tpu.memory_space<vmem_shared>>) offsets(%dma_start3A_758 : memref<128xi32, #tpu.memory_space<vmem>>) semaphore(%arg12 : memref<!tpu.dma_semaphore, #tpu.memory_space<semaphore_mem>>) {add = true}
    } else {
    }
    %gt3A_240 = arith.constant 7 : i32
    %gt3A_241 = arith.cmpi sgt, %div3A_205, %gt3A_240 : i32
    %convert_element_type3A_242 = arith.extui %gt3A_241 : i1 to i32
    %cond3A_243 = arith.constant 0 : i32
    %cond3A_244 = arith.cmpi ne, %convert_element_type3A_242, %cond3A_243 : i32
    scf.if %cond3A_244 {
      %dma_start3A_751 = arith.constant 7 : i32
      %dma_start3A_752 = arith.constant 7 : i32
      %dma_start3A_753 = arith.constant 0 : i32
      %dma_start3A_754 = tpu.memref_slice %arg9[%dma_start3A_751, %dma_start3A_753] : memref<16x128xf32, #tpu.memory_space<vmem>> -> memref<1x128xf32, #tpu.memory_space<vmem>>
      %dma_start3A_755 = tpu.memref_squeeze %dma_start3A_754 : memref<1x128xf32, #tpu.memory_space<vmem>> -> memref<128xf32, #tpu.memory_space<vmem>>
      %dma_start3A_756 = arith.constant 0 : i32
      %dma_start3A_757 = tpu.memref_slice %arg8[%dma_start3A_752, %dma_start3A_756] : memref<16x128xi32, #tpu.memory_space<vmem>> -> memref<1x128xi32, #tpu.memory_space<vmem>>
      %dma_start3A_758 = tpu.memref_squeeze %dma_start3A_757 : memref<1x128xi32, #tpu.memory_space<vmem>> -> memref<128xi32, #tpu.memory_space<vmem>>
      %dma_start3A_759 = arith.constant 0 : i32
      %dma_start3A_760 = tpu.memref_slice %arg5[%dma_start3A_759] : memref<1048576xf32, #tpu.memory_space<vmem_shared>> -> memref<1048576xf32, #tpu.memory_space<vmem_shared>>
      tpu.enqueue_indirect_dma source(%dma_start3A_755 : memref<128xf32, #tpu.memory_space<vmem>>) target(%dma_start3A_760 : memref<1048576xf32, #tpu.memory_space<vmem_shared>>) offsets(%dma_start3A_758 : memref<128xi32, #tpu.memory_space<vmem>>) semaphore(%arg12 : memref<!tpu.dma_semaphore, #tpu.memory_space<semaphore_mem>>) {add = true}
    } else {
    }
    %gt3A_245 = arith.constant 8 : i32
    %gt3A_246 = arith.cmpi sgt, %div3A_205, %gt3A_245 : i32
    %convert_element_type3A_247 = arith.extui %gt3A_246 : i1 to i32
    %cond3A_248 = arith.constant 0 : i32
    %cond3A_249 = arith.cmpi ne, %convert_element_type3A_247, %cond3A_248 : i32
    scf.if %cond3A_249 {
      %dma_start3A_751 = arith.constant 8 : i32
      %dma_start3A_752 = arith.constant 8 : i32
      %dma_start3A_753 = arith.constant 0 : i32
      %dma_start3A_754 = tpu.memref_slice %arg9[%dma_start3A_751, %dma_start3A_753] : memref<16x128xf32, #tpu.memory_space<vmem>> -> memref<1x128xf32, #tpu.memory_space<vmem>>
      %dma_start3A_755 = tpu.memref_squeeze %dma_start3A_754 : memref<1x128xf32, #tpu.memory_space<vmem>> -> memref<128xf32, #tpu.memory_space<vmem>>
      %dma_start3A_756 = arith.constant 0 : i32
      %dma_start3A_757 = tpu.memref_slice %arg8[%dma_start3A_752, %dma_start3A_756] : memref<16x128xi32, #tpu.memory_space<vmem>> -> memref<1x128xi32, #tpu.memory_space<vmem>>
      %dma_start3A_758 = tpu.memref_squeeze %dma_start3A_757 : memref<1x128xi32, #tpu.memory_space<vmem>> -> memref<128xi32, #tpu.memory_space<vmem>>
      %dma_start3A_759 = arith.constant 0 : i32
      %dma_start3A_760 = tpu.memref_slice %arg5[%dma_start3A_759] : memref<1048576xf32, #tpu.memory_space<vmem_shared>> -> memref<1048576xf32, #tpu.memory_space<vmem_shared>>
      tpu.enqueue_indirect_dma source(%dma_start3A_755 : memref<128xf32, #tpu.memory_space<vmem>>) target(%dma_start3A_760 : memref<1048576xf32, #tpu.memory_space<vmem_shared>>) offsets(%dma_start3A_758 : memref<128xi32, #tpu.memory_space<vmem>>) semaphore(%arg12 : memref<!tpu.dma_semaphore, #tpu.memory_space<semaphore_mem>>) {add = true}
    } else {
    }
    %gt3A_250 = arith.constant 9 : i32
    %gt3A_251 = arith.cmpi sgt, %div3A_205, %gt3A_250 : i32
    %convert_element_type3A_252 = arith.extui %gt3A_251 : i1 to i32
    %cond3A_253 = arith.constant 0 : i32
    %cond3A_254 = arith.cmpi ne, %convert_element_type3A_252, %cond3A_253 : i32
    scf.if %cond3A_254 {
      %dma_start3A_751 = arith.constant 9 : i32
      %dma_start3A_752 = arith.constant 9 : i32
      %dma_start3A_753 = arith.constant 0 : i32
      %dma_start3A_754 = tpu.memref_slice %arg9[%dma_start3A_751, %dma_start3A_753] : memref<16x128xf32, #tpu.memory_space<vmem>> -> memref<1x128xf32, #tpu.memory_space<vmem>>
      %dma_start3A_755 = tpu.memref_squeeze %dma_start3A_754 : memref<1x128xf32, #tpu.memory_space<vmem>> -> memref<128xf32, #tpu.memory_space<vmem>>
      %dma_start3A_756 = arith.constant 0 : i32
      %dma_start3A_757 = tpu.memref_slice %arg8[%dma_start3A_752, %dma_start3A_756] : memref<16x128xi32, #tpu.memory_space<vmem>> -> memref<1x128xi32, #tpu.memory_space<vmem>>
      %dma_start3A_758 = tpu.memref_squeeze %dma_start3A_757 : memref<1x128xi32, #tpu.memory_space<vmem>> -> memref<128xi32, #tpu.memory_space<vmem>>
      %dma_start3A_759 = arith.constant 0 : i32
      %dma_start3A_760 = tpu.memref_slice %arg5[%dma_start3A_759] : memref<1048576xf32, #tpu.memory_space<vmem_shared>> -> memref<1048576xf32, #tpu.memory_space<vmem_shared>>
      tpu.enqueue_indirect_dma source(%dma_start3A_755 : memref<128xf32, #tpu.memory_space<vmem>>) target(%dma_start3A_760 : memref<1048576xf32, #tpu.memory_space<vmem_shared>>) offsets(%dma_start3A_758 : memref<128xi32, #tpu.memory_space<vmem>>) semaphore(%arg12 : memref<!tpu.dma_semaphore, #tpu.memory_space<semaphore_mem>>) {add = true}
    } else {
    }
    %gt3A_255 = arith.constant 10 : i32
    %gt3A_256 = arith.cmpi sgt, %div3A_205, %gt3A_255 : i32
    %convert_element_type3A_257 = arith.extui %gt3A_256 : i1 to i32
    %cond3A_258 = arith.constant 0 : i32
    %cond3A_259 = arith.cmpi ne, %convert_element_type3A_257, %cond3A_258 : i32
    scf.if %cond3A_259 {
      %dma_start3A_751 = arith.constant 10 : i32
      %dma_start3A_752 = arith.constant 10 : i32
      %dma_start3A_753 = arith.constant 0 : i32
      %dma_start3A_754 = tpu.memref_slice %arg9[%dma_start3A_751, %dma_start3A_753] : memref<16x128xf32, #tpu.memory_space<vmem>> -> memref<1x128xf32, #tpu.memory_space<vmem>>
      %dma_start3A_755 = tpu.memref_squeeze %dma_start3A_754 : memref<1x128xf32, #tpu.memory_space<vmem>> -> memref<128xf32, #tpu.memory_space<vmem>>
      %dma_start3A_756 = arith.constant 0 : i32
      %dma_start3A_757 = tpu.memref_slice %arg8[%dma_start3A_752, %dma_start3A_756] : memref<16x128xi32, #tpu.memory_space<vmem>> -> memref<1x128xi32, #tpu.memory_space<vmem>>
      %dma_start3A_758 = tpu.memref_squeeze %dma_start3A_757 : memref<1x128xi32, #tpu.memory_space<vmem>> -> memref<128xi32, #tpu.memory_space<vmem>>
      %dma_start3A_759 = arith.constant 0 : i32
      %dma_start3A_760 = tpu.memref_slice %arg5[%dma_start3A_759] : memref<1048576xf32, #tpu.memory_space<vmem_shared>> -> memref<1048576xf32, #tpu.memory_space<vmem_shared>>
      tpu.enqueue_indirect_dma source(%dma_start3A_755 : memref<128xf32, #tpu.memory_space<vmem>>) target(%dma_start3A_760 : memref<1048576xf32, #tpu.memory_space<vmem_shared>>) offsets(%dma_start3A_758 : memref<128xi32, #tpu.memory_space<vmem>>) semaphore(%arg12 : memref<!tpu.dma_semaphore, #tpu.memory_space<semaphore_mem>>) {add = true}
    } else {
    }
    %gt3A_260 = arith.constant 11 : i32
    %gt3A_261 = arith.cmpi sgt, %div3A_205, %gt3A_260 : i32
    %convert_element_type3A_262 = arith.extui %gt3A_261 : i1 to i32
    %cond3A_263 = arith.constant 0 : i32
    %cond3A_264 = arith.cmpi ne, %convert_element_type3A_262, %cond3A_263 : i32
    scf.if %cond3A_264 {
      %dma_start3A_751 = arith.constant 11 : i32
      %dma_start3A_752 = arith.constant 11 : i32
      %dma_start3A_753 = arith.constant 0 : i32
      %dma_start3A_754 = tpu.memref_slice %arg9[%dma_start3A_751, %dma_start3A_753] : memref<16x128xf32, #tpu.memory_space<vmem>> -> memref<1x128xf32, #tpu.memory_space<vmem>>
      %dma_start3A_755 = tpu.memref_squeeze %dma_start3A_754 : memref<1x128xf32, #tpu.memory_space<vmem>> -> memref<128xf32, #tpu.memory_space<vmem>>
      %dma_start3A_756 = arith.constant 0 : i32
      %dma_start3A_757 = tpu.memref_slice %arg8[%dma_start3A_752, %dma_start3A_756] : memref<16x128xi32, #tpu.memory_space<vmem>> -> memref<1x128xi32, #tpu.memory_space<vmem>>
      %dma_start3A_758 = tpu.memref_squeeze %dma_start3A_757 : memref<1x128xi32, #tpu.memory_space<vmem>> -> memref<128xi32, #tpu.memory_space<vmem>>
      %dma_start3A_759 = arith.constant 0 : i32
      %dma_start3A_760 = tpu.memref_slice %arg5[%dma_start3A_759] : memref<1048576xf32, #tpu.memory_space<vmem_shared>> -> memref<1048576xf32, #tpu.memory_space<vmem_shared>>
      tpu.enqueue_indirect_dma source(%dma_start3A_755 : memref<128xf32, #tpu.memory_space<vmem>>) target(%dma_start3A_760 : memref<1048576xf32, #tpu.memory_space<vmem_shared>>) offsets(%dma_start3A_758 : memref<128xi32, #tpu.memory_space<vmem>>) semaphore(%arg12 : memref<!tpu.dma_semaphore, #tpu.memory_space<semaphore_mem>>) {add = true}
    } else {
    }
    %gt3A_265 = arith.constant 12 : i32
    %gt3A_266 = arith.cmpi sgt, %div3A_205, %gt3A_265 : i32
    %convert_element_type3A_267 = arith.extui %gt3A_266 : i1 to i32
    %cond3A_268 = arith.constant 0 : i32
    %cond3A_269 = arith.cmpi ne, %convert_element_type3A_267, %cond3A_268 : i32
    scf.if %cond3A_269 {
      %dma_start3A_751 = arith.constant 12 : i32
      %dma_start3A_752 = arith.constant 12 : i32
      %dma_start3A_753 = arith.constant 0 : i32
      %dma_start3A_754 = tpu.memref_slice %arg9[%dma_start3A_751, %dma_start3A_753] : memref<16x128xf32, #tpu.memory_space<vmem>> -> memref<1x128xf32, #tpu.memory_space<vmem>>
      %dma_start3A_755 = tpu.memref_squeeze %dma_start3A_754 : memref<1x128xf32, #tpu.memory_space<vmem>> -> memref<128xf32, #tpu.memory_space<vmem>>
      %dma_start3A_756 = arith.constant 0 : i32
      %dma_start3A_757 = tpu.memref_slice %arg8[%dma_start3A_752, %dma_start3A_756] : memref<16x128xi32, #tpu.memory_space<vmem>> -> memref<1x128xi32, #tpu.memory_space<vmem>>
      %dma_start3A_758 = tpu.memref_squeeze %dma_start3A_757 : memref<1x128xi32, #tpu.memory_space<vmem>> -> memref<128xi32, #tpu.memory_space<vmem>>
      %dma_start3A_759 = arith.constant 0 : i32
      %dma_start3A_760 = tpu.memref_slice %arg5[%dma_start3A_759] : memref<1048576xf32, #tpu.memory_space<vmem_shared>> -> memref<1048576xf32, #tpu.memory_space<vmem_shared>>
      tpu.enqueue_indirect_dma source(%dma_start3A_755 : memref<128xf32, #tpu.memory_space<vmem>>) target(%dma_start3A_760 : memref<1048576xf32, #tpu.memory_space<vmem_shared>>) offsets(%dma_start3A_758 : memref<128xi32, #tpu.memory_space<vmem>>) semaphore(%arg12 : memref<!tpu.dma_semaphore, #tpu.memory_space<semaphore_mem>>) {add = true}
    } else {
    }
    %gt3A_270 = arith.constant 13 : i32
    %gt3A_271 = arith.cmpi sgt, %div3A_205, %gt3A_270 : i32
    %convert_element_type3A_272 = arith.extui %gt3A_271 : i1 to i32
    %cond3A_273 = arith.constant 0 : i32
    %cond3A_274 = arith.cmpi ne, %convert_element_type3A_272, %cond3A_273 : i32
    scf.if %cond3A_274 {
      %dma_start3A_751 = arith.constant 13 : i32
      %dma_start3A_752 = arith.constant 13 : i32
      %dma_start3A_753 = arith.constant 0 : i32
      %dma_start3A_754 = tpu.memref_slice %arg9[%dma_start3A_751, %dma_start3A_753] : memref<16x128xf32, #tpu.memory_space<vmem>> -> memref<1x128xf32, #tpu.memory_space<vmem>>
      %dma_start3A_755 = tpu.memref_squeeze %dma_start3A_754 : memref<1x128xf32, #tpu.memory_space<vmem>> -> memref<128xf32, #tpu.memory_space<vmem>>
      %dma_start3A_756 = arith.constant 0 : i32
      %dma_start3A_757 = tpu.memref_slice %arg8[%dma_start3A_752, %dma_start3A_756] : memref<16x128xi32, #tpu.memory_space<vmem>> -> memref<1x128xi32, #tpu.memory_space<vmem>>
      %dma_start3A_758 = tpu.memref_squeeze %dma_start3A_757 : memref<1x128xi32, #tpu.memory_space<vmem>> -> memref<128xi32, #tpu.memory_space<vmem>>
      %dma_start3A_759 = arith.constant 0 : i32
      %dma_start3A_760 = tpu.memref_slice %arg5[%dma_start3A_759] : memref<1048576xf32, #tpu.memory_space<vmem_shared>> -> memref<1048576xf32, #tpu.memory_space<vmem_shared>>
      tpu.enqueue_indirect_dma source(%dma_start3A_755 : memref<128xf32, #tpu.memory_space<vmem>>) target(%dma_start3A_760 : memref<1048576xf32, #tpu.memory_space<vmem_shared>>) offsets(%dma_start3A_758 : memref<128xi32, #tpu.memory_space<vmem>>) semaphore(%arg12 : memref<!tpu.dma_semaphore, #tpu.memory_space<semaphore_mem>>) {add = true}
    } else {
    }
    %gt3A_275 = arith.constant 14 : i32
    %gt3A_276 = arith.cmpi sgt, %div3A_205, %gt3A_275 : i32
    %convert_element_type3A_277 = arith.extui %gt3A_276 : i1 to i32
    %cond3A_278 = arith.constant 0 : i32
    %cond3A_279 = arith.cmpi ne, %convert_element_type3A_277, %cond3A_278 : i32
    scf.if %cond3A_279 {
      %dma_start3A_751 = arith.constant 14 : i32
      %dma_start3A_752 = arith.constant 14 : i32
      %dma_start3A_753 = arith.constant 0 : i32
      %dma_start3A_754 = tpu.memref_slice %arg9[%dma_start3A_751, %dma_start3A_753] : memref<16x128xf32, #tpu.memory_space<vmem>> -> memref<1x128xf32, #tpu.memory_space<vmem>>
      %dma_start3A_755 = tpu.memref_squeeze %dma_start3A_754 : memref<1x128xf32, #tpu.memory_space<vmem>> -> memref<128xf32, #tpu.memory_space<vmem>>
      %dma_start3A_756 = arith.constant 0 : i32
      %dma_start3A_757 = tpu.memref_slice %arg8[%dma_start3A_752, %dma_start3A_756] : memref<16x128xi32, #tpu.memory_space<vmem>> -> memref<1x128xi32, #tpu.memory_space<vmem>>
      %dma_start3A_758 = tpu.memref_squeeze %dma_start3A_757 : memref<1x128xi32, #tpu.memory_space<vmem>> -> memref<128xi32, #tpu.memory_space<vmem>>
      %dma_start3A_759 = arith.constant 0 : i32
      %dma_start3A_760 = tpu.memref_slice %arg5[%dma_start3A_759] : memref<1048576xf32, #tpu.memory_space<vmem_shared>> -> memref<1048576xf32, #tpu.memory_space<vmem_shared>>
      tpu.enqueue_indirect_dma source(%dma_start3A_755 : memref<128xf32, #tpu.memory_space<vmem>>) target(%dma_start3A_760 : memref<1048576xf32, #tpu.memory_space<vmem_shared>>) offsets(%dma_start3A_758 : memref<128xi32, #tpu.memory_space<vmem>>) semaphore(%arg12 : memref<!tpu.dma_semaphore, #tpu.memory_space<semaphore_mem>>) {add = true}
    } else {
    }
    %gt3A_280 = arith.constant 15 : i32
    %gt3A_281 = arith.cmpi sgt, %div3A_205, %gt3A_280 : i32
    %convert_element_type3A_282 = arith.extui %gt3A_281 : i1 to i32
    %cond3A_283 = arith.constant 0 : i32
    %cond3A_284 = arith.cmpi ne, %convert_element_type3A_282, %cond3A_283 : i32
    scf.if %cond3A_284 {
      %dma_start3A_751 = arith.constant 15 : i32
      %dma_start3A_752 = arith.constant 15 : i32
      %dma_start3A_753 = arith.constant 0 : i32
      %dma_start3A_754 = tpu.memref_slice %arg9[%dma_start3A_751, %dma_start3A_753] : memref<16x128xf32, #tpu.memory_space<vmem>> -> memref<1x128xf32, #tpu.memory_space<vmem>>
      %dma_start3A_755 = tpu.memref_squeeze %dma_start3A_754 : memref<1x128xf32, #tpu.memory_space<vmem>> -> memref<128xf32, #tpu.memory_space<vmem>>
      %dma_start3A_756 = arith.constant 0 : i32
      %dma_start3A_757 = tpu.memref_slice %arg8[%dma_start3A_752, %dma_start3A_756] : memref<16x128xi32, #tpu.memory_space<vmem>> -> memref<1x128xi32, #tpu.memory_space<vmem>>
      %dma_start3A_758 = tpu.memref_squeeze %dma_start3A_757 : memref<1x128xi32, #tpu.memory_space<vmem>> -> memref<128xi32, #tpu.memory_space<vmem>>
      %dma_start3A_759 = arith.constant 0 : i32
      %dma_start3A_760 = tpu.memref_slice %arg5[%dma_start3A_759] : memref<1048576xf32, #tpu.memory_space<vmem_shared>> -> memref<1048576xf32, #tpu.memory_space<vmem_shared>>
      tpu.enqueue_indirect_dma source(%dma_start3A_755 : memref<128xf32, #tpu.memory_space<vmem>>) target(%dma_start3A_760 : memref<1048576xf32, #tpu.memory_space<vmem_shared>>) offsets(%dma_start3A_758 : memref<128xi32, #tpu.memory_space<vmem>>) semaphore(%arg12 : memref<!tpu.dma_semaphore, #tpu.memory_space<semaphore_mem>>) {add = true}
    } else {
    }
    %gt3A_285 = arith.constant 0 : i32
    %gt3A_286 = arith.cmpi sgt, %div3A_205, %gt3A_285 : i32
    %convert_element_type3A_287 = arith.extui %gt3A_286 : i1 to i32
    %cond3A_288 = arith.constant 0 : i32
    %cond3A_289 = arith.cmpi ne, %convert_element_type3A_287, %cond3A_288 : i32
    scf.if %cond3A_289 {
      %dma_wait3A_751 = arith.constant 0 : i32
      %dma_wait3A_752 = arith.constant 0 : i32
      %dma_wait3A_753 = arith.constant 0 : i32
      %dma_wait3A_754 = tpu.memref_slice %arg9[%dma_wait3A_751, %dma_wait3A_753] : memref<16x128xf32, #tpu.memory_space<vmem>> -> memref<1x128xf32, #tpu.memory_space<vmem>>
      %dma_wait3A_755 = tpu.memref_squeeze %dma_wait3A_754 : memref<1x128xf32, #tpu.memory_space<vmem>> -> memref<128xf32, #tpu.memory_space<vmem>>
      %dma_wait3A_756 = arith.constant 0 : i32
      %dma_wait3A_757 = tpu.memref_slice %arg8[%dma_wait3A_752, %dma_wait3A_756] : memref<16x128xi32, #tpu.memory_space<vmem>> -> memref<1x128xi32, #tpu.memory_space<vmem>>
      %dma_wait3A_758 = tpu.memref_squeeze %dma_wait3A_757 : memref<1x128xi32, #tpu.memory_space<vmem>> -> memref<128xi32, #tpu.memory_space<vmem>>
      %dma_wait3A_759 = arith.constant 0 : i32
      %dma_wait3A_760 = tpu.memref_slice %arg5[%dma_wait3A_759] : memref<1048576xf32, #tpu.memory_space<vmem_shared>> -> memref<1048576xf32, #tpu.memory_space<vmem_shared>>
      tpu.wait_indirect_dma semaphore(%arg12 : memref<!tpu.dma_semaphore, #tpu.memory_space<semaphore_mem>>) src(%dma_wait3A_755 : memref<128xf32, #tpu.memory_space<vmem>>) dst(%dma_wait3A_760 : memref<1048576xf32, #tpu.memory_space<vmem_shared>>)
    } else {
    }
    %gt3A_290 = arith.constant 1 : i32
    %gt3A_291 = arith.cmpi sgt, %div3A_205, %gt3A_290 : i32
    %convert_element_type3A_292 = arith.extui %gt3A_291 : i1 to i32
    %cond3A_293 = arith.constant 0 : i32
    %cond3A_294 = arith.cmpi ne, %convert_element_type3A_292, %cond3A_293 : i32
    scf.if %cond3A_294 {
      %dma_wait3A_751 = arith.constant 1 : i32
      %dma_wait3A_752 = arith.constant 1 : i32
      %dma_wait3A_753 = arith.constant 0 : i32
      %dma_wait3A_754 = tpu.memref_slice %arg9[%dma_wait3A_751, %dma_wait3A_753] : memref<16x128xf32, #tpu.memory_space<vmem>> -> memref<1x128xf32, #tpu.memory_space<vmem>>
      %dma_wait3A_755 = tpu.memref_squeeze %dma_wait3A_754 : memref<1x128xf32, #tpu.memory_space<vmem>> -> memref<128xf32, #tpu.memory_space<vmem>>
      %dma_wait3A_756 = arith.constant 0 : i32
      %dma_wait3A_757 = tpu.memref_slice %arg8[%dma_wait3A_752, %dma_wait3A_756] : memref<16x128xi32, #tpu.memory_space<vmem>> -> memref<1x128xi32, #tpu.memory_space<vmem>>
      %dma_wait3A_758 = tpu.memref_squeeze %dma_wait3A_757 : memref<1x128xi32, #tpu.memory_space<vmem>> -> memref<128xi32, #tpu.memory_space<vmem>>
      %dma_wait3A_759 = arith.constant 0 : i32
      %dma_wait3A_760 = tpu.memref_slice %arg5[%dma_wait3A_759] : memref<1048576xf32, #tpu.memory_space<vmem_shared>> -> memref<1048576xf32, #tpu.memory_space<vmem_shared>>
      tpu.wait_indirect_dma semaphore(%arg12 : memref<!tpu.dma_semaphore, #tpu.memory_space<semaphore_mem>>) src(%dma_wait3A_755 : memref<128xf32, #tpu.memory_space<vmem>>) dst(%dma_wait3A_760 : memref<1048576xf32, #tpu.memory_space<vmem_shared>>)
    } else {
    }
    %gt3A_295 = arith.constant 2 : i32
    %gt3A_296 = arith.cmpi sgt, %div3A_205, %gt3A_295 : i32
    %convert_element_type3A_297 = arith.extui %gt3A_296 : i1 to i32
    %cond3A_298 = arith.constant 0 : i32
    %cond3A_299 = arith.cmpi ne, %convert_element_type3A_297, %cond3A_298 : i32
    scf.if %cond3A_299 {
      %dma_wait3A_751 = arith.constant 2 : i32
      %dma_wait3A_752 = arith.constant 2 : i32
      %dma_wait3A_753 = arith.constant 0 : i32
      %dma_wait3A_754 = tpu.memref_slice %arg9[%dma_wait3A_751, %dma_wait3A_753] : memref<16x128xf32, #tpu.memory_space<vmem>> -> memref<1x128xf32, #tpu.memory_space<vmem>>
      %dma_wait3A_755 = tpu.memref_squeeze %dma_wait3A_754 : memref<1x128xf32, #tpu.memory_space<vmem>> -> memref<128xf32, #tpu.memory_space<vmem>>
      %dma_wait3A_756 = arith.constant 0 : i32
      %dma_wait3A_757 = tpu.memref_slice %arg8[%dma_wait3A_752, %dma_wait3A_756] : memref<16x128xi32, #tpu.memory_space<vmem>> -> memref<1x128xi32, #tpu.memory_space<vmem>>
      %dma_wait3A_758 = tpu.memref_squeeze %dma_wait3A_757 : memref<1x128xi32, #tpu.memory_space<vmem>> -> memref<128xi32, #tpu.memory_space<vmem>>
      %dma_wait3A_759 = arith.constant 0 : i32
      %dma_wait3A_760 = tpu.memref_slice %arg5[%dma_wait3A_759] : memref<1048576xf32, #tpu.memory_space<vmem_shared>> -> memref<1048576xf32, #tpu.memory_space<vmem_shared>>
      tpu.wait_indirect_dma semaphore(%arg12 : memref<!tpu.dma_semaphore, #tpu.memory_space<semaphore_mem>>) src(%dma_wait3A_755 : memref<128xf32, #tpu.memory_space<vmem>>) dst(%dma_wait3A_760 : memref<1048576xf32, #tpu.memory_space<vmem_shared>>)
    } else {
    }
    %gt3A_300 = arith.constant 3 : i32
    %gt3A_301 = arith.cmpi sgt, %div3A_205, %gt3A_300 : i32
    %convert_element_type3A_302 = arith.extui %gt3A_301 : i1 to i32
    %cond3A_303 = arith.constant 0 : i32
    %cond3A_304 = arith.cmpi ne, %convert_element_type3A_302, %cond3A_303 : i32
    scf.if %cond3A_304 {
      %dma_wait3A_751 = arith.constant 3 : i32
      %dma_wait3A_752 = arith.constant 3 : i32
      %dma_wait3A_753 = arith.constant 0 : i32
      %dma_wait3A_754 = tpu.memref_slice %arg9[%dma_wait3A_751, %dma_wait3A_753] : memref<16x128xf32, #tpu.memory_space<vmem>> -> memref<1x128xf32, #tpu.memory_space<vmem>>
      %dma_wait3A_755 = tpu.memref_squeeze %dma_wait3A_754 : memref<1x128xf32, #tpu.memory_space<vmem>> -> memref<128xf32, #tpu.memory_space<vmem>>
      %dma_wait3A_756 = arith.constant 0 : i32
      %dma_wait3A_757 = tpu.memref_slice %arg8[%dma_wait3A_752, %dma_wait3A_756] : memref<16x128xi32, #tpu.memory_space<vmem>> -> memref<1x128xi32, #tpu.memory_space<vmem>>
      %dma_wait3A_758 = tpu.memref_squeeze %dma_wait3A_757 : memref<1x128xi32, #tpu.memory_space<vmem>> -> memref<128xi32, #tpu.memory_space<vmem>>
      %dma_wait3A_759 = arith.constant 0 : i32
      %dma_wait3A_760 = tpu.memref_slice %arg5[%dma_wait3A_759] : memref<1048576xf32, #tpu.memory_space<vmem_shared>> -> memref<1048576xf32, #tpu.memory_space<vmem_shared>>
      tpu.wait_indirect_dma semaphore(%arg12 : memref<!tpu.dma_semaphore, #tpu.memory_space<semaphore_mem>>) src(%dma_wait3A_755 : memref<128xf32, #tpu.memory_space<vmem>>) dst(%dma_wait3A_760 : memref<1048576xf32, #tpu.memory_space<vmem_shared>>)
    } else {
    }
    %gt3A_305 = arith.constant 4 : i32
    %gt3A_306 = arith.cmpi sgt, %div3A_205, %gt3A_305 : i32
    %convert_element_type3A_307 = arith.extui %gt3A_306 : i1 to i32
    %cond3A_308 = arith.constant 0 : i32
    %cond3A_309 = arith.cmpi ne, %convert_element_type3A_307, %cond3A_308 : i32
    scf.if %cond3A_309 {
      %dma_wait3A_751 = arith.constant 4 : i32
      %dma_wait3A_752 = arith.constant 4 : i32
      %dma_wait3A_753 = arith.constant 0 : i32
      %dma_wait3A_754 = tpu.memref_slice %arg9[%dma_wait3A_751, %dma_wait3A_753] : memref<16x128xf32, #tpu.memory_space<vmem>> -> memref<1x128xf32, #tpu.memory_space<vmem>>
      %dma_wait3A_755 = tpu.memref_squeeze %dma_wait3A_754 : memref<1x128xf32, #tpu.memory_space<vmem>> -> memref<128xf32, #tpu.memory_space<vmem>>
      %dma_wait3A_756 = arith.constant 0 : i32
      %dma_wait3A_757 = tpu.memref_slice %arg8[%dma_wait3A_752, %dma_wait3A_756] : memref<16x128xi32, #tpu.memory_space<vmem>> -> memref<1x128xi32, #tpu.memory_space<vmem>>
      %dma_wait3A_758 = tpu.memref_squeeze %dma_wait3A_757 : memref<1x128xi32, #tpu.memory_space<vmem>> -> memref<128xi32, #tpu.memory_space<vmem>>
      %dma_wait3A_759 = arith.constant 0 : i32
      %dma_wait3A_760 = tpu.memref_slice %arg5[%dma_wait3A_759] : memref<1048576xf32, #tpu.memory_space<vmem_shared>> -> memref<1048576xf32, #tpu.memory_space<vmem_shared>>
      tpu.wait_indirect_dma semaphore(%arg12 : memref<!tpu.dma_semaphore, #tpu.memory_space<semaphore_mem>>) src(%dma_wait3A_755 : memref<128xf32, #tpu.memory_space<vmem>>) dst(%dma_wait3A_760 : memref<1048576xf32, #tpu.memory_space<vmem_shared>>)
    } else {
    }
    %gt3A_310 = arith.constant 5 : i32
    %gt3A_311 = arith.cmpi sgt, %div3A_205, %gt3A_310 : i32
    %convert_element_type3A_312 = arith.extui %gt3A_311 : i1 to i32
    %cond3A_313 = arith.constant 0 : i32
    %cond3A_314 = arith.cmpi ne, %convert_element_type3A_312, %cond3A_313 : i32
    scf.if %cond3A_314 {
      %dma_wait3A_751 = arith.constant 5 : i32
      %dma_wait3A_752 = arith.constant 5 : i32
      %dma_wait3A_753 = arith.constant 0 : i32
      %dma_wait3A_754 = tpu.memref_slice %arg9[%dma_wait3A_751, %dma_wait3A_753] : memref<16x128xf32, #tpu.memory_space<vmem>> -> memref<1x128xf32, #tpu.memory_space<vmem>>
      %dma_wait3A_755 = tpu.memref_squeeze %dma_wait3A_754 : memref<1x128xf32, #tpu.memory_space<vmem>> -> memref<128xf32, #tpu.memory_space<vmem>>
      %dma_wait3A_756 = arith.constant 0 : i32
      %dma_wait3A_757 = tpu.memref_slice %arg8[%dma_wait3A_752, %dma_wait3A_756] : memref<16x128xi32, #tpu.memory_space<vmem>> -> memref<1x128xi32, #tpu.memory_space<vmem>>
      %dma_wait3A_758 = tpu.memref_squeeze %dma_wait3A_757 : memref<1x128xi32, #tpu.memory_space<vmem>> -> memref<128xi32, #tpu.memory_space<vmem>>
      %dma_wait3A_759 = arith.constant 0 : i32
      %dma_wait3A_760 = tpu.memref_slice %arg5[%dma_wait3A_759] : memref<1048576xf32, #tpu.memory_space<vmem_shared>> -> memref<1048576xf32, #tpu.memory_space<vmem_shared>>
      tpu.wait_indirect_dma semaphore(%arg12 : memref<!tpu.dma_semaphore, #tpu.memory_space<semaphore_mem>>) src(%dma_wait3A_755 : memref<128xf32, #tpu.memory_space<vmem>>) dst(%dma_wait3A_760 : memref<1048576xf32, #tpu.memory_space<vmem_shared>>)
    } else {
    }
    %gt3A_315 = arith.constant 6 : i32
    %gt3A_316 = arith.cmpi sgt, %div3A_205, %gt3A_315 : i32
    %convert_element_type3A_317 = arith.extui %gt3A_316 : i1 to i32
    %cond3A_318 = arith.constant 0 : i32
    %cond3A_319 = arith.cmpi ne, %convert_element_type3A_317, %cond3A_318 : i32
    scf.if %cond3A_319 {
      %dma_wait3A_751 = arith.constant 6 : i32
      %dma_wait3A_752 = arith.constant 6 : i32
      %dma_wait3A_753 = arith.constant 0 : i32
      %dma_wait3A_754 = tpu.memref_slice %arg9[%dma_wait3A_751, %dma_wait3A_753] : memref<16x128xf32, #tpu.memory_space<vmem>> -> memref<1x128xf32, #tpu.memory_space<vmem>>
      %dma_wait3A_755 = tpu.memref_squeeze %dma_wait3A_754 : memref<1x128xf32, #tpu.memory_space<vmem>> -> memref<128xf32, #tpu.memory_space<vmem>>
      %dma_wait3A_756 = arith.constant 0 : i32
      %dma_wait3A_757 = tpu.memref_slice %arg8[%dma_wait3A_752, %dma_wait3A_756] : memref<16x128xi32, #tpu.memory_space<vmem>> -> memref<1x128xi32, #tpu.memory_space<vmem>>
      %dma_wait3A_758 = tpu.memref_squeeze %dma_wait3A_757 : memref<1x128xi32, #tpu.memory_space<vmem>> -> memref<128xi32, #tpu.memory_space<vmem>>
      %dma_wait3A_759 = arith.constant 0 : i32
      %dma_wait3A_760 = tpu.memref_slice %arg5[%dma_wait3A_759] : memref<1048576xf32, #tpu.memory_space<vmem_shared>> -> memref<1048576xf32, #tpu.memory_space<vmem_shared>>
      tpu.wait_indirect_dma semaphore(%arg12 : memref<!tpu.dma_semaphore, #tpu.memory_space<semaphore_mem>>) src(%dma_wait3A_755 : memref<128xf32, #tpu.memory_space<vmem>>) dst(%dma_wait3A_760 : memref<1048576xf32, #tpu.memory_space<vmem_shared>>)
    } else {
    }
    %gt3A_320 = arith.constant 7 : i32
    %gt3A_321 = arith.cmpi sgt, %div3A_205, %gt3A_320 : i32
    %convert_element_type3A_322 = arith.extui %gt3A_321 : i1 to i32
    %cond3A_323 = arith.constant 0 : i32
    %cond3A_324 = arith.cmpi ne, %convert_element_type3A_322, %cond3A_323 : i32
    scf.if %cond3A_324 {
      %dma_wait3A_751 = arith.constant 7 : i32
      %dma_wait3A_752 = arith.constant 7 : i32
      %dma_wait3A_753 = arith.constant 0 : i32
      %dma_wait3A_754 = tpu.memref_slice %arg9[%dma_wait3A_751, %dma_wait3A_753] : memref<16x128xf32, #tpu.memory_space<vmem>> -> memref<1x128xf32, #tpu.memory_space<vmem>>
      %dma_wait3A_755 = tpu.memref_squeeze %dma_wait3A_754 : memref<1x128xf32, #tpu.memory_space<vmem>> -> memref<128xf32, #tpu.memory_space<vmem>>
      %dma_wait3A_756 = arith.constant 0 : i32
      %dma_wait3A_757 = tpu.memref_slice %arg8[%dma_wait3A_752, %dma_wait3A_756] : memref<16x128xi32, #tpu.memory_space<vmem>> -> memref<1x128xi32, #tpu.memory_space<vmem>>
      %dma_wait3A_758 = tpu.memref_squeeze %dma_wait3A_757 : memref<1x128xi32, #tpu.memory_space<vmem>> -> memref<128xi32, #tpu.memory_space<vmem>>
      %dma_wait3A_759 = arith.constant 0 : i32
      %dma_wait3A_760 = tpu.memref_slice %arg5[%dma_wait3A_759] : memref<1048576xf32, #tpu.memory_space<vmem_shared>> -> memref<1048576xf32, #tpu.memory_space<vmem_shared>>
      tpu.wait_indirect_dma semaphore(%arg12 : memref<!tpu.dma_semaphore, #tpu.memory_space<semaphore_mem>>) src(%dma_wait3A_755 : memref<128xf32, #tpu.memory_space<vmem>>) dst(%dma_wait3A_760 : memref<1048576xf32, #tpu.memory_space<vmem_shared>>)
    } else {
    }
    %gt3A_325 = arith.constant 8 : i32
    %gt3A_326 = arith.cmpi sgt, %div3A_205, %gt3A_325 : i32
    %convert_element_type3A_327 = arith.extui %gt3A_326 : i1 to i32
    %cond3A_328 = arith.constant 0 : i32
    %cond3A_329 = arith.cmpi ne, %convert_element_type3A_327, %cond3A_328 : i32
    scf.if %cond3A_329 {
      %dma_wait3A_751 = arith.constant 8 : i32
      %dma_wait3A_752 = arith.constant 8 : i32
      %dma_wait3A_753 = arith.constant 0 : i32
      %dma_wait3A_754 = tpu.memref_slice %arg9[%dma_wait3A_751, %dma_wait3A_753] : memref<16x128xf32, #tpu.memory_space<vmem>> -> memref<1x128xf32, #tpu.memory_space<vmem>>
      %dma_wait3A_755 = tpu.memref_squeeze %dma_wait3A_754 : memref<1x128xf32, #tpu.memory_space<vmem>> -> memref<128xf32, #tpu.memory_space<vmem>>
      %dma_wait3A_756 = arith.constant 0 : i32
      %dma_wait3A_757 = tpu.memref_slice %arg8[%dma_wait3A_752, %dma_wait3A_756] : memref<16x128xi32, #tpu.memory_space<vmem>> -> memref<1x128xi32, #tpu.memory_space<vmem>>
      %dma_wait3A_758 = tpu.memref_squeeze %dma_wait3A_757 : memref<1x128xi32, #tpu.memory_space<vmem>> -> memref<128xi32, #tpu.memory_space<vmem>>
      %dma_wait3A_759 = arith.constant 0 : i32
      %dma_wait3A_760 = tpu.memref_slice %arg5[%dma_wait3A_759] : memref<1048576xf32, #tpu.memory_space<vmem_shared>> -> memref<1048576xf32, #tpu.memory_space<vmem_shared>>
      tpu.wait_indirect_dma semaphore(%arg12 : memref<!tpu.dma_semaphore, #tpu.memory_space<semaphore_mem>>) src(%dma_wait3A_755 : memref<128xf32, #tpu.memory_space<vmem>>) dst(%dma_wait3A_760 : memref<1048576xf32, #tpu.memory_space<vmem_shared>>)
    } else {
    }
    %gt3A_330 = arith.constant 9 : i32
    %gt3A_331 = arith.cmpi sgt, %div3A_205, %gt3A_330 : i32
    %convert_element_type3A_332 = arith.extui %gt3A_331 : i1 to i32
    %cond3A_333 = arith.constant 0 : i32
    %cond3A_334 = arith.cmpi ne, %convert_element_type3A_332, %cond3A_333 : i32
    scf.if %cond3A_334 {
      %dma_wait3A_751 = arith.constant 9 : i32
      %dma_wait3A_752 = arith.constant 9 : i32
      %dma_wait3A_753 = arith.constant 0 : i32
      %dma_wait3A_754 = tpu.memref_slice %arg9[%dma_wait3A_751, %dma_wait3A_753] : memref<16x128xf32, #tpu.memory_space<vmem>> -> memref<1x128xf32, #tpu.memory_space<vmem>>
      %dma_wait3A_755 = tpu.memref_squeeze %dma_wait3A_754 : memref<1x128xf32, #tpu.memory_space<vmem>> -> memref<128xf32, #tpu.memory_space<vmem>>
      %dma_wait3A_756 = arith.constant 0 : i32
      %dma_wait3A_757 = tpu.memref_slice %arg8[%dma_wait3A_752, %dma_wait3A_756] : memref<16x128xi32, #tpu.memory_space<vmem>> -> memref<1x128xi32, #tpu.memory_space<vmem>>
      %dma_wait3A_758 = tpu.memref_squeeze %dma_wait3A_757 : memref<1x128xi32, #tpu.memory_space<vmem>> -> memref<128xi32, #tpu.memory_space<vmem>>
      %dma_wait3A_759 = arith.constant 0 : i32
      %dma_wait3A_760 = tpu.memref_slice %arg5[%dma_wait3A_759] : memref<1048576xf32, #tpu.memory_space<vmem_shared>> -> memref<1048576xf32, #tpu.memory_space<vmem_shared>>
      tpu.wait_indirect_dma semaphore(%arg12 : memref<!tpu.dma_semaphore, #tpu.memory_space<semaphore_mem>>) src(%dma_wait3A_755 : memref<128xf32, #tpu.memory_space<vmem>>) dst(%dma_wait3A_760 : memref<1048576xf32, #tpu.memory_space<vmem_shared>>)
    } else {
    }
    %gt3A_335 = arith.constant 10 : i32
    %gt3A_336 = arith.cmpi sgt, %div3A_205, %gt3A_335 : i32
    %convert_element_type3A_337 = arith.extui %gt3A_336 : i1 to i32
    %cond3A_338 = arith.constant 0 : i32
    %cond3A_339 = arith.cmpi ne, %convert_element_type3A_337, %cond3A_338 : i32
    scf.if %cond3A_339 {
      %dma_wait3A_751 = arith.constant 10 : i32
      %dma_wait3A_752 = arith.constant 10 : i32
      %dma_wait3A_753 = arith.constant 0 : i32
      %dma_wait3A_754 = tpu.memref_slice %arg9[%dma_wait3A_751, %dma_wait3A_753] : memref<16x128xf32, #tpu.memory_space<vmem>> -> memref<1x128xf32, #tpu.memory_space<vmem>>
      %dma_wait3A_755 = tpu.memref_squeeze %dma_wait3A_754 : memref<1x128xf32, #tpu.memory_space<vmem>> -> memref<128xf32, #tpu.memory_space<vmem>>
      %dma_wait3A_756 = arith.constant 0 : i32
      %dma_wait3A_757 = tpu.memref_slice %arg8[%dma_wait3A_752, %dma_wait3A_756] : memref<16x128xi32, #tpu.memory_space<vmem>> -> memref<1x128xi32, #tpu.memory_space<vmem>>
      %dma_wait3A_758 = tpu.memref_squeeze %dma_wait3A_757 : memref<1x128xi32, #tpu.memory_space<vmem>> -> memref<128xi32, #tpu.memory_space<vmem>>
      %dma_wait3A_759 = arith.constant 0 : i32
      %dma_wait3A_760 = tpu.memref_slice %arg5[%dma_wait3A_759] : memref<1048576xf32, #tpu.memory_space<vmem_shared>> -> memref<1048576xf32, #tpu.memory_space<vmem_shared>>
      tpu.wait_indirect_dma semaphore(%arg12 : memref<!tpu.dma_semaphore, #tpu.memory_space<semaphore_mem>>) src(%dma_wait3A_755 : memref<128xf32, #tpu.memory_space<vmem>>) dst(%dma_wait3A_760 : memref<1048576xf32, #tpu.memory_space<vmem_shared>>)
    } else {
    }
    %gt3A_340 = arith.constant 11 : i32
    %gt3A_341 = arith.cmpi sgt, %div3A_205, %gt3A_340 : i32
    %convert_element_type3A_342 = arith.extui %gt3A_341 : i1 to i32
    %cond3A_343 = arith.constant 0 : i32
    %cond3A_344 = arith.cmpi ne, %convert_element_type3A_342, %cond3A_343 : i32
    scf.if %cond3A_344 {
      %dma_wait3A_751 = arith.constant 11 : i32
      %dma_wait3A_752 = arith.constant 11 : i32
      %dma_wait3A_753 = arith.constant 0 : i32
      %dma_wait3A_754 = tpu.memref_slice %arg9[%dma_wait3A_751, %dma_wait3A_753] : memref<16x128xf32, #tpu.memory_space<vmem>> -> memref<1x128xf32, #tpu.memory_space<vmem>>
      %dma_wait3A_755 = tpu.memref_squeeze %dma_wait3A_754 : memref<1x128xf32, #tpu.memory_space<vmem>> -> memref<128xf32, #tpu.memory_space<vmem>>
      %dma_wait3A_756 = arith.constant 0 : i32
      %dma_wait3A_757 = tpu.memref_slice %arg8[%dma_wait3A_752, %dma_wait3A_756] : memref<16x128xi32, #tpu.memory_space<vmem>> -> memref<1x128xi32, #tpu.memory_space<vmem>>
      %dma_wait3A_758 = tpu.memref_squeeze %dma_wait3A_757 : memref<1x128xi32, #tpu.memory_space<vmem>> -> memref<128xi32, #tpu.memory_space<vmem>>
      %dma_wait3A_759 = arith.constant 0 : i32
      %dma_wait3A_760 = tpu.memref_slice %arg5[%dma_wait3A_759] : memref<1048576xf32, #tpu.memory_space<vmem_shared>> -> memref<1048576xf32, #tpu.memory_space<vmem_shared>>
      tpu.wait_indirect_dma semaphore(%arg12 : memref<!tpu.dma_semaphore, #tpu.memory_space<semaphore_mem>>) src(%dma_wait3A_755 : memref<128xf32, #tpu.memory_space<vmem>>) dst(%dma_wait3A_760 : memref<1048576xf32, #tpu.memory_space<vmem_shared>>)
    } else {
    }
    %gt3A_345 = arith.constant 12 : i32
    %gt3A_346 = arith.cmpi sgt, %div3A_205, %gt3A_345 : i32
    %convert_element_type3A_347 = arith.extui %gt3A_346 : i1 to i32
    %cond3A_348 = arith.constant 0 : i32
    %cond3A_349 = arith.cmpi ne, %convert_element_type3A_347, %cond3A_348 : i32
    scf.if %cond3A_349 {
      %dma_wait3A_751 = arith.constant 12 : i32
      %dma_wait3A_752 = arith.constant 12 : i32
      %dma_wait3A_753 = arith.constant 0 : i32
      %dma_wait3A_754 = tpu.memref_slice %arg9[%dma_wait3A_751, %dma_wait3A_753] : memref<16x128xf32, #tpu.memory_space<vmem>> -> memref<1x128xf32, #tpu.memory_space<vmem>>
      %dma_wait3A_755 = tpu.memref_squeeze %dma_wait3A_754 : memref<1x128xf32, #tpu.memory_space<vmem>> -> memref<128xf32, #tpu.memory_space<vmem>>
      %dma_wait3A_756 = arith.constant 0 : i32
      %dma_wait3A_757 = tpu.memref_slice %arg8[%dma_wait3A_752, %dma_wait3A_756] : memref<16x128xi32, #tpu.memory_space<vmem>> -> memref<1x128xi32, #tpu.memory_space<vmem>>
      %dma_wait3A_758 = tpu.memref_squeeze %dma_wait3A_757 : memref<1x128xi32, #tpu.memory_space<vmem>> -> memref<128xi32, #tpu.memory_space<vmem>>
      %dma_wait3A_759 = arith.constant 0 : i32
      %dma_wait3A_760 = tpu.memref_slice %arg5[%dma_wait3A_759] : memref<1048576xf32, #tpu.memory_space<vmem_shared>> -> memref<1048576xf32, #tpu.memory_space<vmem_shared>>
      tpu.wait_indirect_dma semaphore(%arg12 : memref<!tpu.dma_semaphore, #tpu.memory_space<semaphore_mem>>) src(%dma_wait3A_755 : memref<128xf32, #tpu.memory_space<vmem>>) dst(%dma_wait3A_760 : memref<1048576xf32, #tpu.memory_space<vmem_shared>>)
    } else {
    }
    %gt3A_350 = arith.constant 13 : i32
    %gt3A_351 = arith.cmpi sgt, %div3A_205, %gt3A_350 : i32
    %convert_element_type3A_352 = arith.extui %gt3A_351 : i1 to i32
    %cond3A_353 = arith.constant 0 : i32
    %cond3A_354 = arith.cmpi ne, %convert_element_type3A_352, %cond3A_353 : i32
    scf.if %cond3A_354 {
      %dma_wait3A_751 = arith.constant 13 : i32
      %dma_wait3A_752 = arith.constant 13 : i32
      %dma_wait3A_753 = arith.constant 0 : i32
      %dma_wait3A_754 = tpu.memref_slice %arg9[%dma_wait3A_751, %dma_wait3A_753] : memref<16x128xf32, #tpu.memory_space<vmem>> -> memref<1x128xf32, #tpu.memory_space<vmem>>
      %dma_wait3A_755 = tpu.memref_squeeze %dma_wait3A_754 : memref<1x128xf32, #tpu.memory_space<vmem>> -> memref<128xf32, #tpu.memory_space<vmem>>
      %dma_wait3A_756 = arith.constant 0 : i32
      %dma_wait3A_757 = tpu.memref_slice %arg8[%dma_wait3A_752, %dma_wait3A_756] : memref<16x128xi32, #tpu.memory_space<vmem>> -> memref<1x128xi32, #tpu.memory_space<vmem>>
      %dma_wait3A_758 = tpu.memref_squeeze %dma_wait3A_757 : memref<1x128xi32, #tpu.memory_space<vmem>> -> memref<128xi32, #tpu.memory_space<vmem>>
      %dma_wait3A_759 = arith.constant 0 : i32
      %dma_wait3A_760 = tpu.memref_slice %arg5[%dma_wait3A_759] : memref<1048576xf32, #tpu.memory_space<vmem_shared>> -> memref<1048576xf32, #tpu.memory_space<vmem_shared>>
      tpu.wait_indirect_dma semaphore(%arg12 : memref<!tpu.dma_semaphore, #tpu.memory_space<semaphore_mem>>) src(%dma_wait3A_755 : memref<128xf32, #tpu.memory_space<vmem>>) dst(%dma_wait3A_760 : memref<1048576xf32, #tpu.memory_space<vmem_shared>>)
    } else {
    }
    %gt3A_355 = arith.constant 14 : i32
    %gt3A_356 = arith.cmpi sgt, %div3A_205, %gt3A_355 : i32
    %convert_element_type3A_357 = arith.extui %gt3A_356 : i1 to i32
    %cond3A_358 = arith.constant 0 : i32
    %cond3A_359 = arith.cmpi ne, %convert_element_type3A_357, %cond3A_358 : i32
    scf.if %cond3A_359 {
      %dma_wait3A_751 = arith.constant 14 : i32
      %dma_wait3A_752 = arith.constant 14 : i32
      %dma_wait3A_753 = arith.constant 0 : i32
      %dma_wait3A_754 = tpu.memref_slice %arg9[%dma_wait3A_751, %dma_wait3A_753] : memref<16x128xf32, #tpu.memory_space<vmem>> -> memref<1x128xf32, #tpu.memory_space<vmem>>
      %dma_wait3A_755 = tpu.memref_squeeze %dma_wait3A_754 : memref<1x128xf32, #tpu.memory_space<vmem>> -> memref<128xf32, #tpu.memory_space<vmem>>
      %dma_wait3A_756 = arith.constant 0 : i32
      %dma_wait3A_757 = tpu.memref_slice %arg8[%dma_wait3A_752, %dma_wait3A_756] : memref<16x128xi32, #tpu.memory_space<vmem>> -> memref<1x128xi32, #tpu.memory_space<vmem>>
      %dma_wait3A_758 = tpu.memref_squeeze %dma_wait3A_757 : memref<1x128xi32, #tpu.memory_space<vmem>> -> memref<128xi32, #tpu.memory_space<vmem>>
      %dma_wait3A_759 = arith.constant 0 : i32
      %dma_wait3A_760 = tpu.memref_slice %arg5[%dma_wait3A_759] : memref<1048576xf32, #tpu.memory_space<vmem_shared>> -> memref<1048576xf32, #tpu.memory_space<vmem_shared>>
      tpu.wait_indirect_dma semaphore(%arg12 : memref<!tpu.dma_semaphore, #tpu.memory_space<semaphore_mem>>) src(%dma_wait3A_755 : memref<128xf32, #tpu.memory_space<vmem>>) dst(%dma_wait3A_760 : memref<1048576xf32, #tpu.memory_space<vmem_shared>>)
    } else {
    }
    %gt3A_360 = arith.constant 15 : i32
    %gt3A_361 = arith.cmpi sgt, %div3A_205, %gt3A_360 : i32
    %convert_element_type3A_362 = arith.extui %gt3A_361 : i1 to i32
    %cond3A_363 = arith.constant 0 : i32
    %cond3A_364 = arith.cmpi ne, %convert_element_type3A_362, %cond3A_363 : i32
    scf.if %cond3A_364 {
      %dma_wait3A_751 = arith.constant 15 : i32
      %dma_wait3A_752 = arith.constant 15 : i32
      %dma_wait3A_753 = arith.constant 0 : i32
      %dma_wait3A_754 = tpu.memref_slice %arg9[%dma_wait3A_751, %dma_wait3A_753] : memref<16x128xf32, #tpu.memory_space<vmem>> -> memref<1x128xf32, #tpu.memory_space<vmem>>
      %dma_wait3A_755 = tpu.memref_squeeze %dma_wait3A_754 : memref<1x128xf32, #tpu.memory_space<vmem>> -> memref<128xf32, #tpu.memory_space<vmem>>
      %dma_wait3A_756 = arith.constant 0 : i32
      %dma_wait3A_757 = tpu.memref_slice %arg8[%dma_wait3A_752, %dma_wait3A_756] : memref<16x128xi32, #tpu.memory_space<vmem>> -> memref<1x128xi32, #tpu.memory_space<vmem>>
      %dma_wait3A_758 = tpu.memref_squeeze %dma_wait3A_757 : memref<1x128xi32, #tpu.memory_space<vmem>> -> memref<128xi32, #tpu.memory_space<vmem>>
      %dma_wait3A_759 = arith.constant 0 : i32
      %dma_wait3A_760 = tpu.memref_slice %arg5[%dma_wait3A_759] : memref<1048576xf32, #tpu.memory_space<vmem_shared>> -> memref<1048576xf32, #tpu.memory_space<vmem_shared>>
      tpu.wait_indirect_dma semaphore(%arg12 : memref<!tpu.dma_semaphore, #tpu.memory_space<semaphore_mem>>) src(%dma_wait3A_755 : memref<128xf32, #tpu.memory_space<vmem>>) dst(%dma_wait3A_760 : memref<1048576xf32, #tpu.memory_space<vmem_shared>>)
    } else {
    }
    %barrier3A_365 = arith.constant 0 : index
    tpu.barrier barrier_id(%barrier3A_365)
    %mul3A_366 = arith.constant 2048 : i32
    %mul3A_367 = arith.muli %add3A_7, %mul3A_366 : i32
    %mul3A_368 = arith.constant 65536 : i32
    %mul3A_369 = arith.muli %arg1, %mul3A_368 : i32
    %add3A_370 = arith.addi %mul3A_367, %mul3A_369 : i32
    %mul3A_371 = arith.constant 65536 : i32
    %mul3A_372 = arith.muli %arg1, %mul3A_371 : i32
    "tpu.region"() ({
      %run_scoped3A = tpu.sem_alloc : memref<!tpu.dma_semaphore, #tpu.memory_space<semaphore_mem>>
      %dma_start3A_751 = tpu.memref_slice %arg4[%add3A_370] : memref<4194304xf32, #tpu.memory_space<hbm>> -> memref<65536xf32, #tpu.memory_space<hbm>>
      %dma_start3A_752 = tpu.memref_slice %arg5[%mul3A_372] : memref<1048576xf32, #tpu.memory_space<vmem_shared>> -> memref<65536xf32, #tpu.memory_space<vmem_shared>>
      tpu.enqueue_dma source(%dma_start3A_752 : memref<65536xf32, #tpu.memory_space<vmem_shared>>) target(%dma_start3A_751 : memref<65536xf32, #tpu.memory_space<hbm>>) target_semaphore(%run_scoped3A : memref<!tpu.dma_semaphore, #tpu.memory_space<semaphore_mem>>)
      %dma_wait3A_753 = tpu.memref_slice %arg4[%add3A_370] : memref<4194304xf32, #tpu.memory_space<hbm>> -> memref<65536xf32, #tpu.memory_space<hbm>>
      %dma_wait3A_754 = tpu.memref_slice %arg5[%mul3A_372] : memref<1048576xf32, #tpu.memory_space<vmem_shared>> -> memref<65536xf32, #tpu.memory_space<vmem_shared>>
      tpu.wait_dma2 semaphore(%run_scoped3A : memref<!tpu.dma_semaphore, #tpu.memory_space<semaphore_mem>>) src(%dma_wait3A_754 : memref<65536xf32, #tpu.memory_space<vmem_shared>>) dst(%dma_wait3A_753 : memref<65536xf32, #tpu.memory_space<hbm>>)
      tpu.yield
    }) : () -> ()
    %mul3A_373 = arith.constant 1024 : i32
    %mul3A_374 = arith.muli %arg0, %mul3A_373 : i32
    %add3A_375 = arith.constant 512 : i32
    %add3A_376 = arith.addi %mul3A_374, %add3A_375 : i32
    %mul3A_377 = arith.constant 65536 : i32
    %mul3A_378 = arith.muli %arg1, %mul3A_377 : i32
    %add3A_379 = arith.constant 0 : i32
    %add3A_380 = arith.addi %mul3A_378, %add3A_379 : i32
    %dma_start3A_381 = tpu.memref_slice %arg5[%add3A_380] : memref<1048576xf32, #tpu.memory_space<vmem_shared>> -> memref<4096xf32, #tpu.memory_space<vmem_shared>>
    %dma_start3A_382 = tpu.memref_slice %arg5[%add3A_380] : memref<1048576xf32, #tpu.memory_space<vmem_shared>> -> memref<4096xf32, #tpu.memory_space<vmem_shared>>
    tpu.enqueue_dma source(%arg11 : memref<4096xf32, #tpu.memory_space<vmem>>) target(%dma_start3A_382 : memref<4096xf32, #tpu.memory_space<vmem_shared>>) target_semaphore(%arg12 : memref<!tpu.dma_semaphore, #tpu.memory_space<semaphore_mem>>)
    %mul3A_383 = arith.constant 65536 : i32
    %mul3A_384 = arith.muli %arg1, %mul3A_383 : i32
    %add3A_385 = arith.constant 4096 : i32
    %add3A_386 = arith.addi %mul3A_384, %add3A_385 : i32
    %dma_start3A_387 = tpu.memref_slice %arg5[%add3A_386] : memref<1048576xf32, #tpu.memory_space<vmem_shared>> -> memref<4096xf32, #tpu.memory_space<vmem_shared>>
    %dma_start3A_388 = tpu.memref_slice %arg5[%add3A_386] : memref<1048576xf32, #tpu.memory_space<vmem_shared>> -> memref<4096xf32, #tpu.memory_space<vmem_shared>>
    tpu.enqueue_dma source(%arg11 : memref<4096xf32, #tpu.memory_space<vmem>>) target(%dma_start3A_388 : memref<4096xf32, #tpu.memory_space<vmem_shared>>) target_semaphore(%arg12 : memref<!tpu.dma_semaphore, #tpu.memory_space<semaphore_mem>>)
    %mul3A_389 = arith.constant 65536 : i32
    %mul3A_390 = arith.muli %arg1, %mul3A_389 : i32
    %add3A_391 = arith.constant 8192 : i32
    %add3A_392 = arith.addi %mul3A_390, %add3A_391 : i32
    %dma_start3A_393 = tpu.memref_slice %arg5[%add3A_392] : memref<1048576xf32, #tpu.memory_space<vmem_shared>> -> memref<4096xf32, #tpu.memory_space<vmem_shared>>
    %dma_start3A_394 = tpu.memref_slice %arg5[%add3A_392] : memref<1048576xf32, #tpu.memory_space<vmem_shared>> -> memref<4096xf32, #tpu.memory_space<vmem_shared>>
    tpu.enqueue_dma source(%arg11 : memref<4096xf32, #tpu.memory_space<vmem>>) target(%dma_start3A_394 : memref<4096xf32, #tpu.memory_space<vmem_shared>>) target_semaphore(%arg12 : memref<!tpu.dma_semaphore, #tpu.memory_space<semaphore_mem>>)
    %mul3A_395 = arith.constant 65536 : i32
    %mul3A_396 = arith.muli %arg1, %mul3A_395 : i32
    %add3A_397 = arith.constant 12288 : i32
    %add3A_398 = arith.addi %mul3A_396, %add3A_397 : i32
    %dma_start3A_399 = tpu.memref_slice %arg5[%add3A_398] : memref<1048576xf32, #tpu.memory_space<vmem_shared>> -> memref<4096xf32, #tpu.memory_space<vmem_shared>>
    %dma_start3A_400 = tpu.memref_slice %arg5[%add3A_398] : memref<1048576xf32, #tpu.memory_space<vmem_shared>> -> memref<4096xf32, #tpu.memory_space<vmem_shared>>
    tpu.enqueue_dma source(%arg11 : memref<4096xf32, #tpu.memory_space<vmem>>) target(%dma_start3A_400 : memref<4096xf32, #tpu.memory_space<vmem_shared>>) target_semaphore(%arg12 : memref<!tpu.dma_semaphore, #tpu.memory_space<semaphore_mem>>)
    %mul3A_401 = arith.constant 65536 : i32
    %mul3A_402 = arith.muli %arg1, %mul3A_401 : i32
    %add3A_403 = arith.constant 16384 : i32
    %add3A_404 = arith.addi %mul3A_402, %add3A_403 : i32
    %dma_start3A_405 = tpu.memref_slice %arg5[%add3A_404] : memref<1048576xf32, #tpu.memory_space<vmem_shared>> -> memref<4096xf32, #tpu.memory_space<vmem_shared>>
    %dma_start3A_406 = tpu.memref_slice %arg5[%add3A_404] : memref<1048576xf32, #tpu.memory_space<vmem_shared>> -> memref<4096xf32, #tpu.memory_space<vmem_shared>>
    tpu.enqueue_dma source(%arg11 : memref<4096xf32, #tpu.memory_space<vmem>>) target(%dma_start3A_406 : memref<4096xf32, #tpu.memory_space<vmem_shared>>) target_semaphore(%arg12 : memref<!tpu.dma_semaphore, #tpu.memory_space<semaphore_mem>>)
    %mul3A_407 = arith.constant 65536 : i32
    %mul3A_408 = arith.muli %arg1, %mul3A_407 : i32
    %add3A_409 = arith.constant 20480 : i32
    %add3A_410 = arith.addi %mul3A_408, %add3A_409 : i32
    %dma_start3A_411 = tpu.memref_slice %arg5[%add3A_410] : memref<1048576xf32, #tpu.memory_space<vmem_shared>> -> memref<4096xf32, #tpu.memory_space<vmem_shared>>
    %dma_start3A_412 = tpu.memref_slice %arg5[%add3A_410] : memref<1048576xf32, #tpu.memory_space<vmem_shared>> -> memref<4096xf32, #tpu.memory_space<vmem_shared>>
    tpu.enqueue_dma source(%arg11 : memref<4096xf32, #tpu.memory_space<vmem>>) target(%dma_start3A_412 : memref<4096xf32, #tpu.memory_space<vmem_shared>>) target_semaphore(%arg12 : memref<!tpu.dma_semaphore, #tpu.memory_space<semaphore_mem>>)
    %mul3A_413 = arith.constant 65536 : i32
    %mul3A_414 = arith.muli %arg1, %mul3A_413 : i32
    %add3A_415 = arith.constant 24576 : i32
    %add3A_416 = arith.addi %mul3A_414, %add3A_415 : i32
    %dma_start3A_417 = tpu.memref_slice %arg5[%add3A_416] : memref<1048576xf32, #tpu.memory_space<vmem_shared>> -> memref<4096xf32, #tpu.memory_space<vmem_shared>>
    %dma_start3A_418 = tpu.memref_slice %arg5[%add3A_416] : memref<1048576xf32, #tpu.memory_space<vmem_shared>> -> memref<4096xf32, #tpu.memory_space<vmem_shared>>
    tpu.enqueue_dma source(%arg11 : memref<4096xf32, #tpu.memory_space<vmem>>) target(%dma_start3A_418 : memref<4096xf32, #tpu.memory_space<vmem_shared>>) target_semaphore(%arg12 : memref<!tpu.dma_semaphore, #tpu.memory_space<semaphore_mem>>)
    %mul3A_419 = arith.constant 65536 : i32
    %mul3A_420 = arith.muli %arg1, %mul3A_419 : i32
    %add3A_421 = arith.constant 28672 : i32
    %add3A_422 = arith.addi %mul3A_420, %add3A_421 : i32
    %dma_start3A_423 = tpu.memref_slice %arg5[%add3A_422] : memref<1048576xf32, #tpu.memory_space<vmem_shared>> -> memref<4096xf32, #tpu.memory_space<vmem_shared>>
    %dma_start3A_424 = tpu.memref_slice %arg5[%add3A_422] : memref<1048576xf32, #tpu.memory_space<vmem_shared>> -> memref<4096xf32, #tpu.memory_space<vmem_shared>>
    tpu.enqueue_dma source(%arg11 : memref<4096xf32, #tpu.memory_space<vmem>>) target(%dma_start3A_424 : memref<4096xf32, #tpu.memory_space<vmem_shared>>) target_semaphore(%arg12 : memref<!tpu.dma_semaphore, #tpu.memory_space<semaphore_mem>>)
    %mul3A_425 = arith.constant 65536 : i32
    %mul3A_426 = arith.muli %arg1, %mul3A_425 : i32
    %add3A_427 = arith.constant 32768 : i32
    %add3A_428 = arith.addi %mul3A_426, %add3A_427 : i32
    %dma_start3A_429 = tpu.memref_slice %arg5[%add3A_428] : memref<1048576xf32, #tpu.memory_space<vmem_shared>> -> memref<4096xf32, #tpu.memory_space<vmem_shared>>
    %dma_start3A_430 = tpu.memref_slice %arg5[%add3A_428] : memref<1048576xf32, #tpu.memory_space<vmem_shared>> -> memref<4096xf32, #tpu.memory_space<vmem_shared>>
    tpu.enqueue_dma source(%arg11 : memref<4096xf32, #tpu.memory_space<vmem>>) target(%dma_start3A_430 : memref<4096xf32, #tpu.memory_space<vmem_shared>>) target_semaphore(%arg12 : memref<!tpu.dma_semaphore, #tpu.memory_space<semaphore_mem>>)
    %mul3A_431 = arith.constant 65536 : i32
    %mul3A_432 = arith.muli %arg1, %mul3A_431 : i32
    %add3A_433 = arith.constant 36864 : i32
    %add3A_434 = arith.addi %mul3A_432, %add3A_433 : i32
    %dma_start3A_435 = tpu.memref_slice %arg5[%add3A_434] : memref<1048576xf32, #tpu.memory_space<vmem_shared>> -> memref<4096xf32, #tpu.memory_space<vmem_shared>>
    %dma_start3A_436 = tpu.memref_slice %arg5[%add3A_434] : memref<1048576xf32, #tpu.memory_space<vmem_shared>> -> memref<4096xf32, #tpu.memory_space<vmem_shared>>
    tpu.enqueue_dma source(%arg11 : memref<4096xf32, #tpu.memory_space<vmem>>) target(%dma_start3A_436 : memref<4096xf32, #tpu.memory_space<vmem_shared>>) target_semaphore(%arg12 : memref<!tpu.dma_semaphore, #tpu.memory_space<semaphore_mem>>)
    %mul3A_437 = arith.constant 65536 : i32
    %mul3A_438 = arith.muli %arg1, %mul3A_437 : i32
    %add3A_439 = arith.constant 40960 : i32
    %add3A_440 = arith.addi %mul3A_438, %add3A_439 : i32
    %dma_start3A_441 = tpu.memref_slice %arg5[%add3A_440] : memref<1048576xf32, #tpu.memory_space<vmem_shared>> -> memref<4096xf32, #tpu.memory_space<vmem_shared>>
    %dma_start3A_442 = tpu.memref_slice %arg5[%add3A_440] : memref<1048576xf32, #tpu.memory_space<vmem_shared>> -> memref<4096xf32, #tpu.memory_space<vmem_shared>>
    tpu.enqueue_dma source(%arg11 : memref<4096xf32, #tpu.memory_space<vmem>>) target(%dma_start3A_442 : memref<4096xf32, #tpu.memory_space<vmem_shared>>) target_semaphore(%arg12 : memref<!tpu.dma_semaphore, #tpu.memory_space<semaphore_mem>>)
    %mul3A_443 = arith.constant 65536 : i32
    %mul3A_444 = arith.muli %arg1, %mul3A_443 : i32
    %add3A_445 = arith.constant 45056 : i32
    %add3A_446 = arith.addi %mul3A_444, %add3A_445 : i32
    %dma_start3A_447 = tpu.memref_slice %arg5[%add3A_446] : memref<1048576xf32, #tpu.memory_space<vmem_shared>> -> memref<4096xf32, #tpu.memory_space<vmem_shared>>
    %dma_start3A_448 = tpu.memref_slice %arg5[%add3A_446] : memref<1048576xf32, #tpu.memory_space<vmem_shared>> -> memref<4096xf32, #tpu.memory_space<vmem_shared>>
    tpu.enqueue_dma source(%arg11 : memref<4096xf32, #tpu.memory_space<vmem>>) target(%dma_start3A_448 : memref<4096xf32, #tpu.memory_space<vmem_shared>>) target_semaphore(%arg12 : memref<!tpu.dma_semaphore, #tpu.memory_space<semaphore_mem>>)
    %mul3A_449 = arith.constant 65536 : i32
    %mul3A_450 = arith.muli %arg1, %mul3A_449 : i32
    %add3A_451 = arith.constant 49152 : i32
    %add3A_452 = arith.addi %mul3A_450, %add3A_451 : i32
    %dma_start3A_453 = tpu.memref_slice %arg5[%add3A_452] : memref<1048576xf32, #tpu.memory_space<vmem_shared>> -> memref<4096xf32, #tpu.memory_space<vmem_shared>>
    %dma_start3A_454 = tpu.memref_slice %arg5[%add3A_452] : memref<1048576xf32, #tpu.memory_space<vmem_shared>> -> memref<4096xf32, #tpu.memory_space<vmem_shared>>
    tpu.enqueue_dma source(%arg11 : memref<4096xf32, #tpu.memory_space<vmem>>) target(%dma_start3A_454 : memref<4096xf32, #tpu.memory_space<vmem_shared>>) target_semaphore(%arg12 : memref<!tpu.dma_semaphore, #tpu.memory_space<semaphore_mem>>)
    %mul3A_455 = arith.constant 65536 : i32
    %mul3A_456 = arith.muli %arg1, %mul3A_455 : i32
    %add3A_457 = arith.constant 53248 : i32
    %add3A_458 = arith.addi %mul3A_456, %add3A_457 : i32
    %dma_start3A_459 = tpu.memref_slice %arg5[%add3A_458] : memref<1048576xf32, #tpu.memory_space<vmem_shared>> -> memref<4096xf32, #tpu.memory_space<vmem_shared>>
    %dma_start3A_460 = tpu.memref_slice %arg5[%add3A_458] : memref<1048576xf32, #tpu.memory_space<vmem_shared>> -> memref<4096xf32, #tpu.memory_space<vmem_shared>>
    tpu.enqueue_dma source(%arg11 : memref<4096xf32, #tpu.memory_space<vmem>>) target(%dma_start3A_460 : memref<4096xf32, #tpu.memory_space<vmem_shared>>) target_semaphore(%arg12 : memref<!tpu.dma_semaphore, #tpu.memory_space<semaphore_mem>>)
    %mul3A_461 = arith.constant 65536 : i32
    %mul3A_462 = arith.muli %arg1, %mul3A_461 : i32
    %add3A_463 = arith.constant 57344 : i32
    %add3A_464 = arith.addi %mul3A_462, %add3A_463 : i32
    %dma_start3A_465 = tpu.memref_slice %arg5[%add3A_464] : memref<1048576xf32, #tpu.memory_space<vmem_shared>> -> memref<4096xf32, #tpu.memory_space<vmem_shared>>
    %dma_start3A_466 = tpu.memref_slice %arg5[%add3A_464] : memref<1048576xf32, #tpu.memory_space<vmem_shared>> -> memref<4096xf32, #tpu.memory_space<vmem_shared>>
    tpu.enqueue_dma source(%arg11 : memref<4096xf32, #tpu.memory_space<vmem>>) target(%dma_start3A_466 : memref<4096xf32, #tpu.memory_space<vmem_shared>>) target_semaphore(%arg12 : memref<!tpu.dma_semaphore, #tpu.memory_space<semaphore_mem>>)
    %mul3A_467 = arith.constant 65536 : i32
    %mul3A_468 = arith.muli %arg1, %mul3A_467 : i32
    %add3A_469 = arith.constant 61440 : i32
    %add3A_470 = arith.addi %mul3A_468, %add3A_469 : i32
    %dma_start3A_471 = tpu.memref_slice %arg5[%add3A_470] : memref<1048576xf32, #tpu.memory_space<vmem_shared>> -> memref<4096xf32, #tpu.memory_space<vmem_shared>>
    %dma_start3A_472 = tpu.memref_slice %arg5[%add3A_470] : memref<1048576xf32, #tpu.memory_space<vmem_shared>> -> memref<4096xf32, #tpu.memory_space<vmem_shared>>
    tpu.enqueue_dma source(%arg11 : memref<4096xf32, #tpu.memory_space<vmem>>) target(%dma_start3A_472 : memref<4096xf32, #tpu.memory_space<vmem_shared>>) target_semaphore(%arg12 : memref<!tpu.dma_semaphore, #tpu.memory_space<semaphore_mem>>)
    %dma_wait3A_473 = tpu.memref_slice %arg5[%add3A_380] : memref<1048576xf32, #tpu.memory_space<vmem_shared>> -> memref<4096xf32, #tpu.memory_space<vmem_shared>>
    %dma_wait3A_474 = tpu.memref_slice %arg5[%add3A_380] : memref<1048576xf32, #tpu.memory_space<vmem_shared>> -> memref<4096xf32, #tpu.memory_space<vmem_shared>>
    tpu.wait_dma2 semaphore(%arg12 : memref<!tpu.dma_semaphore, #tpu.memory_space<semaphore_mem>>) src(%arg11 : memref<4096xf32, #tpu.memory_space<vmem>>) dst(%dma_wait3A_474 : memref<4096xf32, #tpu.memory_space<vmem_shared>>)
    %dma_wait3A_475 = tpu.memref_slice %arg5[%add3A_386] : memref<1048576xf32, #tpu.memory_space<vmem_shared>> -> memref<4096xf32, #tpu.memory_space<vmem_shared>>
    %dma_wait3A_476 = tpu.memref_slice %arg5[%add3A_386] : memref<1048576xf32, #tpu.memory_space<vmem_shared>> -> memref<4096xf32, #tpu.memory_space<vmem_shared>>
    tpu.wait_dma2 semaphore(%arg12 : memref<!tpu.dma_semaphore, #tpu.memory_space<semaphore_mem>>) src(%arg11 : memref<4096xf32, #tpu.memory_space<vmem>>) dst(%dma_wait3A_476 : memref<4096xf32, #tpu.memory_space<vmem_shared>>)
    %dma_wait3A_477 = tpu.memref_slice %arg5[%add3A_392] : memref<1048576xf32, #tpu.memory_space<vmem_shared>> -> memref<4096xf32, #tpu.memory_space<vmem_shared>>
    %dma_wait3A_478 = tpu.memref_slice %arg5[%add3A_392] : memref<1048576xf32, #tpu.memory_space<vmem_shared>> -> memref<4096xf32, #tpu.memory_space<vmem_shared>>
    tpu.wait_dma2 semaphore(%arg12 : memref<!tpu.dma_semaphore, #tpu.memory_space<semaphore_mem>>) src(%arg11 : memref<4096xf32, #tpu.memory_space<vmem>>) dst(%dma_wait3A_478 : memref<4096xf32, #tpu.memory_space<vmem_shared>>)
    %dma_wait3A_479 = tpu.memref_slice %arg5[%add3A_398] : memref<1048576xf32, #tpu.memory_space<vmem_shared>> -> memref<4096xf32, #tpu.memory_space<vmem_shared>>
    %dma_wait3A_480 = tpu.memref_slice %arg5[%add3A_398] : memref<1048576xf32, #tpu.memory_space<vmem_shared>> -> memref<4096xf32, #tpu.memory_space<vmem_shared>>
    tpu.wait_dma2 semaphore(%arg12 : memref<!tpu.dma_semaphore, #tpu.memory_space<semaphore_mem>>) src(%arg11 : memref<4096xf32, #tpu.memory_space<vmem>>) dst(%dma_wait3A_480 : memref<4096xf32, #tpu.memory_space<vmem_shared>>)
    %dma_wait3A_481 = tpu.memref_slice %arg5[%add3A_404] : memref<1048576xf32, #tpu.memory_space<vmem_shared>> -> memref<4096xf32, #tpu.memory_space<vmem_shared>>
    %dma_wait3A_482 = tpu.memref_slice %arg5[%add3A_404] : memref<1048576xf32, #tpu.memory_space<vmem_shared>> -> memref<4096xf32, #tpu.memory_space<vmem_shared>>
    tpu.wait_dma2 semaphore(%arg12 : memref<!tpu.dma_semaphore, #tpu.memory_space<semaphore_mem>>) src(%arg11 : memref<4096xf32, #tpu.memory_space<vmem>>) dst(%dma_wait3A_482 : memref<4096xf32, #tpu.memory_space<vmem_shared>>)
    %dma_wait3A_483 = tpu.memref_slice %arg5[%add3A_410] : memref<1048576xf32, #tpu.memory_space<vmem_shared>> -> memref<4096xf32, #tpu.memory_space<vmem_shared>>
    %dma_wait3A_484 = tpu.memref_slice %arg5[%add3A_410] : memref<1048576xf32, #tpu.memory_space<vmem_shared>> -> memref<4096xf32, #tpu.memory_space<vmem_shared>>
    tpu.wait_dma2 semaphore(%arg12 : memref<!tpu.dma_semaphore, #tpu.memory_space<semaphore_mem>>) src(%arg11 : memref<4096xf32, #tpu.memory_space<vmem>>) dst(%dma_wait3A_484 : memref<4096xf32, #tpu.memory_space<vmem_shared>>)
    %dma_wait3A_485 = tpu.memref_slice %arg5[%add3A_416] : memref<1048576xf32, #tpu.memory_space<vmem_shared>> -> memref<4096xf32, #tpu.memory_space<vmem_shared>>
    %dma_wait3A_486 = tpu.memref_slice %arg5[%add3A_416] : memref<1048576xf32, #tpu.memory_space<vmem_shared>> -> memref<4096xf32, #tpu.memory_space<vmem_shared>>
    tpu.wait_dma2 semaphore(%arg12 : memref<!tpu.dma_semaphore, #tpu.memory_space<semaphore_mem>>) src(%arg11 : memref<4096xf32, #tpu.memory_space<vmem>>) dst(%dma_wait3A_486 : memref<4096xf32, #tpu.memory_space<vmem_shared>>)
    %dma_wait3A_487 = tpu.memref_slice %arg5[%add3A_422] : memref<1048576xf32, #tpu.memory_space<vmem_shared>> -> memref<4096xf32, #tpu.memory_space<vmem_shared>>
    %dma_wait3A_488 = tpu.memref_slice %arg5[%add3A_422] : memref<1048576xf32, #tpu.memory_space<vmem_shared>> -> memref<4096xf32, #tpu.memory_space<vmem_shared>>
    tpu.wait_dma2 semaphore(%arg12 : memref<!tpu.dma_semaphore, #tpu.memory_space<semaphore_mem>>) src(%arg11 : memref<4096xf32, #tpu.memory_space<vmem>>) dst(%dma_wait3A_488 : memref<4096xf32, #tpu.memory_space<vmem_shared>>)
    %dma_wait3A_489 = tpu.memref_slice %arg5[%add3A_428] : memref<1048576xf32, #tpu.memory_space<vmem_shared>> -> memref<4096xf32, #tpu.memory_space<vmem_shared>>
    %dma_wait3A_490 = tpu.memref_slice %arg5[%add3A_428] : memref<1048576xf32, #tpu.memory_space<vmem_shared>> -> memref<4096xf32, #tpu.memory_space<vmem_shared>>
    tpu.wait_dma2 semaphore(%arg12 : memref<!tpu.dma_semaphore, #tpu.memory_space<semaphore_mem>>) src(%arg11 : memref<4096xf32, #tpu.memory_space<vmem>>) dst(%dma_wait3A_490 : memref<4096xf32, #tpu.memory_space<vmem_shared>>)
    %dma_wait3A_491 = tpu.memref_slice %arg5[%add3A_434] : memref<1048576xf32, #tpu.memory_space<vmem_shared>> -> memref<4096xf32, #tpu.memory_space<vmem_shared>>
    %dma_wait3A_492 = tpu.memref_slice %arg5[%add3A_434] : memref<1048576xf32, #tpu.memory_space<vmem_shared>> -> memref<4096xf32, #tpu.memory_space<vmem_shared>>
    tpu.wait_dma2 semaphore(%arg12 : memref<!tpu.dma_semaphore, #tpu.memory_space<semaphore_mem>>) src(%arg11 : memref<4096xf32, #tpu.memory_space<vmem>>) dst(%dma_wait3A_492 : memref<4096xf32, #tpu.memory_space<vmem_shared>>)
    %dma_wait3A_493 = tpu.memref_slice %arg5[%add3A_440] : memref<1048576xf32, #tpu.memory_space<vmem_shared>> -> memref<4096xf32, #tpu.memory_space<vmem_shared>>
    %dma_wait3A_494 = tpu.memref_slice %arg5[%add3A_440] : memref<1048576xf32, #tpu.memory_space<vmem_shared>> -> memref<4096xf32, #tpu.memory_space<vmem_shared>>
    tpu.wait_dma2 semaphore(%arg12 : memref<!tpu.dma_semaphore, #tpu.memory_space<semaphore_mem>>) src(%arg11 : memref<4096xf32, #tpu.memory_space<vmem>>) dst(%dma_wait3A_494 : memref<4096xf32, #tpu.memory_space<vmem_shared>>)
    %dma_wait3A_495 = tpu.memref_slice %arg5[%add3A_446] : memref<1048576xf32, #tpu.memory_space<vmem_shared>> -> memref<4096xf32, #tpu.memory_space<vmem_shared>>
    %dma_wait3A_496 = tpu.memref_slice %arg5[%add3A_446] : memref<1048576xf32, #tpu.memory_space<vmem_shared>> -> memref<4096xf32, #tpu.memory_space<vmem_shared>>
    tpu.wait_dma2 semaphore(%arg12 : memref<!tpu.dma_semaphore, #tpu.memory_space<semaphore_mem>>) src(%arg11 : memref<4096xf32, #tpu.memory_space<vmem>>) dst(%dma_wait3A_496 : memref<4096xf32, #tpu.memory_space<vmem_shared>>)
    %dma_wait3A_497 = tpu.memref_slice %arg5[%add3A_452] : memref<1048576xf32, #tpu.memory_space<vmem_shared>> -> memref<4096xf32, #tpu.memory_space<vmem_shared>>
    %dma_wait3A_498 = tpu.memref_slice %arg5[%add3A_452] : memref<1048576xf32, #tpu.memory_space<vmem_shared>> -> memref<4096xf32, #tpu.memory_space<vmem_shared>>
    tpu.wait_dma2 semaphore(%arg12 : memref<!tpu.dma_semaphore, #tpu.memory_space<semaphore_mem>>) src(%arg11 : memref<4096xf32, #tpu.memory_space<vmem>>) dst(%dma_wait3A_498 : memref<4096xf32, #tpu.memory_space<vmem_shared>>)
    %dma_wait3A_499 = tpu.memref_slice %arg5[%add3A_458] : memref<1048576xf32, #tpu.memory_space<vmem_shared>> -> memref<4096xf32, #tpu.memory_space<vmem_shared>>
    %dma_wait3A_500 = tpu.memref_slice %arg5[%add3A_458] : memref<1048576xf32, #tpu.memory_space<vmem_shared>> -> memref<4096xf32, #tpu.memory_space<vmem_shared>>
    tpu.wait_dma2 semaphore(%arg12 : memref<!tpu.dma_semaphore, #tpu.memory_space<semaphore_mem>>) src(%arg11 : memref<4096xf32, #tpu.memory_space<vmem>>) dst(%dma_wait3A_500 : memref<4096xf32, #tpu.memory_space<vmem_shared>>)
    %dma_wait3A_501 = tpu.memref_slice %arg5[%add3A_464] : memref<1048576xf32, #tpu.memory_space<vmem_shared>> -> memref<4096xf32, #tpu.memory_space<vmem_shared>>
    %dma_wait3A_502 = tpu.memref_slice %arg5[%add3A_464] : memref<1048576xf32, #tpu.memory_space<vmem_shared>> -> memref<4096xf32, #tpu.memory_space<vmem_shared>>
    tpu.wait_dma2 semaphore(%arg12 : memref<!tpu.dma_semaphore, #tpu.memory_space<semaphore_mem>>) src(%arg11 : memref<4096xf32, #tpu.memory_space<vmem>>) dst(%dma_wait3A_502 : memref<4096xf32, #tpu.memory_space<vmem_shared>>)
    %dma_wait3A_503 = tpu.memref_slice %arg5[%add3A_470] : memref<1048576xf32, #tpu.memory_space<vmem_shared>> -> memref<4096xf32, #tpu.memory_space<vmem_shared>>
    %dma_wait3A_504 = tpu.memref_slice %arg5[%add3A_470] : memref<1048576xf32, #tpu.memory_space<vmem_shared>> -> memref<4096xf32, #tpu.memory_space<vmem_shared>>
    tpu.wait_dma2 semaphore(%arg12 : memref<!tpu.dma_semaphore, #tpu.memory_space<semaphore_mem>>) src(%arg11 : memref<4096xf32, #tpu.memory_space<vmem>>) dst(%dma_wait3A_504 : memref<4096xf32, #tpu.memory_space<vmem_shared>>)
    %barrier3A_505 = arith.constant 0 : index
    tpu.barrier barrier_id(%barrier3A_505)
    %scan3A_506 = arith.constant 0 : i32
    %scan3A_507 = arith.constant 0 : i32
    %scan3A_508 = arith.constant 128 : i32
    %scan3A_509 = arith.addi %scan3A_507, %scan3A_508 : i32
    %scan3A_510 = arith.constant 1 : i32
    %scan3A_511 = scf.for %scan3A_751 = %scan3A_507 to %scan3A_509 step %scan3A_510 iter_args(%scan3A_752 = %scan3A_506) -> (i32)  : i32 {
      %mul3A_753 = arith.constant 16 : i32
      %mul3A_754 = arith.muli %scan3A_751, %mul3A_753 : i32
      %get3A = arith.index_cast %mul3A_754 : i32 to index
      %get3A_755 = tpu.vector_load %arg6[%get3A] {strides = array<i32>} : memref<2048xi32, #tpu.memory_space<vmem>>, vector<16xi32>,
      %mul3A_756 = arith.constant 16 : i32
      %mul3A_757 = arith.muli %scan3A_751, %mul3A_756 : i32
      %get3A_758 = arith.index_cast %mul3A_757 : i32 to index
      %get3A_759 = tpu.vector_load %arg7[%get3A_758] {strides = array<i32>} : memref<2048xi32, #tpu.memory_space<vmem>>, vector<16xi32>,
      %sub3A = vector.broadcast %add3A_376 : i32 to vector<16xi32>
      %sub3A_760 = arith.subi %get3A_759, %sub3A : vector<16xi32>
      %ge3A = arith.constant 0 : i32
      %ge3A_761 = vector.broadcast %ge3A : i32 to vector<16xi32>
      %ge3A_762 = arith.cmpi sge, %sub3A_760, %ge3A_761 : vector<16xi32>
      %lt3A_763 = arith.constant 512 : i32
      %lt3A_764 = vector.broadcast %lt3A_763 : i32 to vector<16xi32>
      %lt3A_765 = arith.cmpi slt, %sub3A_760, %lt3A_764 : vector<16xi32>
      %and3A = arith.andi %ge3A_762, %lt3A_765 : vector<16xi1>
      %mul3A_766 = arith.constant 2048 : i32
      %mul3A_767 = vector.broadcast %mul3A_766 : i32 to vector<16xi32>
      %mul3A_768 = arith.muli %sub3A_760, %mul3A_767 : vector<16xi32>
      %add3A_769 = arith.addi %mul3A_768, %get3A_755 : vector<16xi32>
      %swap3A = arith.index_cast %scan3A_752 : i32 to index
      %swap3A_770 = tpu.vector_load %arg10[%swap3A] masked %and3A {strides = array<i32>} : memref<2064xi32, #tpu.memory_space<vmem>>, vector<16xi32>, vector<16xi1>
      tpu.vector_store %arg10[%swap3A], %add3A_769 masked %and3A {strides = array<i32>} : memref<2064xi32, #tpu.memory_space<vmem>>, vector<16xi32>, vector<16xi1>
      %jit3A = arith.constant 1 : i32
      %jit3A_771 = arith.constant 0 : i32
      %broadcast_in_dim3A = vector.broadcast %jit3A : i32 to vector<16xi32>
      %broadcast_in_dim3A_772 = vector.broadcast %jit3A_771 : i32 to vector<16xi32>
      %select_n3A = arith.select %and3A, %broadcast_in_dim3A, %broadcast_in_dim3A_772 : vector<16xi1>, vector<16xi32>
      %reduce_sum3A = arith.constant true
      %reduce_sum3A_773 = vector.broadcast %reduce_sum3A : i1 to vector<16xi1>
      %reduce_sum3A_774 = tpu.scan <sum>, %select_n3A masked %reduce_sum3A_773 : vector<16xi32>, vector<16xi1> -> vector<16xi32>
      %reduce_sum3A_775 = vector.extract %reduce_sum3A_774[15] : i32 from vector<16xi32>
      %add3A_776 = arith.addi %scan3A_752, %reduce_sum3A_775 : i32
      scf.yield %add3A_776 : i32
    }
    %scan3A_512 = arith.constant 128 : i32
    %add3A_513 = arith.constant 127 : i32
    %add3A_514 = arith.addi %scan3A_511, %add3A_513 : i32
    %div3A_515 = arith.constant 128 : i32
    %div3A_516 = arith.divsi %add3A_514, %div3A_515 : i32
    %mul3A_517 = arith.constant 128 : i32
    %mul3A_518 = arith.muli %div3A_516, %mul3A_517 : i32
    %add3A_519 = arith.constant 0 : i32
    %add3A_520 = arith.addi %scan3A_511, %add3A_519 : i32
    %lt3A_521 = arith.cmpi slt, %add3A_520, %mul3A_518 : i32
    %convert_element_type3A_522 = arith.extui %lt3A_521 : i1 to i32
    %cond3A_523 = arith.constant 0 : i32
    %cond3A_524 = arith.cmpi ne, %convert_element_type3A_522, %cond3A_523 : i32
    scf.if %cond3A_524 {
      %broadcast_in_dim3A = arith.constant 0 : i32
      %broadcast_in_dim3A_751 = vector.broadcast %broadcast_in_dim3A : i32 to vector<16xi32>
      %add3A_752 = arith.constant 0 : i32
      %add3A_753 = arith.addi %scan3A_511, %add3A_752 : i32
      %swap3A = arith.index_cast %add3A_753 : i32 to index
      %swap3A_754 = tpu.vector_load %arg10[%swap3A] {strides = array<i32>} : memref<2064xi32, #tpu.memory_space<vmem>>, vector<16xi32>,
      tpu.vector_store %arg10[%swap3A], %broadcast_in_dim3A_751 {strides = array<i32>} : memref<2064xi32, #tpu.memory_space<vmem>>, vector<16xi32>,
    } else {
    }
    %add3A_525 = arith.constant 16 : i32
    %add3A_526 = arith.addi %scan3A_511, %add3A_525 : i32
    %lt3A_527 = arith.cmpi slt, %add3A_526, %mul3A_518 : i32
    %convert_element_type3A_528 = arith.extui %lt3A_527 : i1 to i32
    %cond3A_529 = arith.constant 0 : i32
    %cond3A_530 = arith.cmpi ne, %convert_element_type3A_528, %cond3A_529 : i32
    scf.if %cond3A_530 {
      %broadcast_in_dim3A = arith.constant 0 : i32
      %broadcast_in_dim3A_751 = vector.broadcast %broadcast_in_dim3A : i32 to vector<16xi32>
      %add3A_752 = arith.constant 16 : i32
      %add3A_753 = arith.addi %scan3A_511, %add3A_752 : i32
      %swap3A = arith.index_cast %add3A_753 : i32 to index
      %swap3A_754 = tpu.vector_load %arg10[%swap3A] {strides = array<i32>} : memref<2064xi32, #tpu.memory_space<vmem>>, vector<16xi32>,
      tpu.vector_store %arg10[%swap3A], %broadcast_in_dim3A_751 {strides = array<i32>} : memref<2064xi32, #tpu.memory_space<vmem>>, vector<16xi32>,
    } else {
    }
    %add3A_531 = arith.constant 32 : i32
    %add3A_532 = arith.addi %scan3A_511, %add3A_531 : i32
    %lt3A_533 = arith.cmpi slt, %add3A_532, %mul3A_518 : i32
    %convert_element_type3A_534 = arith.extui %lt3A_533 : i1 to i32
    %cond3A_535 = arith.constant 0 : i32
    %cond3A_536 = arith.cmpi ne, %convert_element_type3A_534, %cond3A_535 : i32
    scf.if %cond3A_536 {
      %broadcast_in_dim3A = arith.constant 0 : i32
      %broadcast_in_dim3A_751 = vector.broadcast %broadcast_in_dim3A : i32 to vector<16xi32>
      %add3A_752 = arith.constant 32 : i32
      %add3A_753 = arith.addi %scan3A_511, %add3A_752 : i32
      %swap3A = arith.index_cast %add3A_753 : i32 to index
      %swap3A_754 = tpu.vector_load %arg10[%swap3A] {strides = array<i32>} : memref<2064xi32, #tpu.memory_space<vmem>>, vector<16xi32>,
      tpu.vector_store %arg10[%swap3A], %broadcast_in_dim3A_751 {strides = array<i32>} : memref<2064xi32, #tpu.memory_space<vmem>>, vector<16xi32>,
    } else {
    }
    %add3A_537 = arith.constant 48 : i32
    %add3A_538 = arith.addi %scan3A_511, %add3A_537 : i32
    %lt3A_539 = arith.cmpi slt, %add3A_538, %mul3A_518 : i32
    %convert_element_type3A_540 = arith.extui %lt3A_539 : i1 to i32
    %cond3A_541 = arith.constant 0 : i32
    %cond3A_542 = arith.cmpi ne, %convert_element_type3A_540, %cond3A_541 : i32
    scf.if %cond3A_542 {
      %broadcast_in_dim3A = arith.constant 0 : i32
      %broadcast_in_dim3A_751 = vector.broadcast %broadcast_in_dim3A : i32 to vector<16xi32>
      %add3A_752 = arith.constant 48 : i32
      %add3A_753 = arith.addi %scan3A_511, %add3A_752 : i32
      %swap3A = arith.index_cast %add3A_753 : i32 to index
      %swap3A_754 = tpu.vector_load %arg10[%swap3A] {strides = array<i32>} : memref<2064xi32, #tpu.memory_space<vmem>>, vector<16xi32>,
      tpu.vector_store %arg10[%swap3A], %broadcast_in_dim3A_751 {strides = array<i32>} : memref<2064xi32, #tpu.memory_space<vmem>>, vector<16xi32>,
    } else {
    }
    %add3A_543 = arith.constant 64 : i32
    %add3A_544 = arith.addi %scan3A_511, %add3A_543 : i32
    %lt3A_545 = arith.cmpi slt, %add3A_544, %mul3A_518 : i32
    %convert_element_type3A_546 = arith.extui %lt3A_545 : i1 to i32
    %cond3A_547 = arith.constant 0 : i32
    %cond3A_548 = arith.cmpi ne, %convert_element_type3A_546, %cond3A_547 : i32
    scf.if %cond3A_548 {
      %broadcast_in_dim3A = arith.constant 0 : i32
      %broadcast_in_dim3A_751 = vector.broadcast %broadcast_in_dim3A : i32 to vector<16xi32>
      %add3A_752 = arith.constant 64 : i32
      %add3A_753 = arith.addi %scan3A_511, %add3A_752 : i32
      %swap3A = arith.index_cast %add3A_753 : i32 to index
      %swap3A_754 = tpu.vector_load %arg10[%swap3A] {strides = array<i32>} : memref<2064xi32, #tpu.memory_space<vmem>>, vector<16xi32>,
      tpu.vector_store %arg10[%swap3A], %broadcast_in_dim3A_751 {strides = array<i32>} : memref<2064xi32, #tpu.memory_space<vmem>>, vector<16xi32>,
    } else {
    }
    %add3A_549 = arith.constant 80 : i32
    %add3A_550 = arith.addi %scan3A_511, %add3A_549 : i32
    %lt3A_551 = arith.cmpi slt, %add3A_550, %mul3A_518 : i32
    %convert_element_type3A_552 = arith.extui %lt3A_551 : i1 to i32
    %cond3A_553 = arith.constant 0 : i32
    %cond3A_554 = arith.cmpi ne, %convert_element_type3A_552, %cond3A_553 : i32
    scf.if %cond3A_554 {
      %broadcast_in_dim3A = arith.constant 0 : i32
      %broadcast_in_dim3A_751 = vector.broadcast %broadcast_in_dim3A : i32 to vector<16xi32>
      %add3A_752 = arith.constant 80 : i32
      %add3A_753 = arith.addi %scan3A_511, %add3A_752 : i32
      %swap3A = arith.index_cast %add3A_753 : i32 to index
      %swap3A_754 = tpu.vector_load %arg10[%swap3A] {strides = array<i32>} : memref<2064xi32, #tpu.memory_space<vmem>>, vector<16xi32>,
      tpu.vector_store %arg10[%swap3A], %broadcast_in_dim3A_751 {strides = array<i32>} : memref<2064xi32, #tpu.memory_space<vmem>>, vector<16xi32>,
    } else {
    }
    %add3A_555 = arith.constant 96 : i32
    %add3A_556 = arith.addi %scan3A_511, %add3A_555 : i32
    %lt3A_557 = arith.cmpi slt, %add3A_556, %mul3A_518 : i32
    %convert_element_type3A_558 = arith.extui %lt3A_557 : i1 to i32
    %cond3A_559 = arith.constant 0 : i32
    %cond3A_560 = arith.cmpi ne, %convert_element_type3A_558, %cond3A_559 : i32
    scf.if %cond3A_560 {
      %broadcast_in_dim3A = arith.constant 0 : i32
      %broadcast_in_dim3A_751 = vector.broadcast %broadcast_in_dim3A : i32 to vector<16xi32>
      %add3A_752 = arith.constant 96 : i32
      %add3A_753 = arith.addi %scan3A_511, %add3A_752 : i32
      %swap3A = arith.index_cast %add3A_753 : i32 to index
      %swap3A_754 = tpu.vector_load %arg10[%swap3A] {strides = array<i32>} : memref<2064xi32, #tpu.memory_space<vmem>>, vector<16xi32>,
      tpu.vector_store %arg10[%swap3A], %broadcast_in_dim3A_751 {strides = array<i32>} : memref<2064xi32, #tpu.memory_space<vmem>>, vector<16xi32>,
    } else {
    }
    %add3A_561 = arith.constant 112 : i32
    %add3A_562 = arith.addi %scan3A_511, %add3A_561 : i32
    %lt3A_563 = arith.cmpi slt, %add3A_562, %mul3A_518 : i32
    %convert_element_type3A_564 = arith.extui %lt3A_563 : i1 to i32
    %cond3A_565 = arith.constant 0 : i32
    %cond3A_566 = arith.cmpi ne, %convert_element_type3A_564, %cond3A_565 : i32
    scf.if %cond3A_566 {
      %broadcast_in_dim3A = arith.constant 0 : i32
      %broadcast_in_dim3A_751 = vector.broadcast %broadcast_in_dim3A : i32 to vector<16xi32>
      %add3A_752 = arith.constant 112 : i32
      %add3A_753 = arith.addi %scan3A_511, %add3A_752 : i32
      %swap3A = arith.index_cast %add3A_753 : i32 to index
      %swap3A_754 = tpu.vector_load %arg10[%swap3A] {strides = array<i32>} : memref<2064xi32, #tpu.memory_space<vmem>>, vector<16xi32>,
      tpu.vector_store %arg10[%swap3A], %broadcast_in_dim3A_751 {strides = array<i32>} : memref<2064xi32, #tpu.memory_space<vmem>>, vector<16xi32>,
    } else {
    }
    %div3A_567 = arith.constant 16 : i32
    %div3A_568 = arith.divsi %mul3A_518, %div3A_567 : i32
    %while3A_569 = arith.constant 0 : i32
    %while3A_570 = arith.constant 0 : i32
    %while3A_571 = arith.subi %div3A_568, %while3A_569 : i32
    %while3A_572 = arith.addi %while3A_569, %while3A_571 : i32
    %while3A_573 = arith.constant 1 : i32
    %while3A_574 = arith.divsi %while3A_571, %while3A_573 : i32
    %while3A_575 = arith.muli %while3A_574, %while3A_573 : i32
    %while3A_576 = arith.addi %while3A_569, %while3A_575 : i32
    %while3A_577 = arith.constant 1 : i32
    %while3A_578 = scf.for %while3A_751 = %while3A_569 to %while3A_576 step %while3A_577 iter_args(%while3A_752 = %while3A_570) -> (i32)  : i32 {
      %div3A_753 = arith.constant 8 : i32
      %div3A_754 = arith.divsi %while3A_751, %div3A_753 : i32
      %rem3A = arith.constant 8 : i32
      %rem3A_755 = arith.remsi %while3A_751, %rem3A : i32
      %mul3A_756 = arith.constant 16 : i32
      %mul3A_757 = arith.muli %while3A_751, %mul3A_756 : i32
      %get3A = arith.index_cast %mul3A_757 : i32 to index
      %get3A_758 = tpu.vector_load %arg10[%get3A] {strides = array<i32>} : memref<2064xi32, #tpu.memory_space<vmem>>, vector<16xi32>,
      %mul3A_759 = arith.constant 16 : i32
      %mul3A_760 = arith.muli %rem3A_755, %mul3A_759 : i32
      %swap3A = arith.index_cast %div3A_754 : i32 to index
      %swap3A_761 = arith.index_cast %mul3A_760 : i32 to index
      %swap3A_762 = tpu.vector_load %arg8[%swap3A, %swap3A_761] {strides = array<i32>} : memref<16x128xi32, #tpu.memory_space<vmem>>, vector<16xi32>,
      tpu.vector_store %arg8[%swap3A, %swap3A_761], %get3A_758 {strides = array<i32>} : memref<16x128xi32, #tpu.memory_space<vmem>>, vector<16xi32>,
      %mul3A_763 = arith.constant 16 : i32
      %mul3A_764 = arith.muli %while3A_751, %mul3A_763 : i32
      %add3A_765 = vector.broadcast %mul3A_764 : i32 to vector<16xi32>
      %add3A_766 = arith.addi %add3A_765, %iota3A : vector<16xi32>
      %lt3A_767 = vector.broadcast %scan3A_511 : i32 to vector<16xi32>
      %lt3A_768 = arith.cmpi slt, %add3A_766, %lt3A_767 : vector<16xi32>
      %jit3A = arith.constant 1.000000e+00 : f32
      %jit3A_769 = arith.constant 0.000000e+00 : f32
      %broadcast_in_dim3A = vector.broadcast %jit3A : f32 to vector<16xf32>
      %broadcast_in_dim3A_770 = vector.broadcast %jit3A_769 : f32 to vector<16xf32>
      %select_n3A = arith.select %lt3A_768, %broadcast_in_dim3A, %broadcast_in_dim3A_770 : vector<16xi1>, vector<16xf32>
      %mul3A_771 = arith.constant 16 : i32
      %mul3A_772 = arith.muli %rem3A_755, %mul3A_771 : i32
      %swap3A_773 = arith.index_cast %div3A_754 : i32 to index
      %swap3A_774 = arith.index_cast %mul3A_772 : i32 to index
      %swap3A_775 = tpu.vector_load %arg9[%swap3A_773, %swap3A_774] {strides = array<i32>} : memref<16x128xf32, #tpu.memory_space<vmem>>, vector<16xf32>,
      tpu.vector_store %arg9[%swap3A_773, %swap3A_774], %select_n3A {strides = array<i32>} : memref<16x128xf32, #tpu.memory_space<vmem>>, vector<16xf32>,
      %while3A_776 = arith.constant 0 : i32
      scf.yield %while3A_776 : i32
    }
    %while3A_579 = arith.constant 1 : i32
    %while3A_580 = scf.for %while3A_751 = %while3A_576 to %while3A_572 step %while3A_579 iter_args(%while3A_752 = %while3A_578) -> (i32)  : i32 {
      %div3A_753 = arith.constant 8 : i32
      %div3A_754 = arith.divsi %while3A_751, %div3A_753 : i32
      %rem3A = arith.constant 8 : i32
      %rem3A_755 = arith.remsi %while3A_751, %rem3A : i32
      %mul3A_756 = arith.constant 16 : i32
      %mul3A_757 = arith.muli %while3A_751, %mul3A_756 : i32
      %get3A = arith.index_cast %mul3A_757 : i32 to index
      %get3A_758 = tpu.vector_load %arg10[%get3A] {strides = array<i32>} : memref<2064xi32, #tpu.memory_space<vmem>>, vector<16xi32>,
      %mul3A_759 = arith.constant 16 : i32
      %mul3A_760 = arith.muli %rem3A_755, %mul3A_759 : i32
      %swap3A = arith.index_cast %div3A_754 : i32 to index
      %swap3A_761 = arith.index_cast %mul3A_760 : i32 to index
      %swap3A_762 = tpu.vector_load %arg8[%swap3A, %swap3A_761] {strides = array<i32>} : memref<16x128xi32, #tpu.memory_space<vmem>>, vector<16xi32>,
      tpu.vector_store %arg8[%swap3A, %swap3A_761], %get3A_758 {strides = array<i32>} : memref<16x128xi32, #tpu.memory_space<vmem>>, vector<16xi32>,
      %mul3A_763 = arith.constant 16 : i32
      %mul3A_764 = arith.muli %while3A_751, %mul3A_763 : i32
      %add3A_765 = vector.broadcast %mul3A_764 : i32 to vector<16xi32>
      %add3A_766 = arith.addi %add3A_765, %iota3A : vector<16xi32>
      %lt3A_767 = vector.broadcast %scan3A_511 : i32 to vector<16xi32>
      %lt3A_768 = arith.cmpi slt, %add3A_766, %lt3A_767 : vector<16xi32>
      %jit3A = arith.constant 1.000000e+00 : f32
      %jit3A_769 = arith.constant 0.000000e+00 : f32
      %broadcast_in_dim3A = vector.broadcast %jit3A : f32 to vector<16xf32>
      %broadcast_in_dim3A_770 = vector.broadcast %jit3A_769 : f32 to vector<16xf32>
      %select_n3A = arith.select %lt3A_768, %broadcast_in_dim3A, %broadcast_in_dim3A_770 : vector<16xi1>, vector<16xf32>
      %mul3A_771 = arith.constant 16 : i32
      %mul3A_772 = arith.muli %rem3A_755, %mul3A_771 : i32
      %swap3A_773 = arith.index_cast %div3A_754 : i32 to index
      %swap3A_774 = arith.index_cast %mul3A_772 : i32 to index
      %swap3A_775 = tpu.vector_load %arg9[%swap3A_773, %swap3A_774] {strides = array<i32>} : memref<16x128xf32, #tpu.memory_space<vmem>>, vector<16xf32>,
      tpu.vector_store %arg9[%swap3A_773, %swap3A_774], %select_n3A {strides = array<i32>} : memref<16x128xf32, #tpu.memory_space<vmem>>, vector<16xf32>,
      %while3A_776 = arith.constant 0 : i32
      scf.yield %while3A_776 : i32
    }
    %div3A_581 = arith.constant 128 : i32
    %div3A_582 = arith.divsi %mul3A_518, %div3A_581 : i32
    %gt3A_583 = arith.constant 0 : i32
    %gt3A_584 = arith.cmpi sgt, %div3A_582, %gt3A_583 : i32
    %convert_element_type3A_585 = arith.extui %gt3A_584 : i1 to i32
    %cond3A_586 = arith.constant 0 : i32
    %cond3A_587 = arith.cmpi ne, %convert_element_type3A_585, %cond3A_586 : i32
    scf.if %cond3A_587 {
      %dma_start3A_751 = arith.constant 0 : i32
      %dma_start3A_752 = arith.constant 0 : i32
      %dma_start3A_753 = arith.constant 0 : i32
      %dma_start3A_754 = tpu.memref_slice %arg9[%dma_start3A_751, %dma_start3A_753] : memref<16x128xf32, #tpu.memory_space<vmem>> -> memref<1x128xf32, #tpu.memory_space<vmem>>
      %dma_start3A_755 = tpu.memref_squeeze %dma_start3A_754 : memref<1x128xf32, #tpu.memory_space<vmem>> -> memref<128xf32, #tpu.memory_space<vmem>>
      %dma_start3A_756 = arith.constant 0 : i32
      %dma_start3A_757 = tpu.memref_slice %arg8[%dma_start3A_752, %dma_start3A_756] : memref<16x128xi32, #tpu.memory_space<vmem>> -> memref<1x128xi32, #tpu.memory_space<vmem>>
      %dma_start3A_758 = tpu.memref_squeeze %dma_start3A_757 : memref<1x128xi32, #tpu.memory_space<vmem>> -> memref<128xi32, #tpu.memory_space<vmem>>
      %dma_start3A_759 = arith.constant 0 : i32
      %dma_start3A_760 = tpu.memref_slice %arg5[%dma_start3A_759] : memref<1048576xf32, #tpu.memory_space<vmem_shared>> -> memref<1048576xf32, #tpu.memory_space<vmem_shared>>
      tpu.enqueue_indirect_dma source(%dma_start3A_755 : memref<128xf32, #tpu.memory_space<vmem>>) target(%dma_start3A_760 : memref<1048576xf32, #tpu.memory_space<vmem_shared>>) offsets(%dma_start3A_758 : memref<128xi32, #tpu.memory_space<vmem>>) semaphore(%arg12 : memref<!tpu.dma_semaphore, #tpu.memory_space<semaphore_mem>>) {add = true}
    } else {
    }
    %gt3A_588 = arith.constant 1 : i32
    %gt3A_589 = arith.cmpi sgt, %div3A_582, %gt3A_588 : i32
    %convert_element_type3A_590 = arith.extui %gt3A_589 : i1 to i32
    %cond3A_591 = arith.constant 0 : i32
    %cond3A_592 = arith.cmpi ne, %convert_element_type3A_590, %cond3A_591 : i32
    scf.if %cond3A_592 {
      %dma_start3A_751 = arith.constant 1 : i32
      %dma_start3A_752 = arith.constant 1 : i32
      %dma_start3A_753 = arith.constant 0 : i32
      %dma_start3A_754 = tpu.memref_slice %arg9[%dma_start3A_751, %dma_start3A_753] : memref<16x128xf32, #tpu.memory_space<vmem>> -> memref<1x128xf32, #tpu.memory_space<vmem>>
      %dma_start3A_755 = tpu.memref_squeeze %dma_start3A_754 : memref<1x128xf32, #tpu.memory_space<vmem>> -> memref<128xf32, #tpu.memory_space<vmem>>
      %dma_start3A_756 = arith.constant 0 : i32
      %dma_start3A_757 = tpu.memref_slice %arg8[%dma_start3A_752, %dma_start3A_756] : memref<16x128xi32, #tpu.memory_space<vmem>> -> memref<1x128xi32, #tpu.memory_space<vmem>>
      %dma_start3A_758 = tpu.memref_squeeze %dma_start3A_757 : memref<1x128xi32, #tpu.memory_space<vmem>> -> memref<128xi32, #tpu.memory_space<vmem>>
      %dma_start3A_759 = arith.constant 0 : i32
      %dma_start3A_760 = tpu.memref_slice %arg5[%dma_start3A_759] : memref<1048576xf32, #tpu.memory_space<vmem_shared>> -> memref<1048576xf32, #tpu.memory_space<vmem_shared>>
      tpu.enqueue_indirect_dma source(%dma_start3A_755 : memref<128xf32, #tpu.memory_space<vmem>>) target(%dma_start3A_760 : memref<1048576xf32, #tpu.memory_space<vmem_shared>>) offsets(%dma_start3A_758 : memref<128xi32, #tpu.memory_space<vmem>>) semaphore(%arg12 : memref<!tpu.dma_semaphore, #tpu.memory_space<semaphore_mem>>) {add = true}
    } else {
    }
    %gt3A_593 = arith.constant 2 : i32
    %gt3A_594 = arith.cmpi sgt, %div3A_582, %gt3A_593 : i32
    %convert_element_type3A_595 = arith.extui %gt3A_594 : i1 to i32
    %cond3A_596 = arith.constant 0 : i32
    %cond3A_597 = arith.cmpi ne, %convert_element_type3A_595, %cond3A_596 : i32
    scf.if %cond3A_597 {
      %dma_start3A_751 = arith.constant 2 : i32
      %dma_start3A_752 = arith.constant 2 : i32
      %dma_start3A_753 = arith.constant 0 : i32
      %dma_start3A_754 = tpu.memref_slice %arg9[%dma_start3A_751, %dma_start3A_753] : memref<16x128xf32, #tpu.memory_space<vmem>> -> memref<1x128xf32, #tpu.memory_space<vmem>>
      %dma_start3A_755 = tpu.memref_squeeze %dma_start3A_754 : memref<1x128xf32, #tpu.memory_space<vmem>> -> memref<128xf32, #tpu.memory_space<vmem>>
      %dma_start3A_756 = arith.constant 0 : i32
      %dma_start3A_757 = tpu.memref_slice %arg8[%dma_start3A_752, %dma_start3A_756] : memref<16x128xi32, #tpu.memory_space<vmem>> -> memref<1x128xi32, #tpu.memory_space<vmem>>
      %dma_start3A_758 = tpu.memref_squeeze %dma_start3A_757 : memref<1x128xi32, #tpu.memory_space<vmem>> -> memref<128xi32, #tpu.memory_space<vmem>>
      %dma_start3A_759 = arith.constant 0 : i32
      %dma_start3A_760 = tpu.memref_slice %arg5[%dma_start3A_759] : memref<1048576xf32, #tpu.memory_space<vmem_shared>> -> memref<1048576xf32, #tpu.memory_space<vmem_shared>>
      tpu.enqueue_indirect_dma source(%dma_start3A_755 : memref<128xf32, #tpu.memory_space<vmem>>) target(%dma_start3A_760 : memref<1048576xf32, #tpu.memory_space<vmem_shared>>) offsets(%dma_start3A_758 : memref<128xi32, #tpu.memory_space<vmem>>) semaphore(%arg12 : memref<!tpu.dma_semaphore, #tpu.memory_space<semaphore_mem>>) {add = true}
    } else {
    }
    %gt3A_598 = arith.constant 3 : i32
    %gt3A_599 = arith.cmpi sgt, %div3A_582, %gt3A_598 : i32
    %convert_element_type3A_600 = arith.extui %gt3A_599 : i1 to i32
    %cond3A_601 = arith.constant 0 : i32
    %cond3A_602 = arith.cmpi ne, %convert_element_type3A_600, %cond3A_601 : i32
    scf.if %cond3A_602 {
      %dma_start3A_751 = arith.constant 3 : i32
      %dma_start3A_752 = arith.constant 3 : i32
      %dma_start3A_753 = arith.constant 0 : i32
      %dma_start3A_754 = tpu.memref_slice %arg9[%dma_start3A_751, %dma_start3A_753] : memref<16x128xf32, #tpu.memory_space<vmem>> -> memref<1x128xf32, #tpu.memory_space<vmem>>
      %dma_start3A_755 = tpu.memref_squeeze %dma_start3A_754 : memref<1x128xf32, #tpu.memory_space<vmem>> -> memref<128xf32, #tpu.memory_space<vmem>>
      %dma_start3A_756 = arith.constant 0 : i32
      %dma_start3A_757 = tpu.memref_slice %arg8[%dma_start3A_752, %dma_start3A_756] : memref<16x128xi32, #tpu.memory_space<vmem>> -> memref<1x128xi32, #tpu.memory_space<vmem>>
      %dma_start3A_758 = tpu.memref_squeeze %dma_start3A_757 : memref<1x128xi32, #tpu.memory_space<vmem>> -> memref<128xi32, #tpu.memory_space<vmem>>
      %dma_start3A_759 = arith.constant 0 : i32
      %dma_start3A_760 = tpu.memref_slice %arg5[%dma_start3A_759] : memref<1048576xf32, #tpu.memory_space<vmem_shared>> -> memref<1048576xf32, #tpu.memory_space<vmem_shared>>
      tpu.enqueue_indirect_dma source(%dma_start3A_755 : memref<128xf32, #tpu.memory_space<vmem>>) target(%dma_start3A_760 : memref<1048576xf32, #tpu.memory_space<vmem_shared>>) offsets(%dma_start3A_758 : memref<128xi32, #tpu.memory_space<vmem>>) semaphore(%arg12 : memref<!tpu.dma_semaphore, #tpu.memory_space<semaphore_mem>>) {add = true}
    } else {
    }
    %gt3A_603 = arith.constant 4 : i32
    %gt3A_604 = arith.cmpi sgt, %div3A_582, %gt3A_603 : i32
    %convert_element_type3A_605 = arith.extui %gt3A_604 : i1 to i32
    %cond3A_606 = arith.constant 0 : i32
    %cond3A_607 = arith.cmpi ne, %convert_element_type3A_605, %cond3A_606 : i32
    scf.if %cond3A_607 {
      %dma_start3A_751 = arith.constant 4 : i32
      %dma_start3A_752 = arith.constant 4 : i32
      %dma_start3A_753 = arith.constant 0 : i32
      %dma_start3A_754 = tpu.memref_slice %arg9[%dma_start3A_751, %dma_start3A_753] : memref<16x128xf32, #tpu.memory_space<vmem>> -> memref<1x128xf32, #tpu.memory_space<vmem>>
      %dma_start3A_755 = tpu.memref_squeeze %dma_start3A_754 : memref<1x128xf32, #tpu.memory_space<vmem>> -> memref<128xf32, #tpu.memory_space<vmem>>
      %dma_start3A_756 = arith.constant 0 : i32
      %dma_start3A_757 = tpu.memref_slice %arg8[%dma_start3A_752, %dma_start3A_756] : memref<16x128xi32, #tpu.memory_space<vmem>> -> memref<1x128xi32, #tpu.memory_space<vmem>>
      %dma_start3A_758 = tpu.memref_squeeze %dma_start3A_757 : memref<1x128xi32, #tpu.memory_space<vmem>> -> memref<128xi32, #tpu.memory_space<vmem>>
      %dma_start3A_759 = arith.constant 0 : i32
      %dma_start3A_760 = tpu.memref_slice %arg5[%dma_start3A_759] : memref<1048576xf32, #tpu.memory_space<vmem_shared>> -> memref<1048576xf32, #tpu.memory_space<vmem_shared>>
      tpu.enqueue_indirect_dma source(%dma_start3A_755 : memref<128xf32, #tpu.memory_space<vmem>>) target(%dma_start3A_760 : memref<1048576xf32, #tpu.memory_space<vmem_shared>>) offsets(%dma_start3A_758 : memref<128xi32, #tpu.memory_space<vmem>>) semaphore(%arg12 : memref<!tpu.dma_semaphore, #tpu.memory_space<semaphore_mem>>) {add = true}
    } else {
    }
    %gt3A_608 = arith.constant 5 : i32
    %gt3A_609 = arith.cmpi sgt, %div3A_582, %gt3A_608 : i32
    %convert_element_type3A_610 = arith.extui %gt3A_609 : i1 to i32
    %cond3A_611 = arith.constant 0 : i32
    %cond3A_612 = arith.cmpi ne, %convert_element_type3A_610, %cond3A_611 : i32
    scf.if %cond3A_612 {
      %dma_start3A_751 = arith.constant 5 : i32
      %dma_start3A_752 = arith.constant 5 : i32
      %dma_start3A_753 = arith.constant 0 : i32
      %dma_start3A_754 = tpu.memref_slice %arg9[%dma_start3A_751, %dma_start3A_753] : memref<16x128xf32, #tpu.memory_space<vmem>> -> memref<1x128xf32, #tpu.memory_space<vmem>>
      %dma_start3A_755 = tpu.memref_squeeze %dma_start3A_754 : memref<1x128xf32, #tpu.memory_space<vmem>> -> memref<128xf32, #tpu.memory_space<vmem>>
      %dma_start3A_756 = arith.constant 0 : i32
      %dma_start3A_757 = tpu.memref_slice %arg8[%dma_start3A_752, %dma_start3A_756] : memref<16x128xi32, #tpu.memory_space<vmem>> -> memref<1x128xi32, #tpu.memory_space<vmem>>
      %dma_start3A_758 = tpu.memref_squeeze %dma_start3A_757 : memref<1x128xi32, #tpu.memory_space<vmem>> -> memref<128xi32, #tpu.memory_space<vmem>>
      %dma_start3A_759 = arith.constant 0 : i32
      %dma_start3A_760 = tpu.memref_slice %arg5[%dma_start3A_759] : memref<1048576xf32, #tpu.memory_space<vmem_shared>> -> memref<1048576xf32, #tpu.memory_space<vmem_shared>>
      tpu.enqueue_indirect_dma source(%dma_start3A_755 : memref<128xf32, #tpu.memory_space<vmem>>) target(%dma_start3A_760 : memref<1048576xf32, #tpu.memory_space<vmem_shared>>) offsets(%dma_start3A_758 : memref<128xi32, #tpu.memory_space<vmem>>) semaphore(%arg12 : memref<!tpu.dma_semaphore, #tpu.memory_space<semaphore_mem>>) {add = true}
    } else {
    }
    %gt3A_613 = arith.constant 6 : i32
    %gt3A_614 = arith.cmpi sgt, %div3A_582, %gt3A_613 : i32
    %convert_element_type3A_615 = arith.extui %gt3A_614 : i1 to i32
    %cond3A_616 = arith.constant 0 : i32
    %cond3A_617 = arith.cmpi ne, %convert_element_type3A_615, %cond3A_616 : i32
    scf.if %cond3A_617 {
      %dma_start3A_751 = arith.constant 6 : i32
      %dma_start3A_752 = arith.constant 6 : i32
      %dma_start3A_753 = arith.constant 0 : i32
      %dma_start3A_754 = tpu.memref_slice %arg9[%dma_start3A_751, %dma_start3A_753] : memref<16x128xf32, #tpu.memory_space<vmem>> -> memref<1x128xf32, #tpu.memory_space<vmem>>
      %dma_start3A_755 = tpu.memref_squeeze %dma_start3A_754 : memref<1x128xf32, #tpu.memory_space<vmem>> -> memref<128xf32, #tpu.memory_space<vmem>>
      %dma_start3A_756 = arith.constant 0 : i32
      %dma_start3A_757 = tpu.memref_slice %arg8[%dma_start3A_752, %dma_start3A_756] : memref<16x128xi32, #tpu.memory_space<vmem>> -> memref<1x128xi32, #tpu.memory_space<vmem>>
      %dma_start3A_758 = tpu.memref_squeeze %dma_start3A_757 : memref<1x128xi32, #tpu.memory_space<vmem>> -> memref<128xi32, #tpu.memory_space<vmem>>
      %dma_start3A_759 = arith.constant 0 : i32
      %dma_start3A_760 = tpu.memref_slice %arg5[%dma_start3A_759] : memref<1048576xf32, #tpu.memory_space<vmem_shared>> -> memref<1048576xf32, #tpu.memory_space<vmem_shared>>
      tpu.enqueue_indirect_dma source(%dma_start3A_755 : memref<128xf32, #tpu.memory_space<vmem>>) target(%dma_start3A_760 : memref<1048576xf32, #tpu.memory_space<vmem_shared>>) offsets(%dma_start3A_758 : memref<128xi32, #tpu.memory_space<vmem>>) semaphore(%arg12 : memref<!tpu.dma_semaphore, #tpu.memory_space<semaphore_mem>>) {add = true}
    } else {
    }
    %gt3A_618 = arith.constant 7 : i32
    %gt3A_619 = arith.cmpi sgt, %div3A_582, %gt3A_618 : i32
    %convert_element_type3A_620 = arith.extui %gt3A_619 : i1 to i32
    %cond3A_621 = arith.constant 0 : i32
    %cond3A_622 = arith.cmpi ne, %convert_element_type3A_620, %cond3A_621 : i32
    scf.if %cond3A_622 {
      %dma_start3A_751 = arith.constant 7 : i32
      %dma_start3A_752 = arith.constant 7 : i32
      %dma_start3A_753 = arith.constant 0 : i32
      %dma_start3A_754 = tpu.memref_slice %arg9[%dma_start3A_751, %dma_start3A_753] : memref<16x128xf32, #tpu.memory_space<vmem>> -> memref<1x128xf32, #tpu.memory_space<vmem>>
      %dma_start3A_755 = tpu.memref_squeeze %dma_start3A_754 : memref<1x128xf32, #tpu.memory_space<vmem>> -> memref<128xf32, #tpu.memory_space<vmem>>
      %dma_start3A_756 = arith.constant 0 : i32
      %dma_start3A_757 = tpu.memref_slice %arg8[%dma_start3A_752, %dma_start3A_756] : memref<16x128xi32, #tpu.memory_space<vmem>> -> memref<1x128xi32, #tpu.memory_space<vmem>>
      %dma_start3A_758 = tpu.memref_squeeze %dma_start3A_757 : memref<1x128xi32, #tpu.memory_space<vmem>> -> memref<128xi32, #tpu.memory_space<vmem>>
      %dma_start3A_759 = arith.constant 0 : i32
      %dma_start3A_760 = tpu.memref_slice %arg5[%dma_start3A_759] : memref<1048576xf32, #tpu.memory_space<vmem_shared>> -> memref<1048576xf32, #tpu.memory_space<vmem_shared>>
      tpu.enqueue_indirect_dma source(%dma_start3A_755 : memref<128xf32, #tpu.memory_space<vmem>>) target(%dma_start3A_760 : memref<1048576xf32, #tpu.memory_space<vmem_shared>>) offsets(%dma_start3A_758 : memref<128xi32, #tpu.memory_space<vmem>>) semaphore(%arg12 : memref<!tpu.dma_semaphore, #tpu.memory_space<semaphore_mem>>) {add = true}
    } else {
    }
    %gt3A_623 = arith.constant 8 : i32
    %gt3A_624 = arith.cmpi sgt, %div3A_582, %gt3A_623 : i32
    %convert_element_type3A_625 = arith.extui %gt3A_624 : i1 to i32
    %cond3A_626 = arith.constant 0 : i32
    %cond3A_627 = arith.cmpi ne, %convert_element_type3A_625, %cond3A_626 : i32
    scf.if %cond3A_627 {
      %dma_start3A_751 = arith.constant 8 : i32
      %dma_start3A_752 = arith.constant 8 : i32
      %dma_start3A_753 = arith.constant 0 : i32
      %dma_start3A_754 = tpu.memref_slice %arg9[%dma_start3A_751, %dma_start3A_753] : memref<16x128xf32, #tpu.memory_space<vmem>> -> memref<1x128xf32, #tpu.memory_space<vmem>>
      %dma_start3A_755 = tpu.memref_squeeze %dma_start3A_754 : memref<1x128xf32, #tpu.memory_space<vmem>> -> memref<128xf32, #tpu.memory_space<vmem>>
      %dma_start3A_756 = arith.constant 0 : i32
      %dma_start3A_757 = tpu.memref_slice %arg8[%dma_start3A_752, %dma_start3A_756] : memref<16x128xi32, #tpu.memory_space<vmem>> -> memref<1x128xi32, #tpu.memory_space<vmem>>
      %dma_start3A_758 = tpu.memref_squeeze %dma_start3A_757 : memref<1x128xi32, #tpu.memory_space<vmem>> -> memref<128xi32, #tpu.memory_space<vmem>>
      %dma_start3A_759 = arith.constant 0 : i32
      %dma_start3A_760 = tpu.memref_slice %arg5[%dma_start3A_759] : memref<1048576xf32, #tpu.memory_space<vmem_shared>> -> memref<1048576xf32, #tpu.memory_space<vmem_shared>>
      tpu.enqueue_indirect_dma source(%dma_start3A_755 : memref<128xf32, #tpu.memory_space<vmem>>) target(%dma_start3A_760 : memref<1048576xf32, #tpu.memory_space<vmem_shared>>) offsets(%dma_start3A_758 : memref<128xi32, #tpu.memory_space<vmem>>) semaphore(%arg12 : memref<!tpu.dma_semaphore, #tpu.memory_space<semaphore_mem>>) {add = true}
    } else {
    }
    %gt3A_628 = arith.constant 9 : i32
    %gt3A_629 = arith.cmpi sgt, %div3A_582, %gt3A_628 : i32
    %convert_element_type3A_630 = arith.extui %gt3A_629 : i1 to i32
    %cond3A_631 = arith.constant 0 : i32
    %cond3A_632 = arith.cmpi ne, %convert_element_type3A_630, %cond3A_631 : i32
    scf.if %cond3A_632 {
      %dma_start3A_751 = arith.constant 9 : i32
      %dma_start3A_752 = arith.constant 9 : i32
      %dma_start3A_753 = arith.constant 0 : i32
      %dma_start3A_754 = tpu.memref_slice %arg9[%dma_start3A_751, %dma_start3A_753] : memref<16x128xf32, #tpu.memory_space<vmem>> -> memref<1x128xf32, #tpu.memory_space<vmem>>
      %dma_start3A_755 = tpu.memref_squeeze %dma_start3A_754 : memref<1x128xf32, #tpu.memory_space<vmem>> -> memref<128xf32, #tpu.memory_space<vmem>>
      %dma_start3A_756 = arith.constant 0 : i32
      %dma_start3A_757 = tpu.memref_slice %arg8[%dma_start3A_752, %dma_start3A_756] : memref<16x128xi32, #tpu.memory_space<vmem>> -> memref<1x128xi32, #tpu.memory_space<vmem>>
      %dma_start3A_758 = tpu.memref_squeeze %dma_start3A_757 : memref<1x128xi32, #tpu.memory_space<vmem>> -> memref<128xi32, #tpu.memory_space<vmem>>
      %dma_start3A_759 = arith.constant 0 : i32
      %dma_start3A_760 = tpu.memref_slice %arg5[%dma_start3A_759] : memref<1048576xf32, #tpu.memory_space<vmem_shared>> -> memref<1048576xf32, #tpu.memory_space<vmem_shared>>
      tpu.enqueue_indirect_dma source(%dma_start3A_755 : memref<128xf32, #tpu.memory_space<vmem>>) target(%dma_start3A_760 : memref<1048576xf32, #tpu.memory_space<vmem_shared>>) offsets(%dma_start3A_758 : memref<128xi32, #tpu.memory_space<vmem>>) semaphore(%arg12 : memref<!tpu.dma_semaphore, #tpu.memory_space<semaphore_mem>>) {add = true}
    } else {
    }
    %gt3A_633 = arith.constant 10 : i32
    %gt3A_634 = arith.cmpi sgt, %div3A_582, %gt3A_633 : i32
    %convert_element_type3A_635 = arith.extui %gt3A_634 : i1 to i32
    %cond3A_636 = arith.constant 0 : i32
    %cond3A_637 = arith.cmpi ne, %convert_element_type3A_635, %cond3A_636 : i32
    scf.if %cond3A_637 {
      %dma_start3A_751 = arith.constant 10 : i32
      %dma_start3A_752 = arith.constant 10 : i32
      %dma_start3A_753 = arith.constant 0 : i32
      %dma_start3A_754 = tpu.memref_slice %arg9[%dma_start3A_751, %dma_start3A_753] : memref<16x128xf32, #tpu.memory_space<vmem>> -> memref<1x128xf32, #tpu.memory_space<vmem>>
      %dma_start3A_755 = tpu.memref_squeeze %dma_start3A_754 : memref<1x128xf32, #tpu.memory_space<vmem>> -> memref<128xf32, #tpu.memory_space<vmem>>
      %dma_start3A_756 = arith.constant 0 : i32
      %dma_start3A_757 = tpu.memref_slice %arg8[%dma_start3A_752, %dma_start3A_756] : memref<16x128xi32, #tpu.memory_space<vmem>> -> memref<1x128xi32, #tpu.memory_space<vmem>>
      %dma_start3A_758 = tpu.memref_squeeze %dma_start3A_757 : memref<1x128xi32, #tpu.memory_space<vmem>> -> memref<128xi32, #tpu.memory_space<vmem>>
      %dma_start3A_759 = arith.constant 0 : i32
      %dma_start3A_760 = tpu.memref_slice %arg5[%dma_start3A_759] : memref<1048576xf32, #tpu.memory_space<vmem_shared>> -> memref<1048576xf32, #tpu.memory_space<vmem_shared>>
      tpu.enqueue_indirect_dma source(%dma_start3A_755 : memref<128xf32, #tpu.memory_space<vmem>>) target(%dma_start3A_760 : memref<1048576xf32, #tpu.memory_space<vmem_shared>>) offsets(%dma_start3A_758 : memref<128xi32, #tpu.memory_space<vmem>>) semaphore(%arg12 : memref<!tpu.dma_semaphore, #tpu.memory_space<semaphore_mem>>) {add = true}
    } else {
    }
    %gt3A_638 = arith.constant 11 : i32
    %gt3A_639 = arith.cmpi sgt, %div3A_582, %gt3A_638 : i32
    %convert_element_type3A_640 = arith.extui %gt3A_639 : i1 to i32
    %cond3A_641 = arith.constant 0 : i32
    %cond3A_642 = arith.cmpi ne, %convert_element_type3A_640, %cond3A_641 : i32
    scf.if %cond3A_642 {
      %dma_start3A_751 = arith.constant 11 : i32
      %dma_start3A_752 = arith.constant 11 : i32
      %dma_start3A_753 = arith.constant 0 : i32
      %dma_start3A_754 = tpu.memref_slice %arg9[%dma_start3A_751, %dma_start3A_753] : memref<16x128xf32, #tpu.memory_space<vmem>> -> memref<1x128xf32, #tpu.memory_space<vmem>>
      %dma_start3A_755 = tpu.memref_squeeze %dma_start3A_754 : memref<1x128xf32, #tpu.memory_space<vmem>> -> memref<128xf32, #tpu.memory_space<vmem>>
      %dma_start3A_756 = arith.constant 0 : i32
      %dma_start3A_757 = tpu.memref_slice %arg8[%dma_start3A_752, %dma_start3A_756] : memref<16x128xi32, #tpu.memory_space<vmem>> -> memref<1x128xi32, #tpu.memory_space<vmem>>
      %dma_start3A_758 = tpu.memref_squeeze %dma_start3A_757 : memref<1x128xi32, #tpu.memory_space<vmem>> -> memref<128xi32, #tpu.memory_space<vmem>>
      %dma_start3A_759 = arith.constant 0 : i32
      %dma_start3A_760 = tpu.memref_slice %arg5[%dma_start3A_759] : memref<1048576xf32, #tpu.memory_space<vmem_shared>> -> memref<1048576xf32, #tpu.memory_space<vmem_shared>>
      tpu.enqueue_indirect_dma source(%dma_start3A_755 : memref<128xf32, #tpu.memory_space<vmem>>) target(%dma_start3A_760 : memref<1048576xf32, #tpu.memory_space<vmem_shared>>) offsets(%dma_start3A_758 : memref<128xi32, #tpu.memory_space<vmem>>) semaphore(%arg12 : memref<!tpu.dma_semaphore, #tpu.memory_space<semaphore_mem>>) {add = true}
    } else {
    }
    %gt3A_643 = arith.constant 12 : i32
    %gt3A_644 = arith.cmpi sgt, %div3A_582, %gt3A_643 : i32
    %convert_element_type3A_645 = arith.extui %gt3A_644 : i1 to i32
    %cond3A_646 = arith.constant 0 : i32
    %cond3A_647 = arith.cmpi ne, %convert_element_type3A_645, %cond3A_646 : i32
    scf.if %cond3A_647 {
      %dma_start3A_751 = arith.constant 12 : i32
      %dma_start3A_752 = arith.constant 12 : i32
      %dma_start3A_753 = arith.constant 0 : i32
      %dma_start3A_754 = tpu.memref_slice %arg9[%dma_start3A_751, %dma_start3A_753] : memref<16x128xf32, #tpu.memory_space<vmem>> -> memref<1x128xf32, #tpu.memory_space<vmem>>
      %dma_start3A_755 = tpu.memref_squeeze %dma_start3A_754 : memref<1x128xf32, #tpu.memory_space<vmem>> -> memref<128xf32, #tpu.memory_space<vmem>>
      %dma_start3A_756 = arith.constant 0 : i32
      %dma_start3A_757 = tpu.memref_slice %arg8[%dma_start3A_752, %dma_start3A_756] : memref<16x128xi32, #tpu.memory_space<vmem>> -> memref<1x128xi32, #tpu.memory_space<vmem>>
      %dma_start3A_758 = tpu.memref_squeeze %dma_start3A_757 : memref<1x128xi32, #tpu.memory_space<vmem>> -> memref<128xi32, #tpu.memory_space<vmem>>
      %dma_start3A_759 = arith.constant 0 : i32
      %dma_start3A_760 = tpu.memref_slice %arg5[%dma_start3A_759] : memref<1048576xf32, #tpu.memory_space<vmem_shared>> -> memref<1048576xf32, #tpu.memory_space<vmem_shared>>
      tpu.enqueue_indirect_dma source(%dma_start3A_755 : memref<128xf32, #tpu.memory_space<vmem>>) target(%dma_start3A_760 : memref<1048576xf32, #tpu.memory_space<vmem_shared>>) offsets(%dma_start3A_758 : memref<128xi32, #tpu.memory_space<vmem>>) semaphore(%arg12 : memref<!tpu.dma_semaphore, #tpu.memory_space<semaphore_mem>>) {add = true}
    } else {
    }
    %gt3A_648 = arith.constant 13 : i32
    %gt3A_649 = arith.cmpi sgt, %div3A_582, %gt3A_648 : i32
    %convert_element_type3A_650 = arith.extui %gt3A_649 : i1 to i32
    %cond3A_651 = arith.constant 0 : i32
    %cond3A_652 = arith.cmpi ne, %convert_element_type3A_650, %cond3A_651 : i32
    scf.if %cond3A_652 {
      %dma_start3A_751 = arith.constant 13 : i32
      %dma_start3A_752 = arith.constant 13 : i32
      %dma_start3A_753 = arith.constant 0 : i32
      %dma_start3A_754 = tpu.memref_slice %arg9[%dma_start3A_751, %dma_start3A_753] : memref<16x128xf32, #tpu.memory_space<vmem>> -> memref<1x128xf32, #tpu.memory_space<vmem>>
      %dma_start3A_755 = tpu.memref_squeeze %dma_start3A_754 : memref<1x128xf32, #tpu.memory_space<vmem>> -> memref<128xf32, #tpu.memory_space<vmem>>
      %dma_start3A_756 = arith.constant 0 : i32
      %dma_start3A_757 = tpu.memref_slice %arg8[%dma_start3A_752, %dma_start3A_756] : memref<16x128xi32, #tpu.memory_space<vmem>> -> memref<1x128xi32, #tpu.memory_space<vmem>>
      %dma_start3A_758 = tpu.memref_squeeze %dma_start3A_757 : memref<1x128xi32, #tpu.memory_space<vmem>> -> memref<128xi32, #tpu.memory_space<vmem>>
      %dma_start3A_759 = arith.constant 0 : i32
      %dma_start3A_760 = tpu.memref_slice %arg5[%dma_start3A_759] : memref<1048576xf32, #tpu.memory_space<vmem_shared>> -> memref<1048576xf32, #tpu.memory_space<vmem_shared>>
      tpu.enqueue_indirect_dma source(%dma_start3A_755 : memref<128xf32, #tpu.memory_space<vmem>>) target(%dma_start3A_760 : memref<1048576xf32, #tpu.memory_space<vmem_shared>>) offsets(%dma_start3A_758 : memref<128xi32, #tpu.memory_space<vmem>>) semaphore(%arg12 : memref<!tpu.dma_semaphore, #tpu.memory_space<semaphore_mem>>) {add = true}
    } else {
    }
    %gt3A_653 = arith.constant 14 : i32
    %gt3A_654 = arith.cmpi sgt, %div3A_582, %gt3A_653 : i32
    %convert_element_type3A_655 = arith.extui %gt3A_654 : i1 to i32
    %cond3A_656 = arith.constant 0 : i32
    %cond3A_657 = arith.cmpi ne, %convert_element_type3A_655, %cond3A_656 : i32
    scf.if %cond3A_657 {
      %dma_start3A_751 = arith.constant 14 : i32
      %dma_start3A_752 = arith.constant 14 : i32
      %dma_start3A_753 = arith.constant 0 : i32
      %dma_start3A_754 = tpu.memref_slice %arg9[%dma_start3A_751, %dma_start3A_753] : memref<16x128xf32, #tpu.memory_space<vmem>> -> memref<1x128xf32, #tpu.memory_space<vmem>>
      %dma_start3A_755 = tpu.memref_squeeze %dma_start3A_754 : memref<1x128xf32, #tpu.memory_space<vmem>> -> memref<128xf32, #tpu.memory_space<vmem>>
      %dma_start3A_756 = arith.constant 0 : i32
      %dma_start3A_757 = tpu.memref_slice %arg8[%dma_start3A_752, %dma_start3A_756] : memref<16x128xi32, #tpu.memory_space<vmem>> -> memref<1x128xi32, #tpu.memory_space<vmem>>
      %dma_start3A_758 = tpu.memref_squeeze %dma_start3A_757 : memref<1x128xi32, #tpu.memory_space<vmem>> -> memref<128xi32, #tpu.memory_space<vmem>>
      %dma_start3A_759 = arith.constant 0 : i32
      %dma_start3A_760 = tpu.memref_slice %arg5[%dma_start3A_759] : memref<1048576xf32, #tpu.memory_space<vmem_shared>> -> memref<1048576xf32, #tpu.memory_space<vmem_shared>>
      tpu.enqueue_indirect_dma source(%dma_start3A_755 : memref<128xf32, #tpu.memory_space<vmem>>) target(%dma_start3A_760 : memref<1048576xf32, #tpu.memory_space<vmem_shared>>) offsets(%dma_start3A_758 : memref<128xi32, #tpu.memory_space<vmem>>) semaphore(%arg12 : memref<!tpu.dma_semaphore, #tpu.memory_space<semaphore_mem>>) {add = true}
    } else {
    }
    %gt3A_658 = arith.constant 15 : i32
    %gt3A_659 = arith.cmpi sgt, %div3A_582, %gt3A_658 : i32
    %convert_element_type3A_660 = arith.extui %gt3A_659 : i1 to i32
    %cond3A_661 = arith.constant 0 : i32
    %cond3A_662 = arith.cmpi ne, %convert_element_type3A_660, %cond3A_661 : i32
    scf.if %cond3A_662 {
      %dma_start3A_751 = arith.constant 15 : i32
      %dma_start3A_752 = arith.constant 15 : i32
      %dma_start3A_753 = arith.constant 0 : i32
      %dma_start3A_754 = tpu.memref_slice %arg9[%dma_start3A_751, %dma_start3A_753] : memref<16x128xf32, #tpu.memory_space<vmem>> -> memref<1x128xf32, #tpu.memory_space<vmem>>
      %dma_start3A_755 = tpu.memref_squeeze %dma_start3A_754 : memref<1x128xf32, #tpu.memory_space<vmem>> -> memref<128xf32, #tpu.memory_space<vmem>>
      %dma_start3A_756 = arith.constant 0 : i32
      %dma_start3A_757 = tpu.memref_slice %arg8[%dma_start3A_752, %dma_start3A_756] : memref<16x128xi32, #tpu.memory_space<vmem>> -> memref<1x128xi32, #tpu.memory_space<vmem>>
      %dma_start3A_758 = tpu.memref_squeeze %dma_start3A_757 : memref<1x128xi32, #tpu.memory_space<vmem>> -> memref<128xi32, #tpu.memory_space<vmem>>
      %dma_start3A_759 = arith.constant 0 : i32
      %dma_start3A_760 = tpu.memref_slice %arg5[%dma_start3A_759] : memref<1048576xf32, #tpu.memory_space<vmem_shared>> -> memref<1048576xf32, #tpu.memory_space<vmem_shared>>
      tpu.enqueue_indirect_dma source(%dma_start3A_755 : memref<128xf32, #tpu.memory_space<vmem>>) target(%dma_start3A_760 : memref<1048576xf32, #tpu.memory_space<vmem_shared>>) offsets(%dma_start3A_758 : memref<128xi32, #tpu.memory_space<vmem>>) semaphore(%arg12 : memref<!tpu.dma_semaphore, #tpu.memory_space<semaphore_mem>>) {add = true}
    } else {
    }
    %gt3A_663 = arith.constant 0 : i32
    %gt3A_664 = arith.cmpi sgt, %div3A_582, %gt3A_663 : i32
    %convert_element_type3A_665 = arith.extui %gt3A_664 : i1 to i32
    %cond3A_666 = arith.constant 0 : i32
    %cond3A_667 = arith.cmpi ne, %convert_element_type3A_665, %cond3A_666 : i32
    scf.if %cond3A_667 {
      %dma_wait3A_751 = arith.constant 0 : i32
      %dma_wait3A_752 = arith.constant 0 : i32
      %dma_wait3A_753 = arith.constant 0 : i32
      %dma_wait3A_754 = tpu.memref_slice %arg9[%dma_wait3A_751, %dma_wait3A_753] : memref<16x128xf32, #tpu.memory_space<vmem>> -> memref<1x128xf32, #tpu.memory_space<vmem>>
      %dma_wait3A_755 = tpu.memref_squeeze %dma_wait3A_754 : memref<1x128xf32, #tpu.memory_space<vmem>> -> memref<128xf32, #tpu.memory_space<vmem>>
      %dma_wait3A_756 = arith.constant 0 : i32
      %dma_wait3A_757 = tpu.memref_slice %arg8[%dma_wait3A_752, %dma_wait3A_756] : memref<16x128xi32, #tpu.memory_space<vmem>> -> memref<1x128xi32, #tpu.memory_space<vmem>>
      %dma_wait3A_758 = tpu.memref_squeeze %dma_wait3A_757 : memref<1x128xi32, #tpu.memory_space<vmem>> -> memref<128xi32, #tpu.memory_space<vmem>>
      %dma_wait3A_759 = arith.constant 0 : i32
      %dma_wait3A_760 = tpu.memref_slice %arg5[%dma_wait3A_759] : memref<1048576xf32, #tpu.memory_space<vmem_shared>> -> memref<1048576xf32, #tpu.memory_space<vmem_shared>>
      tpu.wait_indirect_dma semaphore(%arg12 : memref<!tpu.dma_semaphore, #tpu.memory_space<semaphore_mem>>) src(%dma_wait3A_755 : memref<128xf32, #tpu.memory_space<vmem>>) dst(%dma_wait3A_760 : memref<1048576xf32, #tpu.memory_space<vmem_shared>>)
    } else {
    }
    %gt3A_668 = arith.constant 1 : i32
    %gt3A_669 = arith.cmpi sgt, %div3A_582, %gt3A_668 : i32
    %convert_element_type3A_670 = arith.extui %gt3A_669 : i1 to i32
    %cond3A_671 = arith.constant 0 : i32
    %cond3A_672 = arith.cmpi ne, %convert_element_type3A_670, %cond3A_671 : i32
    scf.if %cond3A_672 {
      %dma_wait3A_751 = arith.constant 1 : i32
      %dma_wait3A_752 = arith.constant 1 : i32
      %dma_wait3A_753 = arith.constant 0 : i32
      %dma_wait3A_754 = tpu.memref_slice %arg9[%dma_wait3A_751, %dma_wait3A_753] : memref<16x128xf32, #tpu.memory_space<vmem>> -> memref<1x128xf32, #tpu.memory_space<vmem>>
      %dma_wait3A_755 = tpu.memref_squeeze %dma_wait3A_754 : memref<1x128xf32, #tpu.memory_space<vmem>> -> memref<128xf32, #tpu.memory_space<vmem>>
      %dma_wait3A_756 = arith.constant 0 : i32
      %dma_wait3A_757 = tpu.memref_slice %arg8[%dma_wait3A_752, %dma_wait3A_756] : memref<16x128xi32, #tpu.memory_space<vmem>> -> memref<1x128xi32, #tpu.memory_space<vmem>>
      %dma_wait3A_758 = tpu.memref_squeeze %dma_wait3A_757 : memref<1x128xi32, #tpu.memory_space<vmem>> -> memref<128xi32, #tpu.memory_space<vmem>>
      %dma_wait3A_759 = arith.constant 0 : i32
      %dma_wait3A_760 = tpu.memref_slice %arg5[%dma_wait3A_759] : memref<1048576xf32, #tpu.memory_space<vmem_shared>> -> memref<1048576xf32, #tpu.memory_space<vmem_shared>>
      tpu.wait_indirect_dma semaphore(%arg12 : memref<!tpu.dma_semaphore, #tpu.memory_space<semaphore_mem>>) src(%dma_wait3A_755 : memref<128xf32, #tpu.memory_space<vmem>>) dst(%dma_wait3A_760 : memref<1048576xf32, #tpu.memory_space<vmem_shared>>)
    } else {
    }
    %gt3A_673 = arith.constant 2 : i32
    %gt3A_674 = arith.cmpi sgt, %div3A_582, %gt3A_673 : i32
    %convert_element_type3A_675 = arith.extui %gt3A_674 : i1 to i32
    %cond3A_676 = arith.constant 0 : i32
    %cond3A_677 = arith.cmpi ne, %convert_element_type3A_675, %cond3A_676 : i32
    scf.if %cond3A_677 {
      %dma_wait3A_751 = arith.constant 2 : i32
      %dma_wait3A_752 = arith.constant 2 : i32
      %dma_wait3A_753 = arith.constant 0 : i32
      %dma_wait3A_754 = tpu.memref_slice %arg9[%dma_wait3A_751, %dma_wait3A_753] : memref<16x128xf32, #tpu.memory_space<vmem>> -> memref<1x128xf32, #tpu.memory_space<vmem>>
      %dma_wait3A_755 = tpu.memref_squeeze %dma_wait3A_754 : memref<1x128xf32, #tpu.memory_space<vmem>> -> memref<128xf32, #tpu.memory_space<vmem>>
      %dma_wait3A_756 = arith.constant 0 : i32
      %dma_wait3A_757 = tpu.memref_slice %arg8[%dma_wait3A_752, %dma_wait3A_756] : memref<16x128xi32, #tpu.memory_space<vmem>> -> memref<1x128xi32, #tpu.memory_space<vmem>>
      %dma_wait3A_758 = tpu.memref_squeeze %dma_wait3A_757 : memref<1x128xi32, #tpu.memory_space<vmem>> -> memref<128xi32, #tpu.memory_space<vmem>>
      %dma_wait3A_759 = arith.constant 0 : i32
      %dma_wait3A_760 = tpu.memref_slice %arg5[%dma_wait3A_759] : memref<1048576xf32, #tpu.memory_space<vmem_shared>> -> memref<1048576xf32, #tpu.memory_space<vmem_shared>>
      tpu.wait_indirect_dma semaphore(%arg12 : memref<!tpu.dma_semaphore, #tpu.memory_space<semaphore_mem>>) src(%dma_wait3A_755 : memref<128xf32, #tpu.memory_space<vmem>>) dst(%dma_wait3A_760 : memref<1048576xf32, #tpu.memory_space<vmem_shared>>)
    } else {
    }
    %gt3A_678 = arith.constant 3 : i32
    %gt3A_679 = arith.cmpi sgt, %div3A_582, %gt3A_678 : i32
    %convert_element_type3A_680 = arith.extui %gt3A_679 : i1 to i32
    %cond3A_681 = arith.constant 0 : i32
    %cond3A_682 = arith.cmpi ne, %convert_element_type3A_680, %cond3A_681 : i32
    scf.if %cond3A_682 {
      %dma_wait3A_751 = arith.constant 3 : i32
      %dma_wait3A_752 = arith.constant 3 : i32
      %dma_wait3A_753 = arith.constant 0 : i32
      %dma_wait3A_754 = tpu.memref_slice %arg9[%dma_wait3A_751, %dma_wait3A_753] : memref<16x128xf32, #tpu.memory_space<vmem>> -> memref<1x128xf32, #tpu.memory_space<vmem>>
      %dma_wait3A_755 = tpu.memref_squeeze %dma_wait3A_754 : memref<1x128xf32, #tpu.memory_space<vmem>> -> memref<128xf32, #tpu.memory_space<vmem>>
      %dma_wait3A_756 = arith.constant 0 : i32
      %dma_wait3A_757 = tpu.memref_slice %arg8[%dma_wait3A_752, %dma_wait3A_756] : memref<16x128xi32, #tpu.memory_space<vmem>> -> memref<1x128xi32, #tpu.memory_space<vmem>>
      %dma_wait3A_758 = tpu.memref_squeeze %dma_wait3A_757 : memref<1x128xi32, #tpu.memory_space<vmem>> -> memref<128xi32, #tpu.memory_space<vmem>>
      %dma_wait3A_759 = arith.constant 0 : i32
      %dma_wait3A_760 = tpu.memref_slice %arg5[%dma_wait3A_759] : memref<1048576xf32, #tpu.memory_space<vmem_shared>> -> memref<1048576xf32, #tpu.memory_space<vmem_shared>>
      tpu.wait_indirect_dma semaphore(%arg12 : memref<!tpu.dma_semaphore, #tpu.memory_space<semaphore_mem>>) src(%dma_wait3A_755 : memref<128xf32, #tpu.memory_space<vmem>>) dst(%dma_wait3A_760 : memref<1048576xf32, #tpu.memory_space<vmem_shared>>)
    } else {
    }
    %gt3A_683 = arith.constant 4 : i32
    %gt3A_684 = arith.cmpi sgt, %div3A_582, %gt3A_683 : i32
    %convert_element_type3A_685 = arith.extui %gt3A_684 : i1 to i32
    %cond3A_686 = arith.constant 0 : i32
    %cond3A_687 = arith.cmpi ne, %convert_element_type3A_685, %cond3A_686 : i32
    scf.if %cond3A_687 {
      %dma_wait3A_751 = arith.constant 4 : i32
      %dma_wait3A_752 = arith.constant 4 : i32
      %dma_wait3A_753 = arith.constant 0 : i32
      %dma_wait3A_754 = tpu.memref_slice %arg9[%dma_wait3A_751, %dma_wait3A_753] : memref<16x128xf32, #tpu.memory_space<vmem>> -> memref<1x128xf32, #tpu.memory_space<vmem>>
      %dma_wait3A_755 = tpu.memref_squeeze %dma_wait3A_754 : memref<1x128xf32, #tpu.memory_space<vmem>> -> memref<128xf32, #tpu.memory_space<vmem>>
      %dma_wait3A_756 = arith.constant 0 : i32
      %dma_wait3A_757 = tpu.memref_slice %arg8[%dma_wait3A_752, %dma_wait3A_756] : memref<16x128xi32, #tpu.memory_space<vmem>> -> memref<1x128xi32, #tpu.memory_space<vmem>>
      %dma_wait3A_758 = tpu.memref_squeeze %dma_wait3A_757 : memref<1x128xi32, #tpu.memory_space<vmem>> -> memref<128xi32, #tpu.memory_space<vmem>>
      %dma_wait3A_759 = arith.constant 0 : i32
      %dma_wait3A_760 = tpu.memref_slice %arg5[%dma_wait3A_759] : memref<1048576xf32, #tpu.memory_space<vmem_shared>> -> memref<1048576xf32, #tpu.memory_space<vmem_shared>>
      tpu.wait_indirect_dma semaphore(%arg12 : memref<!tpu.dma_semaphore, #tpu.memory_space<semaphore_mem>>) src(%dma_wait3A_755 : memref<128xf32, #tpu.memory_space<vmem>>) dst(%dma_wait3A_760 : memref<1048576xf32, #tpu.memory_space<vmem_shared>>)
    } else {
    }
    %gt3A_688 = arith.constant 5 : i32
    %gt3A_689 = arith.cmpi sgt, %div3A_582, %gt3A_688 : i32
    %convert_element_type3A_690 = arith.extui %gt3A_689 : i1 to i32
    %cond3A_691 = arith.constant 0 : i32
    %cond3A_692 = arith.cmpi ne, %convert_element_type3A_690, %cond3A_691 : i32
    scf.if %cond3A_692 {
      %dma_wait3A_751 = arith.constant 5 : i32
      %dma_wait3A_752 = arith.constant 5 : i32
      %dma_wait3A_753 = arith.constant 0 : i32
      %dma_wait3A_754 = tpu.memref_slice %arg9[%dma_wait3A_751, %dma_wait3A_753] : memref<16x128xf32, #tpu.memory_space<vmem>> -> memref<1x128xf32, #tpu.memory_space<vmem>>
      %dma_wait3A_755 = tpu.memref_squeeze %dma_wait3A_754 : memref<1x128xf32, #tpu.memory_space<vmem>> -> memref<128xf32, #tpu.memory_space<vmem>>
      %dma_wait3A_756 = arith.constant 0 : i32
      %dma_wait3A_757 = tpu.memref_slice %arg8[%dma_wait3A_752, %dma_wait3A_756] : memref<16x128xi32, #tpu.memory_space<vmem>> -> memref<1x128xi32, #tpu.memory_space<vmem>>
      %dma_wait3A_758 = tpu.memref_squeeze %dma_wait3A_757 : memref<1x128xi32, #tpu.memory_space<vmem>> -> memref<128xi32, #tpu.memory_space<vmem>>
      %dma_wait3A_759 = arith.constant 0 : i32
      %dma_wait3A_760 = tpu.memref_slice %arg5[%dma_wait3A_759] : memref<1048576xf32, #tpu.memory_space<vmem_shared>> -> memref<1048576xf32, #tpu.memory_space<vmem_shared>>
      tpu.wait_indirect_dma semaphore(%arg12 : memref<!tpu.dma_semaphore, #tpu.memory_space<semaphore_mem>>) src(%dma_wait3A_755 : memref<128xf32, #tpu.memory_space<vmem>>) dst(%dma_wait3A_760 : memref<1048576xf32, #tpu.memory_space<vmem_shared>>)
    } else {
    }
    %gt3A_693 = arith.constant 6 : i32
    %gt3A_694 = arith.cmpi sgt, %div3A_582, %gt3A_693 : i32
    %convert_element_type3A_695 = arith.extui %gt3A_694 : i1 to i32
    %cond3A_696 = arith.constant 0 : i32
    %cond3A_697 = arith.cmpi ne, %convert_element_type3A_695, %cond3A_696 : i32
    scf.if %cond3A_697 {
      %dma_wait3A_751 = arith.constant 6 : i32
      %dma_wait3A_752 = arith.constant 6 : i32
      %dma_wait3A_753 = arith.constant 0 : i32
      %dma_wait3A_754 = tpu.memref_slice %arg9[%dma_wait3A_751, %dma_wait3A_753] : memref<16x128xf32, #tpu.memory_space<vmem>> -> memref<1x128xf32, #tpu.memory_space<vmem>>
      %dma_wait3A_755 = tpu.memref_squeeze %dma_wait3A_754 : memref<1x128xf32, #tpu.memory_space<vmem>> -> memref<128xf32, #tpu.memory_space<vmem>>
      %dma_wait3A_756 = arith.constant 0 : i32
      %dma_wait3A_757 = tpu.memref_slice %arg8[%dma_wait3A_752, %dma_wait3A_756] : memref<16x128xi32, #tpu.memory_space<vmem>> -> memref<1x128xi32, #tpu.memory_space<vmem>>
      %dma_wait3A_758 = tpu.memref_squeeze %dma_wait3A_757 : memref<1x128xi32, #tpu.memory_space<vmem>> -> memref<128xi32, #tpu.memory_space<vmem>>
      %dma_wait3A_759 = arith.constant 0 : i32
      %dma_wait3A_760 = tpu.memref_slice %arg5[%dma_wait3A_759] : memref<1048576xf32, #tpu.memory_space<vmem_shared>> -> memref<1048576xf32, #tpu.memory_space<vmem_shared>>
      tpu.wait_indirect_dma semaphore(%arg12 : memref<!tpu.dma_semaphore, #tpu.memory_space<semaphore_mem>>) src(%dma_wait3A_755 : memref<128xf32, #tpu.memory_space<vmem>>) dst(%dma_wait3A_760 : memref<1048576xf32, #tpu.memory_space<vmem_shared>>)
    } else {
    }
    %gt3A_698 = arith.constant 7 : i32
    %gt3A_699 = arith.cmpi sgt, %div3A_582, %gt3A_698 : i32
    %convert_element_type3A_700 = arith.extui %gt3A_699 : i1 to i32
    %cond3A_701 = arith.constant 0 : i32
    %cond3A_702 = arith.cmpi ne, %convert_element_type3A_700, %cond3A_701 : i32
    scf.if %cond3A_702 {
      %dma_wait3A_751 = arith.constant 7 : i32
      %dma_wait3A_752 = arith.constant 7 : i32
      %dma_wait3A_753 = arith.constant 0 : i32
      %dma_wait3A_754 = tpu.memref_slice %arg9[%dma_wait3A_751, %dma_wait3A_753] : memref<16x128xf32, #tpu.memory_space<vmem>> -> memref<1x128xf32, #tpu.memory_space<vmem>>
      %dma_wait3A_755 = tpu.memref_squeeze %dma_wait3A_754 : memref<1x128xf32, #tpu.memory_space<vmem>> -> memref<128xf32, #tpu.memory_space<vmem>>
      %dma_wait3A_756 = arith.constant 0 : i32
      %dma_wait3A_757 = tpu.memref_slice %arg8[%dma_wait3A_752, %dma_wait3A_756] : memref<16x128xi32, #tpu.memory_space<vmem>> -> memref<1x128xi32, #tpu.memory_space<vmem>>
      %dma_wait3A_758 = tpu.memref_squeeze %dma_wait3A_757 : memref<1x128xi32, #tpu.memory_space<vmem>> -> memref<128xi32, #tpu.memory_space<vmem>>
      %dma_wait3A_759 = arith.constant 0 : i32
      %dma_wait3A_760 = tpu.memref_slice %arg5[%dma_wait3A_759] : memref<1048576xf32, #tpu.memory_space<vmem_shared>> -> memref<1048576xf32, #tpu.memory_space<vmem_shared>>
      tpu.wait_indirect_dma semaphore(%arg12 : memref<!tpu.dma_semaphore, #tpu.memory_space<semaphore_mem>>) src(%dma_wait3A_755 : memref<128xf32, #tpu.memory_space<vmem>>) dst(%dma_wait3A_760 : memref<1048576xf32, #tpu.memory_space<vmem_shared>>)
    } else {
    }
    %gt3A_703 = arith.constant 8 : i32
    %gt3A_704 = arith.cmpi sgt, %div3A_582, %gt3A_703 : i32
    %convert_element_type3A_705 = arith.extui %gt3A_704 : i1 to i32
    %cond3A_706 = arith.constant 0 : i32
    %cond3A_707 = arith.cmpi ne, %convert_element_type3A_705, %cond3A_706 : i32
    scf.if %cond3A_707 {
      %dma_wait3A_751 = arith.constant 8 : i32
      %dma_wait3A_752 = arith.constant 8 : i32
      %dma_wait3A_753 = arith.constant 0 : i32
      %dma_wait3A_754 = tpu.memref_slice %arg9[%dma_wait3A_751, %dma_wait3A_753] : memref<16x128xf32, #tpu.memory_space<vmem>> -> memref<1x128xf32, #tpu.memory_space<vmem>>
      %dma_wait3A_755 = tpu.memref_squeeze %dma_wait3A_754 : memref<1x128xf32, #tpu.memory_space<vmem>> -> memref<128xf32, #tpu.memory_space<vmem>>
      %dma_wait3A_756 = arith.constant 0 : i32
      %dma_wait3A_757 = tpu.memref_slice %arg8[%dma_wait3A_752, %dma_wait3A_756] : memref<16x128xi32, #tpu.memory_space<vmem>> -> memref<1x128xi32, #tpu.memory_space<vmem>>
      %dma_wait3A_758 = tpu.memref_squeeze %dma_wait3A_757 : memref<1x128xi32, #tpu.memory_space<vmem>> -> memref<128xi32, #tpu.memory_space<vmem>>
      %dma_wait3A_759 = arith.constant 0 : i32
      %dma_wait3A_760 = tpu.memref_slice %arg5[%dma_wait3A_759] : memref<1048576xf32, #tpu.memory_space<vmem_shared>> -> memref<1048576xf32, #tpu.memory_space<vmem_shared>>
      tpu.wait_indirect_dma semaphore(%arg12 : memref<!tpu.dma_semaphore, #tpu.memory_space<semaphore_mem>>) src(%dma_wait3A_755 : memref<128xf32, #tpu.memory_space<vmem>>) dst(%dma_wait3A_760 : memref<1048576xf32, #tpu.memory_space<vmem_shared>>)
    } else {
    }
    %gt3A_708 = arith.constant 9 : i32
    %gt3A_709 = arith.cmpi sgt, %div3A_582, %gt3A_708 : i32
    %convert_element_type3A_710 = arith.extui %gt3A_709 : i1 to i32
    %cond3A_711 = arith.constant 0 : i32
    %cond3A_712 = arith.cmpi ne, %convert_element_type3A_710, %cond3A_711 : i32
    scf.if %cond3A_712 {
      %dma_wait3A_751 = arith.constant 9 : i32
      %dma_wait3A_752 = arith.constant 9 : i32
      %dma_wait3A_753 = arith.constant 0 : i32
      %dma_wait3A_754 = tpu.memref_slice %arg9[%dma_wait3A_751, %dma_wait3A_753] : memref<16x128xf32, #tpu.memory_space<vmem>> -> memref<1x128xf32, #tpu.memory_space<vmem>>
      %dma_wait3A_755 = tpu.memref_squeeze %dma_wait3A_754 : memref<1x128xf32, #tpu.memory_space<vmem>> -> memref<128xf32, #tpu.memory_space<vmem>>
      %dma_wait3A_756 = arith.constant 0 : i32
      %dma_wait3A_757 = tpu.memref_slice %arg8[%dma_wait3A_752, %dma_wait3A_756] : memref<16x128xi32, #tpu.memory_space<vmem>> -> memref<1x128xi32, #tpu.memory_space<vmem>>
      %dma_wait3A_758 = tpu.memref_squeeze %dma_wait3A_757 : memref<1x128xi32, #tpu.memory_space<vmem>> -> memref<128xi32, #tpu.memory_space<vmem>>
      %dma_wait3A_759 = arith.constant 0 : i32
      %dma_wait3A_760 = tpu.memref_slice %arg5[%dma_wait3A_759] : memref<1048576xf32, #tpu.memory_space<vmem_shared>> -> memref<1048576xf32, #tpu.memory_space<vmem_shared>>
      tpu.wait_indirect_dma semaphore(%arg12 : memref<!tpu.dma_semaphore, #tpu.memory_space<semaphore_mem>>) src(%dma_wait3A_755 : memref<128xf32, #tpu.memory_space<vmem>>) dst(%dma_wait3A_760 : memref<1048576xf32, #tpu.memory_space<vmem_shared>>)
    } else {
    }
    %gt3A_713 = arith.constant 10 : i32
    %gt3A_714 = arith.cmpi sgt, %div3A_582, %gt3A_713 : i32
    %convert_element_type3A_715 = arith.extui %gt3A_714 : i1 to i32
    %cond3A_716 = arith.constant 0 : i32
    %cond3A_717 = arith.cmpi ne, %convert_element_type3A_715, %cond3A_716 : i32
    scf.if %cond3A_717 {
      %dma_wait3A_751 = arith.constant 10 : i32
      %dma_wait3A_752 = arith.constant 10 : i32
      %dma_wait3A_753 = arith.constant 0 : i32
      %dma_wait3A_754 = tpu.memref_slice %arg9[%dma_wait3A_751, %dma_wait3A_753] : memref<16x128xf32, #tpu.memory_space<vmem>> -> memref<1x128xf32, #tpu.memory_space<vmem>>
      %dma_wait3A_755 = tpu.memref_squeeze %dma_wait3A_754 : memref<1x128xf32, #tpu.memory_space<vmem>> -> memref<128xf32, #tpu.memory_space<vmem>>
      %dma_wait3A_756 = arith.constant 0 : i32
      %dma_wait3A_757 = tpu.memref_slice %arg8[%dma_wait3A_752, %dma_wait3A_756] : memref<16x128xi32, #tpu.memory_space<vmem>> -> memref<1x128xi32, #tpu.memory_space<vmem>>
      %dma_wait3A_758 = tpu.memref_squeeze %dma_wait3A_757 : memref<1x128xi32, #tpu.memory_space<vmem>> -> memref<128xi32, #tpu.memory_space<vmem>>
      %dma_wait3A_759 = arith.constant 0 : i32
      %dma_wait3A_760 = tpu.memref_slice %arg5[%dma_wait3A_759] : memref<1048576xf32, #tpu.memory_space<vmem_shared>> -> memref<1048576xf32, #tpu.memory_space<vmem_shared>>
      tpu.wait_indirect_dma semaphore(%arg12 : memref<!tpu.dma_semaphore, #tpu.memory_space<semaphore_mem>>) src(%dma_wait3A_755 : memref<128xf32, #tpu.memory_space<vmem>>) dst(%dma_wait3A_760 : memref<1048576xf32, #tpu.memory_space<vmem_shared>>)
    } else {
    }
    %gt3A_718 = arith.constant 11 : i32
    %gt3A_719 = arith.cmpi sgt, %div3A_582, %gt3A_718 : i32
    %convert_element_type3A_720 = arith.extui %gt3A_719 : i1 to i32
    %cond3A_721 = arith.constant 0 : i32
    %cond3A_722 = arith.cmpi ne, %convert_element_type3A_720, %cond3A_721 : i32
    scf.if %cond3A_722 {
      %dma_wait3A_751 = arith.constant 11 : i32
      %dma_wait3A_752 = arith.constant 11 : i32
      %dma_wait3A_753 = arith.constant 0 : i32
      %dma_wait3A_754 = tpu.memref_slice %arg9[%dma_wait3A_751, %dma_wait3A_753] : memref<16x128xf32, #tpu.memory_space<vmem>> -> memref<1x128xf32, #tpu.memory_space<vmem>>
      %dma_wait3A_755 = tpu.memref_squeeze %dma_wait3A_754 : memref<1x128xf32, #tpu.memory_space<vmem>> -> memref<128xf32, #tpu.memory_space<vmem>>
      %dma_wait3A_756 = arith.constant 0 : i32
      %dma_wait3A_757 = tpu.memref_slice %arg8[%dma_wait3A_752, %dma_wait3A_756] : memref<16x128xi32, #tpu.memory_space<vmem>> -> memref<1x128xi32, #tpu.memory_space<vmem>>
      %dma_wait3A_758 = tpu.memref_squeeze %dma_wait3A_757 : memref<1x128xi32, #tpu.memory_space<vmem>> -> memref<128xi32, #tpu.memory_space<vmem>>
      %dma_wait3A_759 = arith.constant 0 : i32
      %dma_wait3A_760 = tpu.memref_slice %arg5[%dma_wait3A_759] : memref<1048576xf32, #tpu.memory_space<vmem_shared>> -> memref<1048576xf32, #tpu.memory_space<vmem_shared>>
      tpu.wait_indirect_dma semaphore(%arg12 : memref<!tpu.dma_semaphore, #tpu.memory_space<semaphore_mem>>) src(%dma_wait3A_755 : memref<128xf32, #tpu.memory_space<vmem>>) dst(%dma_wait3A_760 : memref<1048576xf32, #tpu.memory_space<vmem_shared>>)
    } else {
    }
    %gt3A_723 = arith.constant 12 : i32
    %gt3A_724 = arith.cmpi sgt, %div3A_582, %gt3A_723 : i32
    %convert_element_type3A_725 = arith.extui %gt3A_724 : i1 to i32
    %cond3A_726 = arith.constant 0 : i32
    %cond3A_727 = arith.cmpi ne, %convert_element_type3A_725, %cond3A_726 : i32
    scf.if %cond3A_727 {
      %dma_wait3A_751 = arith.constant 12 : i32
      %dma_wait3A_752 = arith.constant 12 : i32
      %dma_wait3A_753 = arith.constant 0 : i32
      %dma_wait3A_754 = tpu.memref_slice %arg9[%dma_wait3A_751, %dma_wait3A_753] : memref<16x128xf32, #tpu.memory_space<vmem>> -> memref<1x128xf32, #tpu.memory_space<vmem>>
      %dma_wait3A_755 = tpu.memref_squeeze %dma_wait3A_754 : memref<1x128xf32, #tpu.memory_space<vmem>> -> memref<128xf32, #tpu.memory_space<vmem>>
      %dma_wait3A_756 = arith.constant 0 : i32
      %dma_wait3A_757 = tpu.memref_slice %arg8[%dma_wait3A_752, %dma_wait3A_756] : memref<16x128xi32, #tpu.memory_space<vmem>> -> memref<1x128xi32, #tpu.memory_space<vmem>>
      %dma_wait3A_758 = tpu.memref_squeeze %dma_wait3A_757 : memref<1x128xi32, #tpu.memory_space<vmem>> -> memref<128xi32, #tpu.memory_space<vmem>>
      %dma_wait3A_759 = arith.constant 0 : i32
      %dma_wait3A_760 = tpu.memref_slice %arg5[%dma_wait3A_759] : memref<1048576xf32, #tpu.memory_space<vmem_shared>> -> memref<1048576xf32, #tpu.memory_space<vmem_shared>>
      tpu.wait_indirect_dma semaphore(%arg12 : memref<!tpu.dma_semaphore, #tpu.memory_space<semaphore_mem>>) src(%dma_wait3A_755 : memref<128xf32, #tpu.memory_space<vmem>>) dst(%dma_wait3A_760 : memref<1048576xf32, #tpu.memory_space<vmem_shared>>)
    } else {
    }
    %gt3A_728 = arith.constant 13 : i32
    %gt3A_729 = arith.cmpi sgt, %div3A_582, %gt3A_728 : i32
    %convert_element_type3A_730 = arith.extui %gt3A_729 : i1 to i32
    %cond3A_731 = arith.constant 0 : i32
    %cond3A_732 = arith.cmpi ne, %convert_element_type3A_730, %cond3A_731 : i32
    scf.if %cond3A_732 {
      %dma_wait3A_751 = arith.constant 13 : i32
      %dma_wait3A_752 = arith.constant 13 : i32
      %dma_wait3A_753 = arith.constant 0 : i32
      %dma_wait3A_754 = tpu.memref_slice %arg9[%dma_wait3A_751, %dma_wait3A_753] : memref<16x128xf32, #tpu.memory_space<vmem>> -> memref<1x128xf32, #tpu.memory_space<vmem>>
      %dma_wait3A_755 = tpu.memref_squeeze %dma_wait3A_754 : memref<1x128xf32, #tpu.memory_space<vmem>> -> memref<128xf32, #tpu.memory_space<vmem>>
      %dma_wait3A_756 = arith.constant 0 : i32
      %dma_wait3A_757 = tpu.memref_slice %arg8[%dma_wait3A_752, %dma_wait3A_756] : memref<16x128xi32, #tpu.memory_space<vmem>> -> memref<1x128xi32, #tpu.memory_space<vmem>>
      %dma_wait3A_758 = tpu.memref_squeeze %dma_wait3A_757 : memref<1x128xi32, #tpu.memory_space<vmem>> -> memref<128xi32, #tpu.memory_space<vmem>>
      %dma_wait3A_759 = arith.constant 0 : i32
      %dma_wait3A_760 = tpu.memref_slice %arg5[%dma_wait3A_759] : memref<1048576xf32, #tpu.memory_space<vmem_shared>> -> memref<1048576xf32, #tpu.memory_space<vmem_shared>>
      tpu.wait_indirect_dma semaphore(%arg12 : memref<!tpu.dma_semaphore, #tpu.memory_space<semaphore_mem>>) src(%dma_wait3A_755 : memref<128xf32, #tpu.memory_space<vmem>>) dst(%dma_wait3A_760 : memref<1048576xf32, #tpu.memory_space<vmem_shared>>)
    } else {
    }
    %gt3A_733 = arith.constant 14 : i32
    %gt3A_734 = arith.cmpi sgt, %div3A_582, %gt3A_733 : i32
    %convert_element_type3A_735 = arith.extui %gt3A_734 : i1 to i32
    %cond3A_736 = arith.constant 0 : i32
    %cond3A_737 = arith.cmpi ne, %convert_element_type3A_735, %cond3A_736 : i32
    scf.if %cond3A_737 {
      %dma_wait3A_751 = arith.constant 14 : i32
      %dma_wait3A_752 = arith.constant 14 : i32
      %dma_wait3A_753 = arith.constant 0 : i32
      %dma_wait3A_754 = tpu.memref_slice %arg9[%dma_wait3A_751, %dma_wait3A_753] : memref<16x128xf32, #tpu.memory_space<vmem>> -> memref<1x128xf32, #tpu.memory_space<vmem>>
      %dma_wait3A_755 = tpu.memref_squeeze %dma_wait3A_754 : memref<1x128xf32, #tpu.memory_space<vmem>> -> memref<128xf32, #tpu.memory_space<vmem>>
      %dma_wait3A_756 = arith.constant 0 : i32
      %dma_wait3A_757 = tpu.memref_slice %arg8[%dma_wait3A_752, %dma_wait3A_756] : memref<16x128xi32, #tpu.memory_space<vmem>> -> memref<1x128xi32, #tpu.memory_space<vmem>>
      %dma_wait3A_758 = tpu.memref_squeeze %dma_wait3A_757 : memref<1x128xi32, #tpu.memory_space<vmem>> -> memref<128xi32, #tpu.memory_space<vmem>>
      %dma_wait3A_759 = arith.constant 0 : i32
      %dma_wait3A_760 = tpu.memref_slice %arg5[%dma_wait3A_759] : memref<1048576xf32, #tpu.memory_space<vmem_shared>> -> memref<1048576xf32, #tpu.memory_space<vmem_shared>>
      tpu.wait_indirect_dma semaphore(%arg12 : memref<!tpu.dma_semaphore, #tpu.memory_space<semaphore_mem>>) src(%dma_wait3A_755 : memref<128xf32, #tpu.memory_space<vmem>>) dst(%dma_wait3A_760 : memref<1048576xf32, #tpu.memory_space<vmem_shared>>)
    } else {
    }
    %gt3A_738 = arith.constant 15 : i32
    %gt3A_739 = arith.cmpi sgt, %div3A_582, %gt3A_738 : i32
    %convert_element_type3A_740 = arith.extui %gt3A_739 : i1 to i32
    %cond3A_741 = arith.constant 0 : i32
    %cond3A_742 = arith.cmpi ne, %convert_element_type3A_740, %cond3A_741 : i32
    scf.if %cond3A_742 {
      %dma_wait3A_751 = arith.constant 15 : i32
      %dma_wait3A_752 = arith.constant 15 : i32
      %dma_wait3A_753 = arith.constant 0 : i32
      %dma_wait3A_754 = tpu.memref_slice %arg9[%dma_wait3A_751, %dma_wait3A_753] : memref<16x128xf32, #tpu.memory_space<vmem>> -> memref<1x128xf32, #tpu.memory_space<vmem>>
      %dma_wait3A_755 = tpu.memref_squeeze %dma_wait3A_754 : memref<1x128xf32, #tpu.memory_space<vmem>> -> memref<128xf32, #tpu.memory_space<vmem>>
      %dma_wait3A_756 = arith.constant 0 : i32
      %dma_wait3A_757 = tpu.memref_slice %arg8[%dma_wait3A_752, %dma_wait3A_756] : memref<16x128xi32, #tpu.memory_space<vmem>> -> memref<1x128xi32, #tpu.memory_space<vmem>>
      %dma_wait3A_758 = tpu.memref_squeeze %dma_wait3A_757 : memref<1x128xi32, #tpu.memory_space<vmem>> -> memref<128xi32, #tpu.memory_space<vmem>>
      %dma_wait3A_759 = arith.constant 0 : i32
      %dma_wait3A_760 = tpu.memref_slice %arg5[%dma_wait3A_759] : memref<1048576xf32, #tpu.memory_space<vmem_shared>> -> memref<1048576xf32, #tpu.memory_space<vmem_shared>>
      tpu.wait_indirect_dma semaphore(%arg12 : memref<!tpu.dma_semaphore, #tpu.memory_space<semaphore_mem>>) src(%dma_wait3A_755 : memref<128xf32, #tpu.memory_space<vmem>>) dst(%dma_wait3A_760 : memref<1048576xf32, #tpu.memory_space<vmem_shared>>)
    } else {
    }
    %barrier3A_743 = arith.constant 0 : index
    tpu.barrier barrier_id(%barrier3A_743)
    %mul3A_744 = arith.constant 2048 : i32
    %mul3A_745 = arith.muli %add3A_376, %mul3A_744 : i32
    %mul3A_746 = arith.constant 65536 : i32
    %mul3A_747 = arith.muli %arg1, %mul3A_746 : i32
    %add3A_748 = arith.addi %mul3A_745, %mul3A_747 : i32
    %mul3A_749 = arith.constant 65536 : i32
    %mul3A_750 = arith.muli %arg1, %mul3A_749 : i32
    "tpu.region"() ({
      %run_scoped3A = tpu.sem_alloc : memref<!tpu.dma_semaphore, #tpu.memory_space<semaphore_mem>>
      %dma_start3A_751 = tpu.memref_slice %arg4[%add3A_748] : memref<4194304xf32, #tpu.memory_space<hbm>> -> memref<65536xf32, #tpu.memory_space<hbm>>
      %dma_start3A_752 = tpu.memref_slice %arg5[%mul3A_750] : memref<1048576xf32, #tpu.memory_space<vmem_shared>> -> memref<65536xf32, #tpu.memory_space<vmem_shared>>
      tpu.enqueue_dma source(%dma_start3A_752 : memref<65536xf32, #tpu.memory_space<vmem_shared>>) target(%dma_start3A_751 : memref<65536xf32, #tpu.memory_space<hbm>>) target_semaphore(%run_scoped3A : memref<!tpu.dma_semaphore, #tpu.memory_space<semaphore_mem>>)
      %dma_wait3A_753 = tpu.memref_slice %arg4[%add3A_748] : memref<4194304xf32, #tpu.memory_space<hbm>> -> memref<65536xf32, #tpu.memory_space<hbm>>
      %dma_wait3A_754 = tpu.memref_slice %arg5[%mul3A_750] : memref<1048576xf32, #tpu.memory_space<vmem_shared>> -> memref<65536xf32, #tpu.memory_space<vmem_shared>>
      tpu.wait_dma2 semaphore(%run_scoped3A : memref<!tpu.dma_semaphore, #tpu.memory_space<semaphore_mem>>) src(%dma_wait3A_754 : memref<65536xf32, #tpu.memory_space<vmem_shared>>) dst(%dma_wait3A_753 : memref<65536xf32, #tpu.memory_space<hbm>>)
      tpu.yield
    }) : () -> ()
    return
  }
}

module attributes {stable_mosaic.version = 14 : i64} {
  func.func @_dense_body(%arg0: i32, %arg1: memref<512x2048xf32, #tpu.memory_space<vmem>>, %arg2: memref<2048x128xf32, #tpu.memory_space<vmem>>, %arg3: memref<1x128xf32, #tpu.memory_space<vmem>>, %arg4: memref<512x2048xf32, #tpu.memory_space<vmem>>, %arg5: memref<2048x2048xbf16, #tpu.memory_space<vmem>>, %arg6: memref<2048x2048xf32, #tpu.memory_space<vmem>>, %arg7: memref<2048x2048xf32, #tpu.memory_space<vmem>>, %arg8: memref<1x2048xf32, #tpu.memory_space<vmem>>, %arg9: memref<1x2048xf32, #tpu.memory_space<vmem>>) attributes {dimension_semantics = [#tpu.dimension_semantics<arbitrary>], iteration_bounds = array<i64: 16>, scalar_prefetch = 0 : i64, scratch_operands = 5 : i64, tpu.core_type = #tpu.core_type<tc>, window_params = [{transform_indices = @transform_0, window_bounds = array<i64: 512, 2048>}, {pipeline_mode = #tpu.pipeline_mode<synchronous>, transform_indices = @transform_1, window_bounds = array<i64: 2048, 128>}, {pipeline_mode = #tpu.pipeline_mode<synchronous>, transform_indices = @transform_2, window_bounds = array<i64: 1, 128>}, {transform_indices = @transform_3, window_bounds = array<i64: 512, 2048>}]} {
    %lt3A = arith.constant 4 : i32
    %lt3A_0 = arith.cmpi slt, %arg0, %lt3A : i32
    %convert_element_type3A = arith.extui %lt3A_0 : i1 to i32
    %cond3A = arith.constant 0 : i32
    %cond3A_1 = arith.cmpi ne, %convert_element_type3A, %cond3A : i32
    scf.if %cond3A_1 {
      %get3A = arith.constant 0 : index
      %get3A_21 = arith.constant 0 : index
      %get3A_22 = vector.load %arg1[%get3A, %get3A_21] : memref<512x2048xf32, #tpu.memory_space<vmem>>, vector<512x2048xf32>
      %reduce_sum3A = arith.constant dense<0.000000e+00> : vector<512xf32>
      %reduce_sum3A_23 = vector.multi_reduction <add>, %get3A_22, %reduce_sum3A [1] : vector<512x2048xf32> to vector<512xf32>
      %add3A = arith.constant 1.000000e+00 : f32
      %add3A_24 = vector.broadcast %add3A : f32 to vector<512xf32>
      %add3A_25 = arith.addf %reduce_sum3A_23, %add3A_24 : vector<512xf32>
      %rsqrt3A = math.rsqrt %add3A_25 : vector<512xf32>
      %mul3A = arith.constant 512 : i32
      %mul3A_26 = arith.muli %arg0, %mul3A : i32
      %swap3A = arith.constant 0 : index
      %swap3A_27 = arith.index_cast %mul3A_26 : i32 to index
      %swap3A_28 = vector.load %arg8[%swap3A, %swap3A_27] : memref<1x2048xf32, #tpu.memory_space<vmem>>, vector<1x512xf32>
      %swap3A_29 = vector.shape_cast %swap3A_28 : vector<1x512xf32> to vector<512xf32>
      %swap3A_30 = vector.shape_cast %rsqrt3A : vector<512xf32> to vector<1x512xf32>
      tpu.vector_store %arg8[%swap3A, %swap3A_27], %swap3A_30 {strides = array<i32>} : memref<1x2048xf32, #tpu.memory_space<vmem>>, vector<1x512xf32>,
      %reduce_sum3A_31 = arith.constant dense<0.000000e+00> : vector<2048xf32>
      %reduce_sum3A_32 = vector.multi_reduction <add>, %get3A_22, %reduce_sum3A_31 [0] : vector<512x2048xf32> to vector<2048xf32>
      %eq3A = arith.constant 0 : i32
      %eq3A_33 = arith.cmpi eq, %arg0, %eq3A : i32
      %convert_element_type3A_34 = arith.extui %eq3A_33 : i1 to i32
      %cond3A_35 = arith.constant 0 : i32
      %cond3A_36 = arith.cmpi ne, %convert_element_type3A_34, %cond3A_35 : i32
      scf.if %cond3A_36 {
        %swap3A_98 = arith.constant 0 : index
        %swap3A_99 = arith.constant 0 : index
        %swap3A_100 = vector.load %arg9[%swap3A_98, %swap3A_99] : memref<1x2048xf32, #tpu.memory_space<vmem>>, vector<1x2048xf32>
        %swap3A_101 = vector.shape_cast %swap3A_100 : vector<1x2048xf32> to vector<2048xf32>
        %swap3A_102 = vector.shape_cast %reduce_sum3A_32 : vector<2048xf32> to vector<1x2048xf32>
        tpu.vector_store %arg9[%swap3A_98, %swap3A_99], %swap3A_102 {strides = array<i32>} : memref<1x2048xf32, #tpu.memory_space<vmem>>, vector<1x2048xf32>,
      } else {
      }
      %gt3A = arith.constant 0 : i32
      %gt3A_37 = arith.cmpi sgt, %arg0, %gt3A : i32
      %convert_element_type3A_38 = arith.extui %gt3A_37 : i1 to i32
      %cond3A_39 = arith.constant 0 : i32
      %cond3A_40 = arith.cmpi ne, %convert_element_type3A_38, %cond3A_39 : i32
      scf.if %cond3A_40 {
        %get3A_98 = arith.constant 0 : index
        %get3A_99 = arith.constant 0 : index
        %get3A_100 = vector.load %arg9[%get3A_98, %get3A_99] : memref<1x2048xf32, #tpu.memory_space<vmem>>, vector<1x2048xf32>
        %get3A_101 = vector.shape_cast %get3A_100 : vector<1x2048xf32> to vector<2048xf32>
        %add3A_102 = arith.addf %get3A_101, %reduce_sum3A_32 : vector<2048xf32>
        %swap3A_103 = arith.constant 0 : index
        %swap3A_104 = arith.constant 0 : index
        %swap3A_105 = vector.load %arg9[%swap3A_103, %swap3A_104] : memref<1x2048xf32, #tpu.memory_space<vmem>>, vector<1x2048xf32>
        %swap3A_106 = vector.shape_cast %swap3A_105 : vector<1x2048xf32> to vector<2048xf32>
        %swap3A_107 = vector.shape_cast %add3A_102 : vector<2048xf32> to vector<1x2048xf32>
        tpu.vector_store %arg9[%swap3A_103, %swap3A_104], %swap3A_107 {strides = array<i32>} : memref<1x2048xf32, #tpu.memory_space<vmem>>, vector<1x2048xf32>,
      } else {
      }
      %get3A_41 = arith.constant 0 : index
      %get3A_42 = arith.constant 0 : index
      %get3A_43 = vector.load %arg2[%get3A_41, %get3A_42] : memref<2048x128xf32, #tpu.memory_space<vmem>>, vector<2048x128xf32>
      %get3A_44 = arith.constant 0 : index
      %get3A_45 = arith.constant 0 : index
      %get3A_46 = vector.load %arg3[%get3A_44, %get3A_45] : memref<1x128xf32, #tpu.memory_space<vmem>>, vector<1x128xf32>
      %get3A_47 = vector.shape_cast %get3A_46 : vector<1x128xf32> to vector<128xf32>
      %mul3A_48 = arith.constant 512 : i32
      %mul3A_49 = arith.muli %arg0, %mul3A_48 : i32
      %get3A_50 = arith.index_cast %mul3A_49 : i32 to index
      %get3A_51 = arith.constant 0 : index
      %get3A_52 = vector.load %arg2[%get3A_50, %get3A_51] : memref<2048x128xf32, #tpu.memory_space<vmem>>, vector<512x128xf32>
      %mul3A_53 = arith.mulf %get3A_52, %get3A_52 : vector<512x128xf32>
      %broadcast_in_dim3A = vector.shape_cast %get3A_47 : vector<128xf32> to vector<1x128xf32>
      %mul3A_54 = vector.broadcast %broadcast_in_dim3A : vector<1x128xf32> to vector<512x128xf32>
      %mul3A_55 = arith.mulf %mul3A_53, %mul3A_54 : vector<512x128xf32>
      %reduce_sum3A_56 = arith.constant dense<0.000000e+00> : vector<512xf32>
      %reduce_sum3A_57 = vector.multi_reduction <add>, %mul3A_55, %reduce_sum3A_56 [1] : vector<512x128xf32> to vector<512xf32>
      %mul3A_58 = arith.mulf %get3A_43, %get3A_43 : vector<2048x128xf32>
      %broadcast_in_dim3A_59 = vector.shape_cast %get3A_47 : vector<128xf32> to vector<1x128xf32>
      %mul3A_60 = vector.broadcast %broadcast_in_dim3A_59 : vector<1x128xf32> to vector<2048x128xf32>
      %mul3A_61 = arith.mulf %mul3A_58, %mul3A_60 : vector<2048x128xf32>
      %reduce_sum3A_62 = arith.constant dense<0.000000e+00> : vector<2048xf32>
      %reduce_sum3A_63 = vector.multi_reduction <add>, %mul3A_61, %reduce_sum3A_62 [1] : vector<2048x128xf32> to vector<2048xf32>
      %broadcast_in_dim3A_64 = vector.shape_cast %get3A_47 : vector<128xf32> to vector<1x128xf32>
      %mul3A_65 = vector.broadcast %broadcast_in_dim3A_64 : vector<1x128xf32> to vector<512x128xf32>
      %mul3A_66 = arith.mulf %get3A_52, %mul3A_65 : vector<512x128xf32>
      %dot_general3A = arith.constant dense<0.000000e+00> : vector<512x2048xf32>
      %dot_general3A_67 = tpu.matmul %mul3A_66, %get3A_43, %dot_general3A {dimension_numbers = #tpu.dot_dimension_numbers<[1], [1], [0], [0], [0, 0, 1, 0], [], []>, transpose_lhs_hint = false} : vector<512x128xf32>, vector<2048x128xf32>, vector<512x2048xf32> -> vector<512x2048xf32>
      %broadcast_in_dim3A_68 = vector.shape_cast %reduce_sum3A_57 : vector<512xf32> to vector<512x1xf32>
      %broadcast_in_dim3A_69 = vector.shape_cast %reduce_sum3A_63 : vector<2048xf32> to vector<1x2048xf32>
      %add3A_70 = vector.broadcast %broadcast_in_dim3A_68 : vector<512x1xf32> to vector<512x2048xf32>
      %add3A_71 = vector.broadcast %broadcast_in_dim3A_69 : vector<1x2048xf32> to vector<512x2048xf32>
      %add3A_72 = arith.addf %add3A_70, %add3A_71 : vector<512x2048xf32>
      %mul3A_73 = arith.constant 2.000000e+00 : f32
      %mul3A_74 = vector.broadcast %mul3A_73 : f32 to vector<512x2048xf32>
      %mul3A_75 = arith.mulf %mul3A_74, %dot_general3A_67 : vector<512x2048xf32>
      %sub3A = arith.subf %add3A_72, %mul3A_75 : vector<512x2048xf32>
      %mul3A_76 = arith.constant 512 : i32
      %mul3A_77 = arith.muli %arg0, %mul3A_76 : i32
      %swap3A_78 = arith.index_cast %mul3A_77 : i32 to index
      %swap3A_79 = arith.constant 0 : index
      %swap3A_80 = vector.load %arg7[%swap3A_78, %swap3A_79] : memref<2048x2048xf32, #tpu.memory_space<vmem>>, vector<512x2048xf32>
      tpu.vector_store %arg7[%swap3A_78, %swap3A_79], %sub3A {strides = array<i32>} : memref<2048x2048xf32, #tpu.memory_space<vmem>>, vector<512x2048xf32>,
      %mul3A_81 = arith.constant 512 : i32
      %mul3A_82 = arith.muli %arg0, %mul3A_81 : i32
      %mul3A_83 = arith.constant 512 : i32
      %mul3A_84 = arith.muli %arg0, %mul3A_83 : i32
      %get3A_85 = arith.index_cast %mul3A_82 : i32 to index
      %get3A_86 = arith.index_cast %mul3A_84 : i32 to index
      %get3A_87 = vector.load %arg7[%get3A_85, %get3A_86] : memref<2048x2048xf32, #tpu.memory_space<vmem>>, vector<512x512xf32>
      %iota3A = tpu.iota {dimensions = array<i32: 0>} : vector<512x512xi32>
      %iota3A_88 = tpu.iota {dimensions = array<i32: 1>} : vector<512x512xi32>
      %eq3A_89 = arith.cmpi eq, %iota3A, %iota3A_88 : vector<512x512xi32>
      %jit3A = arith.constant 1.000000e+00 : f32
      %broadcast_in_dim3A_90 = vector.broadcast %jit3A : f32 to vector<512x512xf32>
      %select_n3A = arith.select %eq3A_89, %broadcast_in_dim3A_90, %get3A_87 : vector<512x512xi1>, vector<512x512xf32>
      %mul3A_91 = arith.constant 512 : i32
      %mul3A_92 = arith.muli %arg0, %mul3A_91 : i32
      %mul3A_93 = arith.constant 512 : i32
      %mul3A_94 = arith.muli %arg0, %mul3A_93 : i32
      %swap3A_95 = arith.index_cast %mul3A_92 : i32 to index
      %swap3A_96 = arith.index_cast %mul3A_94 : i32 to index
      %swap3A_97 = vector.load %arg7[%swap3A_95, %swap3A_96] : memref<2048x2048xf32, #tpu.memory_space<vmem>>, vector<512x512xf32>
      tpu.vector_store %arg7[%swap3A_95, %swap3A_96], %select_n3A {strides = array<i32>} : memref<2048x2048xf32, #tpu.memory_space<vmem>>, vector<512x512xf32>,
    } else {
    }
    %ge3A = arith.constant 4 : i32
    %ge3A_2 = arith.cmpi sge, %arg0, %ge3A : i32
    %lt3A_3 = arith.constant 8 : i32
    %lt3A_4 = arith.cmpi slt, %arg0, %lt3A_3 : i32
    %and3A = arith.andi %ge3A_2, %lt3A_4 : i1
    %convert_element_type3A_5 = arith.extui %and3A : i1 to i32
    %cond3A_6 = arith.constant 0 : i32
    %cond3A_7 = arith.cmpi ne, %convert_element_type3A_5, %cond3A_6 : i32
    scf.if %cond3A_7 {
      %sub3A = arith.constant 4 : i32
      %sub3A_21 = arith.subi %arg0, %sub3A : i32
      %get3A = arith.constant 0 : index
      %get3A_22 = arith.constant 0 : index
      %get3A_23 = vector.load %arg1[%get3A, %get3A_22] : memref<512x2048xf32, #tpu.memory_space<vmem>>, vector<512x2048xf32>
      %mul3A = arith.constant 512 : i32
      %mul3A_24 = arith.muli %sub3A_21, %mul3A : i32
      %get3A_25 = arith.constant 0 : index
      %get3A_26 = arith.index_cast %mul3A_24 : i32 to index
      %get3A_27 = vector.load %arg8[%get3A_25, %get3A_26] : memref<1x2048xf32, #tpu.memory_space<vmem>>, vector<1x512xf32>
      %get3A_28 = vector.shape_cast %get3A_27 : vector<1x512xf32> to vector<512xf32>
      %get3A_29 = arith.constant 0 : index
      %get3A_30 = arith.constant 0 : index
      %get3A_31 = vector.load %arg8[%get3A_29, %get3A_30] : memref<1x2048xf32, #tpu.memory_space<vmem>>, vector<1x2048xf32>
      %get3A_32 = vector.shape_cast %get3A_31 : vector<1x2048xf32> to vector<2048xf32>
      %broadcast_in_dim3A = vector.shape_cast %get3A_28 : vector<512xf32> to vector<512x1xf32>
      %mul3A_33 = arith.constant 512 : i32
      %mul3A_34 = arith.muli %sub3A_21, %mul3A_33 : i32
      %iota3A = tpu.iota {dimensions = array<i32: 0>} : vector<512x2048xi32>
      %add3A = vector.broadcast %mul3A_34 : i32 to vector<512x2048xi32>
      %add3A_35 = arith.addi %add3A, %iota3A : vector<512x2048xi32>
      %iota3A_36 = tpu.iota {dimensions = array<i32: 1>} : vector<512x2048xi32>
      %eq3A = arith.cmpi eq, %add3A_35, %iota3A_36 : vector<512x2048xi32>
      %jit3A = arith.constant 1.000000e+00 : f32
      %jit3A_37 = arith.constant 0.000000e+00 : f32
      %broadcast_in_dim3A_38 = vector.broadcast %jit3A : f32 to vector<512x2048xf32>
      %broadcast_in_dim3A_39 = vector.broadcast %jit3A_37 : f32 to vector<512x2048xf32>
      %select_n3A = arith.select %eq3A, %broadcast_in_dim3A_38, %broadcast_in_dim3A_39 : vector<512x2048xi1>, vector<512x2048xf32>
      %add3A_40 = arith.addf %get3A_23, %select_n3A : vector<512x2048xf32>
      %mul3A_41 = vector.broadcast %broadcast_in_dim3A : vector<512x1xf32> to vector<512x2048xf32>
      %mul3A_42 = arith.mulf %mul3A_41, %add3A_40 : vector<512x2048xf32>
      %broadcast_in_dim3A_43 = vector.shape_cast %get3A_32 : vector<2048xf32> to vector<1x2048xf32>
      %mul3A_44 = vector.broadcast %broadcast_in_dim3A_43 : vector<1x2048xf32> to vector<512x2048xf32>
      %mul3A_45 = arith.mulf %mul3A_42, %mul3A_44 : vector<512x2048xf32>
      %convert_element_type3A_46 = arith.truncf %mul3A_45 : vector<512x2048xf32> to vector<512x2048xbf16>
      %mul3A_47 = arith.constant 512 : i32
      %mul3A_48 = arith.muli %sub3A_21, %mul3A_47 : i32
      %swap3A = arith.index_cast %mul3A_48 : i32 to index
      %swap3A_49 = arith.constant 0 : index
      %swap3A_50 = vector.load %arg5[%swap3A, %swap3A_49] : memref<2048x2048xbf16, #tpu.memory_space<vmem>>, vector<512x2048xbf16>
      tpu.vector_store %arg5[%swap3A, %swap3A_49], %convert_element_type3A_46 {strides = array<i32>} : memref<2048x2048xbf16, #tpu.memory_space<vmem>>, vector<512x2048xbf16>,
    } else {
    }
    %ge3A_8 = arith.constant 8 : i32
    %ge3A_9 = arith.cmpi sge, %arg0, %ge3A_8 : i32
    %lt3A_10 = arith.constant 12 : i32
    %lt3A_11 = arith.cmpi slt, %arg0, %lt3A_10 : i32
    %and3A_12 = arith.andi %ge3A_9, %lt3A_11 : i1
    %convert_element_type3A_13 = arith.extui %and3A_12 : i1 to i32
    %cond3A_14 = arith.constant 0 : i32
    %cond3A_15 = arith.cmpi ne, %convert_element_type3A_13, %cond3A_14 : i32
    scf.if %cond3A_15 {
      %sub3A = arith.constant 8 : i32
      %sub3A_21 = arith.subi %arg0, %sub3A : i32
      %mul3A = arith.constant 512 : i32
      %mul3A_22 = arith.muli %sub3A_21, %mul3A : i32
      %get3A = arith.index_cast %mul3A_22 : i32 to index
      %get3A_23 = arith.constant 0 : index
      %get3A_24 = vector.load %arg5[%get3A, %get3A_23] : memref<2048x2048xbf16, #tpu.memory_space<vmem>>, vector<512x2048xbf16>
      %get3A_25 = arith.constant 0 : index
      %get3A_26 = arith.constant 0 : index
      %get3A_27 = vector.load %arg5[%get3A_25, %get3A_26] : memref<2048x2048xbf16, #tpu.memory_space<vmem>>, vector<2048x2048xbf16>
      %dot_general3A = arith.constant dense<0.000000e+00> : vector<512x2048xf32>
      %dot_general3A_28 = tpu.matmul %get3A_24, %get3A_27, %dot_general3A {dimension_numbers = #tpu.dot_dimension_numbers<[1], [0], [0], [1], [0, 0, 1, 1], [], []>, transpose_lhs_hint = false} : vector<512x2048xbf16>, vector<2048x2048xbf16>, vector<512x2048xf32> -> vector<512x2048xf32>
      %mul3A_29 = arith.constant 2.500000e-01 : f32
      %mul3A_30 = vector.broadcast %mul3A_29 : f32 to vector<512x2048xf32>
      %mul3A_31 = arith.mulf %mul3A_30, %dot_general3A_28 : vector<512x2048xf32>
      %convert_element_type3A_32 = arith.extf %get3A_24 : vector<512x2048xbf16> to vector<512x2048xf32>
      %mul3A_33 = arith.constant 2.500000e-01 : f32
      %mul3A_34 = vector.broadcast %mul3A_33 : f32 to vector<512x2048xf32>
      %mul3A_35 = arith.mulf %mul3A_34, %convert_element_type3A_32 : vector<512x2048xf32>
      %add3A = arith.addf %mul3A_31, %mul3A_35 : vector<512x2048xf32>
      %mul3A_36 = arith.constant 512 : i32
      %mul3A_37 = arith.muli %sub3A_21, %mul3A_36 : i32
      %iota3A = tpu.iota {dimensions = array<i32: 0>} : vector<512x2048xi32>
      %add3A_38 = vector.broadcast %mul3A_37 : i32 to vector<512x2048xi32>
      %add3A_39 = arith.addi %add3A_38, %iota3A : vector<512x2048xi32>
      %iota3A_40 = tpu.iota {dimensions = array<i32: 1>} : vector<512x2048xi32>
      %eq3A = arith.cmpi eq, %add3A_39, %iota3A_40 : vector<512x2048xi32>
      %jit3A = arith.constant 1.000000e+00 : f32
      %jit3A_41 = arith.constant 0.000000e+00 : f32
      %broadcast_in_dim3A = vector.broadcast %jit3A : f32 to vector<512x2048xf32>
      %broadcast_in_dim3A_42 = vector.broadcast %jit3A_41 : f32 to vector<512x2048xf32>
      %select_n3A = arith.select %eq3A, %broadcast_in_dim3A, %broadcast_in_dim3A_42 : vector<512x2048xi1>, vector<512x2048xf32>
      %mul3A_43 = arith.constant 5.000000e-01 : f32
      %mul3A_44 = vector.broadcast %mul3A_43 : f32 to vector<512x2048xf32>
      %mul3A_45 = arith.mulf %select_n3A, %mul3A_44 : vector<512x2048xf32>
      %add3A_46 = arith.addf %add3A, %mul3A_45 : vector<512x2048xf32>
      %mul3A_47 = arith.constant 512 : i32
      %mul3A_48 = arith.muli %sub3A_21, %mul3A_47 : i32
      %swap3A = arith.index_cast %mul3A_48 : i32 to index
      %swap3A_49 = arith.constant 0 : index
      %swap3A_50 = vector.load %arg6[%swap3A, %swap3A_49] : memref<2048x2048xf32, #tpu.memory_space<vmem>>, vector<512x2048xf32>
      tpu.vector_store %arg6[%swap3A, %swap3A_49], %add3A_46 {strides = array<i32>} : memref<2048x2048xf32, #tpu.memory_space<vmem>>, vector<512x2048xf32>,
    } else {
    }
    %ge3A_16 = arith.constant 12 : i32
    %ge3A_17 = arith.cmpi sge, %arg0, %ge3A_16 : i32
    %convert_element_type3A_18 = arith.extui %ge3A_17 : i1 to i32
    %cond3A_19 = arith.constant 0 : i32
    %cond3A_20 = arith.cmpi ne, %convert_element_type3A_18, %cond3A_19 : i32
    scf.if %cond3A_20 {
      %sub3A = arith.constant 12 : i32
      %sub3A_21 = arith.subi %arg0, %sub3A : i32
      %mul3A = arith.constant 512 : i32
      %mul3A_22 = arith.muli %sub3A_21, %mul3A : i32
      %get3A = arith.index_cast %mul3A_22 : i32 to index
      %get3A_23 = arith.constant 0 : index
      %get3A_24 = vector.load %arg6[%get3A, %get3A_23] : memref<2048x2048xf32, #tpu.memory_space<vmem>>, vector<512x2048xf32>
      %get3A_25 = arith.constant 0 : index
      %get3A_26 = arith.constant 0 : index
      %get3A_27 = vector.load %arg7[%get3A_25, %get3A_26] : memref<2048x2048xf32, #tpu.memory_space<vmem>>, vector<2048x2048xf32>
      %dot_general3A = arith.constant dense<0.000000e+00> : vector<512x2048xf32>
      %dot_general3A_28 = tpu.matmul %get3A_24, %get3A_27, %dot_general3A {dimension_numbers = #tpu.dot_dimension_numbers<[1], [0], [0], [1], [0, 0, 1, 1], [], []>, transpose_lhs_hint = false} : vector<512x2048xf32>, vector<2048x2048xf32>, vector<512x2048xf32> -> vector<512x2048xf32>
      %get3A_29 = arith.constant 0 : index
      %get3A_30 = arith.constant 0 : index
      %get3A_31 = vector.load %arg6[%get3A_29, %get3A_30] : memref<2048x2048xf32, #tpu.memory_space<vmem>>, vector<2048x2048xf32>
      %dot_general3A_32 = arith.constant dense<0.000000e+00> : vector<512x2048xf32>
      %dot_general3A_33 = tpu.matmul %dot_general3A_28, %get3A_31, %dot_general3A_32 {dimension_numbers = #tpu.dot_dimension_numbers<[1], [1], [0], [0], [0, 0, 1, 0], [], []>, transpose_lhs_hint = false} : vector<512x2048xf32>, vector<2048x2048xf32>, vector<512x2048xf32> -> vector<512x2048xf32>
      %swap3A = arith.constant 0 : index
      %swap3A_34 = arith.constant 0 : index
      %swap3A_35 = vector.load %arg4[%swap3A, %swap3A_34] : memref<512x2048xf32, #tpu.memory_space<vmem>>, vector<512x2048xf32>
      tpu.vector_store %arg4[%swap3A, %swap3A_34], %dot_general3A_33 {strides = array<i32>} : memref<512x2048xf32, #tpu.memory_space<vmem>>, vector<512x2048xf32>,
      %mul3A_36 = arith.constant 512 : i32
      %mul3A_37 = arith.muli %sub3A_21, %mul3A_36 : i32
      %get3A_38 = arith.constant 0 : index
      %get3A_39 = arith.index_cast %mul3A_37 : i32 to index
      %get3A_40 = vector.load %arg9[%get3A_38, %get3A_39] : memref<1x2048xf32, #tpu.memory_space<vmem>>, vector<1x512xf32>
      %get3A_41 = vector.shape_cast %get3A_40 : vector<1x512xf32> to vector<512xf32>
      %add3A = arith.constant 1.000000e+00 : f32
      %add3A_42 = vector.broadcast %add3A : f32 to vector<512xf32>
      %add3A_43 = arith.addf %get3A_41, %add3A_42 : vector<512xf32>
      %div3A = arith.constant 1.000000e+00 : f32
      %div3A_44 = vector.broadcast %div3A : f32 to vector<512xf32>
      %div3A_45 = arith.divf %div3A_44, %add3A_43 : vector<512xf32>
      %broadcast_in_dim3A = vector.shape_cast %div3A_45 : vector<512xf32> to vector<1x512xf32>
      %mul3A_46 = arith.constant 512 : i32
      %mul3A_47 = arith.muli %sub3A_21, %mul3A_46 : i32
      %get3A_48 = arith.constant 0 : index
      %get3A_49 = arith.index_cast %mul3A_47 : i32 to index
      %get3A_50 = vector.load %arg4[%get3A_48, %get3A_49] : memref<512x2048xf32, #tpu.memory_space<vmem>>, vector<512x512xf32>
      %iota3A = tpu.iota {dimensions = array<i32: 0>} : vector<512x512xi32>
      %iota3A_51 = tpu.iota {dimensions = array<i32: 1>} : vector<512x512xi32>
      %eq3A = arith.cmpi eq, %iota3A, %iota3A_51 : vector<512x512xi32>
      %mul3A_52 = vector.broadcast %broadcast_in_dim3A : vector<1x512xf32> to vector<512x512xf32>
      %mul3A_53 = arith.mulf %get3A_50, %mul3A_52 : vector<512x512xf32>
      %select_n3A = arith.select %eq3A, %mul3A_53, %get3A_50 : vector<512x512xi1>, vector<512x512xf32>
      %mul3A_54 = arith.constant 512 : i32
      %mul3A_55 = arith.muli %sub3A_21, %mul3A_54 : i32
      %swap3A_56 = arith.constant 0 : index
      %swap3A_57 = arith.index_cast %mul3A_55 : i32 to index
      %swap3A_58 = vector.load %arg4[%swap3A_56, %swap3A_57] : memref<512x2048xf32, #tpu.memory_space<vmem>>, vector<512x512xf32>
      tpu.vector_store %arg4[%swap3A_56, %swap3A_57], %select_n3A {strides = array<i32>} : memref<512x2048xf32, #tpu.memory_space<vmem>>, vector<512x512xf32>,
    } else {
    }
    return
  }
  func.func @transform_0(%arg0: i32) -> (i32, i32) {
    %lt3A = arith.constant 8 : i32
    %lt3A_0 = arith.cmpi slt, %arg0, %lt3A : i32
    %rem3A = arith.constant 4 : i32
    %rem3A_1 = arith.remsi %arg0, %rem3A : i32
    %jit3A = arith.constant 3 : i32
    %select_n3A = arith.select %lt3A_0, %rem3A_1, %jit3A : i32
    %c0_i32 = arith.constant 0 : i32
    %c0_i32_2 = arith.constant 0 : i32
    return %select_n3A, %c0_i32 : i32, i32
  }
  func.func @transform_1(%arg0: i32) -> (i32, i32) {
    %c0_i32 = arith.constant 0 : i32
    %c0_i32_0 = arith.constant 0 : i32
    %c0_i32_1 = arith.constant 0 : i32
    return %c0_i32, %c0_i32_0 : i32, i32
  }
  func.func @transform_2(%arg0: i32) -> (i32, i32) {
    %c0_i32 = arith.constant 0 : i32
    %c0_i32_0 = arith.constant 0 : i32
    %c0_i32_1 = arith.constant 0 : i32
    return %c0_i32, %c0_i32_0 : i32, i32
  }
  func.func @transform_3(%arg0: i32) -> (i32, i32) {
    %sub3A = arith.constant 12 : i32
    %sub3A_0 = arith.subi %arg0, %sub3A : i32
    %max3A = arith.constant 0 : i32
    %max3A_1 = arith.maxsi %sub3A_0, %max3A : i32
    %c0_i32 = arith.constant 0 : i32
    %c0_i32_2 = arith.constant 0 : i32
    return %max3A_1, %c0_i32 : i32, i32
  }
}

</mosaic_0001>

<sc_bundles>
// kernel: kernel.4.cloned.1.call-start
scs
__scs_entry_jumppad:
0x0: {  	(pc) =	sbr.rel $0x88, $3  }
0x1: {  	(tag) =	ssettag $0x0;
	lr =	simm.s32 $0x1  }
0x2: {  	[smem:$0x3F9E] =	sst lr;
	_ =	strace $0xD0000000  }
0x3: {  	_ = 	snop  }
0x4: {  	_ = 	snop  }
0x5: {  	_ = 	snop  }
0x6: {  	_ = 	snop  }
0x7: {  	_ = 	snop  }
__scs_overlays_trampoline_lowered:
0x8: {  	[smem:$0x3FAD] =	sst s0  }
0x9: {  	[smem:$0x3FAE] =	sst s1  }
0xa: {  	[smem:$0x3FAF] =	sst s2  }
0xb: {  	[smem:$0x3FB0] =	sst s3  }
0xc: {  	[smem:$0x3FB1] =	sst s4  }
0xd: {  	[smem:$0x3FB2] =	sst s5  }
0xe: {  	[smem:$0x3FB3] =	sst s6  }
0xf: {  	[smem:$0x3FB4] =	sst s7  }
0x10: {  	[smem:$0x3FB5] =	sst s8  }
0x11: {  	[smem:$0x3FB6] =	sst s9;
	s0 =	simm.s32 @!p0 $0x0  }
0x12: {  	s1 =	sld [smem:$0x3F9C];
	s0 =	simm.s32 @p0 $0x1  }
0x13: {  	[smem:$0x3FB7] =	sst s0;
	s0 =	simm.s32 @!p1 $0x0  }
0x14: {  	s2 =	sld [smem:$0x3F9B];
	s0 =	simm.s32 @p1 $0x1  }
0x15: {  	[smem:$0x3FB8] =	sst s0;
	s0 =	simm.s32 @!p2 $0x0  }
0x16: {  	s3 =	sld [smem:$0x3FDB];
	s0 =	simm.s32 @p2 $0x1  }
0x17: {  	s4 =	simm.s32 $0x1BF5;
	[smem:$0x3FBA] =	sst s0  }
0x18: {  	s0 =	sld [smem:$0x3F9D];
	_ =	swait.ge [sflag:s4], $0x0  }
0x19: {  	s7 =	sld [smem:$0x3F9E]  }
0x1a: {  	s8 =	sadd.s32 $0xFFFFE003, lr  }
0x1b: {  	s9 =	sadd.s32 $0xFFFFFEF7, lr;
	s5 =	simm.s32 $0xFFFFFFFF;
	p2 =	slt.u32 s8, $0xFFFFF086  }
0x1c: {  	p1 =	slt.u32 s9, $0xF7A;
	s5 =	simm.s32 @!p2 $0x0  }
0x1d: {  	s5 =	simm.s32 @p1 $0x1;
	p0 =	seq.s32 s7, s2  }
0x1e: {  	s7 =	smul.u32 @!p0 $0xF7A, s2;
	p2 =	seq.s32 @!p0 s5, $0x0  }
0x1f: {  	s9 =	smul.u32 $0xF7A, s1;
	s8 =	simm.s32 @!p0 $0x1BF5;
	p2 =	por !p2, p0  }
0x20: {  	[sflag:s8] =	ssyncset.s32 @!p0 $0xFFFFF086;
	s6 =	sadd.s32 @!p0 s3, s7;
	s7 =	simm.s32 @!p0 $0x108  }
0x21: {  	s3 =	sadd.s32 s3, s9;
	s6 =	sadd.s32 @!p0 $0x88, s6;
	s7 =	simm.s32 @p2 $0x1082  }
0x22: {  	[simem:s7], [sflag:s8] =	dma.local @!p0 [hbm:s6], $0xF7A  }
0x23: {  	s9 =	sor.u32 $0xD0000000, s2;
	s6 =	simm.s32 $0x108;
	_ =	swait.ge @!p0 [sflag:s8], $0x0  }
0x24: {  	s3 =	sadd.s32 $0x88, s3;
	s6 =	simm.s32 @!p1 $0x1082;
	[sflag:s4] =	ssyncset.s32 $0xFFFFF086  }
0x25: {  	[simem:s6], [sflag:s4] =	dma.local [hbm:s3], $0xF7A  }
0x26: {  	[smem:$0x3F9E] =	sst s1;
	(tag) =	ssettag s2;
	_ =	strace s9  }
0x27: {  	s1 =	sld [smem:$0x3FAE]  }
0x28: {  	s2 =	sld [smem:$0x3FAF]  }
0x29: {  	s4 =	sld [smem:$0x3FB1]  }
0x2a: {  	p0 =	seq.s32 s5, $0x0;
	s5 =	sld [smem:$0x3FB2]  }
0x2b: {  	s6 =	sld [smem:$0x3FB3]  }
0x2c: {  	s7 =	sld [smem:$0x3FB4]  }
0x2d: {  	s3 =	simm.s32 $0x108;
	s8 =	sld [smem:$0x3FB5]  }
0x2e: {  	s3 =	simm.s32 @!p0 $0x1082;
	s9 =	sld [smem:$0x3FB6]  }
0x2f: {  	lr =	sadd.s32 s0, s3;
	s0 =	sld [smem:$0x3FAD]  }
0x30: {  	s3 =	sld [smem:$0x3FB0]  }
0x31: {  	[smem:$0x3FB9] =	sst s10  }
0x32: {  	s10 =	sld [smem:$0x3FB7];
	_ =	sdelay $0x3  }
0x33: {  	p0 =	seq.s32 s10, $0x1;
	s10 =	sld [smem:$0x3FB9];
	_ =	sdelay $0x3  }
0x34: {  	[smem:$0x3FB9] =	sst s10  }
0x35: {  	s10 =	sld [smem:$0x3FB8];
	_ =	sdelay $0x3  }
0x36: {  	p1 =	seq.s32 s10, $0x1;
	s10 =	sld [smem:$0x3FB9];
	_ =	sdelay $0x3  }
0x37: {  	[smem:$0x3FB9] =	sst s10  }
0x38: {  	s10 =	sld [smem:$0x3FBA]  }
0x39: {  	_ = 	snop;
	(pc) =	sbr.ind lr, $3  }
0x3a: {  	_ = 	snop  }
0x3b: {  	_ = 	snop  }
0x3c: {  	p2 =	seq.s32 s10, $0x1;
	s10 =	sld [smem:$0x3FB9]  }
0x3d: {  	_ =	shalt  }
0x3e: {  	_ =	shalt  }
0x3f: {  	_ =	shalt  }
0x40: {  	_ =	shalt  }
0x41: {  	_ =	shalt  }
0x42: {  	_ =	shalt  }
0x43: {  	_ =	shalt  }
0x44: {  	_ =	shalt  }
0x45: {  	_ =	shalt  }
0x46: {  	_ =	shalt  }
0x47: {  	_ =	shalt  }
0x48: {  	_ =	shalt  }
0x49: {  	_ =	shalt  }
0x4a: {  	_ =	shalt  }
0x4b: {  	_ =	shalt  }
0x4c: {  	_ =	shalt  }
0x4d: {  	_ =	shalt  }
0x4e: {  	_ =	shalt  }
0x4f: {  	_ =	shalt  }
0x50: {  	_ =	shalt  }
0x51: {  	_ =	shalt  }
0x52: {  	_ =	shalt  }
0x53: {  	_ =	shalt  }
0x54: {  	_ =	shalt  }
0x55: {  	_ =	shalt  }
0x56: {  	_ =	shalt  }
0x57: {  	_ =	shalt  }
0x58: {  	_ =	shalt  }
0x59: {  	_ =	shalt  }
0x5a: {  	_ =	shalt  }
0x5b: {  	_ =	shalt  }
0x5c: {  	_ =	shalt  }
0x5d: {  	_ =	shalt  }
0x5e: {  	_ =	shalt  }
0x5f: {  	_ =	shalt  }
0x60: {  	_ =	shalt  }
0x61: {  	_ =	shalt  }
0x62: {  	_ =	shalt  }
0x63: {  	_ =	shalt  }
0x64: {  	_ =	shalt  }
0x65: {  	_ =	shalt  }
0x66: {  	_ =	shalt  }
0x67: {  	_ =	shalt  }
0x68: {  	_ =	shalt  }
0x69: {  	_ =	shalt  }
0x6a: {  	_ =	shalt  }
0x6b: {  	_ =	shalt  }
0x6c: {  	_ =	shalt  }
0x6d: {  	_ =	shalt  }
0x6e: {  	_ =	shalt  }
0x6f: {  	_ =	shalt  }
0x70: {  	_ =	shalt  }
0x71: {  	_ =	shalt  }
0x72: {  	_ =	shalt  }
0x73: {  	_ =	shalt  }
0x74: {  	_ =	shalt  }
0x75: {  	_ =	shalt  }
0x76: {  	_ =	shalt  }
0x77: {  	_ =	shalt  }
0x78: {  	_ =	shalt  }
0x79: {  	_ =	shalt  }
0x7a: {  	_ =	shalt  }
0x7b: {  	_ =	shalt  }
0x7c: {  	_ =	shalt  }
0x7d: {  	_ =	shalt  }
0x7e: {  	_ =	shalt  }
0x7f: {  	_ =	shalt  }
0x80: {  	_ =	shalt  }
0x81: {  	_ =	shalt  }
0x82: {  	_ =	shalt  }
0x83: {  	_ =	shalt  }
0x84: {  	_ =	shalt  }
0x85: {  	_ =	shalt  }
0x86: {  	_ =	shalt  }
0x87: {  	_ =	shalt  }
.Lfunc_end0:
.L_simem_size_0:
called_computation_lowered:
.L_overlay_start_0:
0x88: {  	s2 =	sld [smem:$0x3FD9]  }
0x89: {  	s3 =	sld [smem:$0x3FFE];
	_ =	sdelay $0x1  }
0x8a: {  	s1 =	srdreg.scid  }
0x8b: {  	s0 =	sand.u32 $0x1, s1  }
0x8c: {  	s17 =	sshll.u32 s0, $0xA;
	s2 =	sadd.s32 s3, s2  }
0x8d: {  	s2 =	sadd.s32 s2, s17  }
0x8e: {  	[smem:$0x3FC5] =	sst s2  }
0x8f: {  	_ = 	snop  }
0x90: {  	s2 =	sld [smem:$0x3FD0];
	(tm) =	ssettm $0x1  }
0x91: {  	s18 =	sld [smem:$0x3FFB];
	_ =	sdelay $0x3  }
0x92: {  	_ =	strace s18  }
0x93: {  	s3 =	sld [smem:$0x3FFC];
	_ =	sdelay $0x3  }
0x94: {  	_ =	strace s3  }
0x95: {  	s3 =	sld [smem:$0x3FFD];
	_ =	sdelay $0x3  }
0x96: {  	_ =	strace s3  }
0x97: {  	_ =	strace $0x8FFFFFFF  }
0x98: {  	s19 =	sld [smem:$0x3FDB];
	_ =	sdelay $0x1  }
0x99: {  	s4 =	simm.s32 $_scs_section_size  }
0x9a: {  	s5 =	simm.s32 $_size__tile_overlayer_lowered;
	s6 =	simm.s32 $_tile_overlayer_lowered  }
0x9b: {  	s22 =	simm.s32 $0x1BFF;
	s21 =	sshll.u32 s6, $0x1;
	s3 =	sadd.s32 s4, s19  }
0x9c: {  	s7 =	simm.s32 $0x0;
	s20 =	sshll.u32 s5, $0x1;
	s5 =	sadd.s32 s21, s3  }
0x9d: {  	[timem:s7], [sflag:s22] =	dma.local [hbm:s5], s20  }
0x9e: {  	_ =	swait.ge [sflag:s22], s20  }
0x9f: {  	s4 =	ssub.s32 $0x0, s20;
	[sflag:s22] =	ssyncset.done $0x0  }
0xa0: {  	[sflag:s22] =	ssyncadd.s32 s4;
	_ =	sdelay $0x1  }
0xa1: {  	s23 =	simm.s32 $0x1B8B  }
0xa2: {  	_ =	swait.ge [sflag:s23], $0x1  }
0xa3: {  	[sflag:s23] =	ssyncset.done $0x0  }
0xa4: {  	s25 =	simm.s32 $0x1B8E;
	s24 =	sld [smem:$0x3FFE];
	[sflag:s23] =	ssyncadd.s32 $0xFFFFFFFF  }
0xa5: {  	s26 =	simm.s32 $execute0_lowered;
	[smem:$0x3FD2] =	sst s25  }
0xa6: {  	s5 =	sshll.u32 s26, $0x1;
	_ =	strace $0x80000046;
	[dreg:$0x1] =	wrdreg $0xFFFFFFFF  }
0xa7: {  	s28 =	simm.s32 $_size_execute0_lowered;
	s3 =	sadd.s32 s3, s5;
	[dreg:$0x0] =	wrdreg $0x0  }
0xa8: {  	s5 =	sshll.u32 s28, $0x1;
	[dreg:$0x2] =	wrdreg s3  }
0xa9: {  	[dreg:$0x3] =	wrdreg s5  }
0xaa: {  	[dreg:$0x4] =	wrdreg $0xC0  }
0xab: {  	_ =	task [dreg:s7], $0x5FFFF  }
0xac: {  	[dreg:$0x1] =	wrdreg $0xFFFFFFFF  }
0xad: {  	[dreg:$0x0] =	wrdreg $0x60  }
0xae: {  	[dreg:$0x2] =	wrdreg s24  }
0xaf: {  	[dreg:$0x3] =	wrdreg s2  }
0xb0: {  	[dreg:$0x4] =	wrdreg $0x0  }
0xb1: {  	[dreg:$0x5] =	wrdreg $0x9  }
0xb2: {  	_ =	task.clear_ibuf [dreg:s7], $0x6FFFF;
	_ =	strace $0x90000046  }
0xb3: {  	s29 =	simm.s32 $0x9;
	_ =	strace $0x80000048  }
0xb4: {  	_ =	swait.ge [sflag:s29], $0x1  }
0xb5: {  	[sflag:s29] =	ssyncadd.s32 $0xFFFFFFFF  }
0xb6: {  	_ =	strace $0x90000048  }
0xb7: {  	_ =	sfence  }
0xb8: {  	s30 =	sld [smem:$0x0];
	_ =	sdelay $0x2  }
0xb9: {  	s31 =	sshll.u32 s1, $0xD;
	s1 =	sshrl.u32 s1, $0x2  }
0xba: {  	s3 =	sand.u32 $0x4000, s31;
	s1 =	sadd.s32 s1, s30  }
0xbb: {  	s0 =	sor.u32 s3, s0;
	s1 =	sshll.u32 s1, $0x11  }
0xbc: {  	s0 =	sor.u32 s1, s0  }
0xbd: {  	s0 =	sadd.s32 $0x8F2B, s0  }
0xbe: {  	[sflag:s0] =	ssyncadd.remote.s32 $0x1  }
0xbf: {  	_ =	sfence.sel $0xFFFF  }
0xc0: {  	[dreg:$0x0] =	wrdreg $0xFFFFFFFF;
	(pc) =	sbr.abs _section_cstart, $3  }
0xc1: {  	[dreg:$0x1] =	wrdreg $0xFFFFFFFF  }
0xc2: {  	_ =	task.clear_ibuf [dreg:s7], $0x2FFFF;
	_ =	strace $0x9FFFFFFF  }
0xc3: {  	(tm) =	ssettm $0x7FFFFFFF  }
tec
execute0_lowered:
.L_overlay_start_1:
0x0: {  	(tag) =	ssettag $0x1  }
0x1: {  	s0 =	rddreg [dreg:$0x0]  }
0x2: {  	s2 =	rddreg [dreg:$0x1]  }
0x3: {  	s1 =	rddreg [dreg:$0x2]  }
0x4: {  	s4 =	simm.s32 $0x0;
	s3 =	srdreg.scid;
	s23 =	stileid.u32  }
0x5: {  	s26 =	simm.s32 $0x2;
	s29 =	simm.s32 $0x12880;
	s30 =	simm.s32 $0x1  }
0x6: {  	s28 =	simm.s32 $0x0;
	s8 =	simm.s32 $0x80;
	[smem:$0x7FF] =	sst s4  }
0x7: {  	s3 =	sand.u32 $0x1, s3;
	s18 =	sshll.u32 s23, $0x8;
	s6 =	sshll.u32 s23, $0x10  }
0x8: {  	_ =	strace $0x80000047;
	s5 =	ssub.s32 $0x2, s3;
	s0 =	sadd.s32 s18, s0  }
0x9: {  	s21 =	sshll.u32 s3, $0xA;
	s3 =	sshll.u32 s3, $0x15;
	s19 =	sshrl.u32 s5, $0x1  }
0xa: {  	s20 =	sadd.s32 $0x1600, s0;
	s0 =	sadd.s32 $0x600, s0;
	s25 =	sor.u32 $0x200, s21  }
0xb: {  	s3 =	sor.u32 s6, s3;
	s4 =	ssub.s32 s5, s19;
	[dreg:$0x4] =	wrdreg s20  }
0xc: {  	s5 =	sadd.s32 s6, s1;
	[dreg:$0x5] =	wrdreg s0;
	s18 =	sshll.u32 s25, $0xB  }
0xd: {  	s3 =	sshrl.u32 s3, $0x3;
	s7 =	sadd.s32 $0x1000, s5;
	s24 =	sadd.s32 $0x2000, s5  }
0xe: {  	s9 =	sadd.s32 $0x3000, s5;
	s10 =	sadd.s32 $0x4000, s5;
	s11 =	sadd.s32 $0x5000, s5  }
0xf: {  	s12 =	sadd.s32 $0x6000, s5;
	s13 =	sadd.s32 $0x7000, s5;
	s14 =	sadd.s32 $0x8000, s5  }
0x10: {  	s15 =	sadd.s32 $0x9000, s5;
	s16 =	sadd.s32 $0xA000, s5;
	s17 =	sadd.s32 $0xB000, s5  }
.Ltmp0:
0x11: {  	s6 =	sor.u32 s6, s18;
	[dreg:$0x6] =	wrdreg s7;
	(pc) =	sbr.rel .LBB2_1-.Ltmp0, $4  }
0x12: {  	s18 =	sadd.s32 $0xC000, s5;
	s3 =	sadd.s32 s2, s3;
	[dreg:$0xa] =	wrdreg s24  }
0x13: {  	s31 =	smax.u32 s4, $0x1;
	s6 =	sshrl.u32 s6, $0x3;
	[dreg:$0x7] =	wrdreg s3  }
0x14: {  	v2 =	vimm.f32 $0.0e+00;
	v3 =	vimm.s32 $0x0;
	s19 =	sadd.s32 $0xD000, s5;
	[dreg:$0x9] =	wrdreg s31;
	s2 =	sadd.s32 s2, s6  }
0x15: {  	v4 =	vlaneseq.u32;
	v0 =	vmov s21;
	v1 =	vmov s25;
	s22 =	sadd.s32 $0xE000, s5;
	s24 =	sadd.s32 $0xF000, s5;
	[dreg:$0x8] =	wrdreg s2  }
.LBB2_79:
0x16: {  	_ =	swait.ge [sflag:s30], $0x80  }
0x17: {  	[sflag:s30] =	ssyncset.done $0x0  }
0x18: {  	[sflag:s30] =	ssyncadd.s32 $0xFFFFFF80  }
.LBB2_80:
0x19: {  	[bflag:$0x0] =	sbarrier.arrive $0xFFFF  }
0x1a: {  	s2 =	rddreg [dreg:$0x8]  }
0x1b: {  	[hbm:s2], [sflag:s0] =	dma.local [spmem:s25], $0x2000  }
0x1c: {  	_ =	swait.ge [sflag:s26], $0x2000  }
0x1d: {  	s28 =	sadd.s32 $0x1, s28;
	s31 =	rddreg [dreg:$0x9]  }
0x1e: {  	p0 =	sne.s32 s28, s31  }
.Ltmp1:
0x1f: {  	_ = 	snop;
	(pc) =	sbr.rel @!p0 .LBB2_81-.Ltmp1, $3  }
0x20: {  	_ =	sdelay $0x1  }
0x21: {  	[sflag:s26] =	ssyncset.done $0x0  }
0x22: {  	[sflag:s26] =	ssyncadd.s32 $0xFFFFE000  }
.LBB2_1:
0x23: {  	s0 =	simm.s32 $0x0;
	s2 =	rddreg [dreg:$0x4];
	s3 =	simm.s32 $0x10000  }
0x24: {  	[tilespmem:s3], [sflag:$0x2] =	stream.linear.gather [hbm4b:s2+s0], $0x800, $0x38;
	[tilespmem:$0x13880] =	vst v63  }
0x25: {  	_ =	swait.ge [sflag:s26], $0x800  }
0x26: {  	[sflag:s26] =	ssyncset.done $0x0  }
0x27: {  	s31 =	simm.s32 $0x10800;
	s25 =	rddreg [dreg:$0x5];
	[sflag:s26] =	ssyncadd.s32 $0xFFFFF800  }
0x28: {  	[tilespmem:s31], [sflag:$0x2] =	stream.linear.gather [hbm4b:s25+s0], $0x800, $0x38;
	[tilespmem:$0x13880] =	vst v63  }
0x29: {  	_ =	swait.ge [sflag:s26], $0x800  }
0x2a: {  	[sflag:s26] =	ssyncset.done $0x0  }
0x2b: {  	s2 =	simm.s32 $0x0;
	s0 =	simm.s32 $0x40;
	[sflag:s26] =	ssyncadd.s32 $0xFFFFF800  }
.LBB2_2:
0x2c: {  	p0 =	sne.s32 s0, $0x3FC0;
	[tilespmem:s2+$0x12880] =	vst v2;
	s2 =	smov.u32 s0;
	s0 =	sadd.s32 $0x40, s0  }
.Ltmp2:
0x2d: {  	(pc) =	sbr.rel @p0 .LBB2_2-.Ltmp2, $2  }
0x2e: {  	_ =	sdelay $0x2  }
0x2f: {  	s2 =	sshra.s32 s2, $0x2  }
0x30: {  	[tilespmem:s2+$0x12880] =	vst v2  }
0x31: {  	[spmem:s5] =	stream.linear.scatter [tilespmem:s29], [sflag:$0x1], $0x1000, $0x38;
	[tilespmem:$0x13880] =	vst v63  }
0x32: {  	s0 =	rddreg [dreg:$0x6]  }
0x33: {  	[spmem:s0] =	stream.linear.scatter [tilespmem:s29], [sflag:$0x1], $0x1000, $0x38;
	[tilespmem:$0x13880] =	vst v63  }
0x34: {  	s25 =	rddreg [dreg:$0xa]  }
0x35: {  	[spmem:s25] =	stream.linear.scatter [tilespmem:s29], [sflag:$0x1], $0x1000, $0x38;
	[tilespmem:$0x13880] =	vst v63  }
0x36: {  	_ = 	snop  }
0x37: {  	[spmem:s9] =	stream.linear.scatter [tilespmem:s29], [sflag:$0x1], $0x1000, $0x38;
	[tilespmem:$0x13880] =	vst v63  }
0x38: {  	_ = 	snop  }
0x39: {  	[spmem:s10] =	stream.linear.scatter [tilespmem:s29], [sflag:$0x1], $0x1000, $0x38;
	[tilespmem:$0x13880] =	vst v63  }
0x3a: {  	_ = 	snop  }
0x3b: {  	[spmem:s11] =	stream.linear.scatter [tilespmem:s29], [sflag:$0x1], $0x1000, $0x38;
	[tilespmem:$0x13880] =	vst v63  }
0x3c: {  	_ = 	snop  }
0x3d: {  	[spmem:s12] =	stream.linear.scatter [tilespmem:s29], [sflag:$0x1], $0x1000, $0x38;
	[tilespmem:$0x13880] =	vst v63  }
0x3e: {  	_ = 	snop  }
0x3f: {  	[spmem:s13] =	stream.linear.scatter [tilespmem:s29], [sflag:$0x1], $0x1000, $0x38;
	[tilespmem:$0x13880] =	vst v63  }
0x40: {  	_ = 	snop  }
0x41: {  	[spmem:s14] =	stream.linear.scatter [tilespmem:s29], [sflag:$0x1], $0x1000, $0x38;
	[tilespmem:$0x13880] =	vst v63  }
0x42: {  	_ = 	snop  }
0x43: {  	[spmem:s15] =	stream.linear.scatter [tilespmem:s29], [sflag:$0x1], $0x1000, $0x38;
	[tilespmem:$0x13880] =	vst v63  }
0x44: {  	_ = 	snop  }
0x45: {  	[spmem:s16] =	stream.linear.scatter [tilespmem:s29], [sflag:$0x1], $0x1000, $0x38;
	[tilespmem:$0x13880] =	vst v63  }
0x46: {  	_ = 	snop  }
0x47: {  	[spmem:s17] =	stream.linear.scatter [tilespmem:s29], [sflag:$0x1], $0x1000, $0x38;
	[tilespmem:$0x13880] =	vst v63  }
0x48: {  	_ = 	snop  }
0x49: {  	[spmem:s18] =	stream.linear.scatter [tilespmem:s29], [sflag:$0x1], $0x1000, $0x38;
	[tilespmem:$0x13880] =	vst v63  }
0x4a: {  	_ = 	snop  }
0x4b: {  	[spmem:s19] =	stream.linear.scatter [tilespmem:s29], [sflag:$0x1], $0x1000, $0x38;
	[tilespmem:$0x13880] =	vst v63  }
0x4c: {  	_ = 	snop  }
0x4d: {  	[spmem:s22] =	stream.linear.scatter [tilespmem:s29], [sflag:$0x1], $0x1000, $0x38;
	[tilespmem:$0x13880] =	vst v63  }
0x4e: {  	_ = 	snop  }
0x4f: {  	[spmem:s24] =	stream.linear.scatter [tilespmem:s29], [sflag:$0x1], $0x1000, $0x38;
	[tilespmem:$0x13880] =	vst v63  }
0x50: {  	_ =	swait.ge [sflag:s30], $0x1000  }
0x51: {  	[sflag:s30] =	ssyncset.done $0x0  }
0x52: {  	[sflag:s30] =	ssyncadd.s32 $0xFFFFF000  }
0x53: {  	_ =	swait.ge [sflag:s30], $0x1000  }
0x54: {  	[sflag:s30] =	ssyncset.done $0x0  }
0x55: {  	[sflag:s30] =	ssyncadd.s32 $0xFFFFF000  }
0x56: {  	_ =	swait.ge [sflag:s30], $0x1000  }
0x57: {  	[sflag:s30] =	ssyncset.done $0x0  }
0x58: {  	[sflag:s30] =	ssyncadd.s32 $0xFFFFF000  }
0x59: {  	_ =	swait.ge [sflag:s30], $0x1000  }
0x5a: {  	[sflag:s30] =	ssyncset.done $0x0  }
0x5b: {  	[sflag:s30] =	ssyncadd.s32 $0xFFFFF000  }
0x5c: {  	_ =	swait.ge [sflag:s30], $0x1000  }
0x5d: {  	[sflag:s30] =	ssyncset.done $0x0  }
0x5e: {  	[sflag:s30] =	ssyncadd.s32 $0xFFFFF000  }
0x5f: {  	_ =	swait.ge [sflag:s30], $0x1000  }
0x60: {  	[sflag:s30] =	ssyncset.done $0x0  }
0x61: {  	[sflag:s30] =	ssyncadd.s32 $0xFFFFF000  }
0x62: {  	_ =	swait.ge [sflag:s30], $0x1000  }
0x63: {  	[sflag:s30] =	ssyncset.done $0x0  }
0x64: {  	[sflag:s30] =	ssyncadd.s32 $0xFFFFF000  }
0x65: {  	_ =	swait.ge [sflag:s30], $0x1000  }
0x66: {  	[sflag:s30] =	ssyncset.done $0x0  }
0x67: {  	[sflag:s30] =	ssyncadd.s32 $0xFFFFF000  }
0x68: {  	_ =	swait.ge [sflag:s30], $0x1000  }
0x69: {  	[sflag:s30] =	ssyncset.done $0x0  }
0x6a: {  	[sflag:s30] =	ssyncadd.s32 $0xFFFFF000  }
0x6b: {  	_ =	swait.ge [sflag:s30], $0x1000  }
0x6c: {  	[sflag:s30] =	ssyncset.done $0x0  }
0x6d: {  	[sflag:s30] =	ssyncadd.s32 $0xFFFFF000  }
0x6e: {  	_ =	swait.ge [sflag:s30], $0x1000  }
0x6f: {  	[sflag:s30] =	ssyncset.done $0x0  }
0x70: {  	[sflag:s30] =	ssyncadd.s32 $0xFFFFF000  }
0x71: {  	_ =	swait.ge [sflag:s30], $0x1000  }
0x72: {  	[sflag:s30] =	ssyncset.done $0x0  }
0x73: {  	[sflag:s30] =	ssyncadd.s32 $0xFFFFF000  }
0x74: {  	_ =	swait.ge [sflag:s30], $0x1000  }
0x75: {  	[sflag:s30] =	ssyncset.done $0x0  }
0x76: {  	[sflag:s30] =	ssyncadd.s32 $0xFFFFF000  }
0x77: {  	_ =	swait.ge [sflag:s30], $0x1000  }
0x78: {  	[sflag:s30] =	ssyncset.done $0x0  }
0x79: {  	[sflag:s30] =	ssyncadd.s32 $0xFFFFF000  }
0x7a: {  	_ =	swait.ge [sflag:s30], $0x1000  }
0x7b: {  	[sflag:s30] =	ssyncset.done $0x0  }
0x7c: {  	[sflag:s30] =	ssyncadd.s32 $0xFFFFF000  }
0x7d: {  	_ =	swait.ge [sflag:s30], $0x1000  }
0x7e: {  	[sflag:s30] =	ssyncset.done $0x0  }
0x7f: {  	[sflag:s30] =	ssyncadd.s32 $0xFFFFF000  }
0x80: {  	s31 =	simm.s32 $0x0;
	[bflag:$0x0] =	sbarrier.arrive $0xFFFF  }
0x81: {  	v5 =	vld [tilespmem:s31+$0x10800];
	_ =	sdelay $0x4  }
0x82: {  	v5 =	vsub.s32 v5, v0  }
0x83: {  	vm0 =	vlt.u32 v5, $0x200  }
0x84: {  	v6 =	vsel vm0, $0x1, v3  }
0x85: {  	(xrf0) =	vadd.scan.msk.s32 $0xffff, v6  }
0x86: {  	v6 =	vld [tilespmem:s31+$0x10000];
	_ =	sdelay $0x3  }
0x87: {  	v5 =	vshll.u32 v5, $0xB  }
0x88: {  	v5 =	vadd.s32 v6, v5;
	v6, _, _ =	vpop (xrf0)  }
0x89: {  	s0 =	simm.s32 $0x0;
	(v2sf) =	vpush v6, $0xF  }
0x8a: {  	s4 =	simm.s32 $0x10;
	s2 =	simm.s32 $0x80;
	[tilespmem:s0+$0x12000] =	vst.msk vm0, v5  }
.LBB2_4:
0x8b: {  	p0 =	sne.s32 s2, $0x1FC0;
	v5 =	vld [tilespmem:s4+$0x10800];
	_ =	sdelay $0x4  }
0x8c: {  	v5 =	vsub.s32 v5, v0  }
0x8d: {  	vm0 =	vlt.u32 v5, $0x200;
	v5 =	vshll.u32 v5, $0xB  }
0x8e: {  	v6 =	vsel vm0, $0x1, v3  }
0x8f: {  	(xrf0) =	vadd.scan.msk.s32 $0xffff, v6  }
0x90: {  	v6 =	vld [tilespmem:s4+$0x10000];
	_ =	sdelay $0x2  }
.Ltmp3:
0x91: {  	(pc) =	sbr.rel @p0 .LBB2_4-.Ltmp3, $4  }
0x92: {  	s3 =	spop (v2sf)  }
0x93: {  	v5 =	vadd.s32 v6, v5;
	v6, _, _ =	vpop (xrf0);
	s0 =	sadd.s32 s0, s3  }
0x94: {  	[tilespmem:s0+$0x12000] =	vst.msk vm0, v5;
	(v2sf) =	vpush v6, $0xF  }
0x95: {  	s4 =	sshra.s32 s2, $0x2;
	s2 =	sadd.s32 $0x40, s2  }
0x96: {  	v5 =	vld [tilespmem:s4+$0x10800];
	_ =	sdelay $0x4  }
0x97: {  	v5 =	vsub.s32 v5, v0  }
0x98: {  	vm0 =	vlt.u32 v5, $0x200  }
0x99: {  	v6 =	vsel vm0, $0x1, v3  }
0x9a: {  	(xrf0) =	vadd.scan.msk.s32 $0xffff, v6;
	_ =	sdelay $0x5  }
0x9b: {  	v6, _, _ =	vpop (xrf0)  }
0x9c: {  	(v2sf) =	vpush v6, $0xF;
	_ =	sdelay $0xd  }
0x9d: {  	s2 =	spop (v2sf)  }
0x9e: {  	s6 =	sadd.s32 s0, s2;
	s21 =	spop (v2sf)  }
0x9f: {  	s3 =	sadd.s32 s6, s21  }
0xa0: {  	v6 =	vld [tilespmem:s4+$0x10000];
	s0 =	sadd.s32 $0x7F, s3  }
0xa1: {  	s25 =	sshra.s32 s0, $0x1F  }
0xa2: {  	s2 =	sshrl.u32 s25, $0x19  }
0xa3: {  	s2 =	sadd.s32 s2, s0  }
0xa4: {  	v5 =	vshll.u32 v5, $0xB;
	s31 =	sand.u32 $0xFFFFFF80, s2  }
0xa5: {  	v5 =	vadd.s32 v6, v5;
	s7 =	sadd.s32 $0x10, s3;
	p0 =	sge.s32 s3, s31  }
0xa6: {  	[tilespmem:s6+$0x12000] =	vst.msk vm0, v5;
	s6 =	sadd.s32 $0x20, s3;
	p1 =	sge.s32 s7, s31;
	v5 =	vimm.s32 @!p0 $0x0  }
0xa7: {  	s20 =	sadd.s32 $0x30, s3;
	[tilespmem:s3+$0x12000] =	vst @!p0 v5;
	v5 =	vimm.s32 @!p1 $0x0;
	p0 =	sge.s32 s6, s31  }
0xa8: {  	[tilespmem:s7+$0x12000] =	vst @!p1 v5;
	v5 =	vimm.s32 @!p0 $0x0;
	p1 =	sge.s32 s20, s31;
	s7 =	sadd.s32 $0x40, s3  }
0xa9: {  	[tilespmem:s6+$0x12000] =	vst @!p0 v5;
	v5 =	vimm.s32 @!p1 $0x0;
	p0 =	sge.s32 s7, s31;
	s6 =	sadd.s32 $0x50, s3  }
0xaa: {  	[tilespmem:s20+$0x12000] =	vst @!p1 v5;
	v5 =	vimm.s32 @!p0 $0x0;
	p1 =	sge.s32 s6, s31;
	s20 =	sadd.s32 $0x60, s3  }
0xab: {  	[tilespmem:s7+$0x12000] =	vst @!p0 v5;
	v5 =	vimm.s32 @!p1 $0x0;
	p0 =	sge.s32 s20, s31  }
0xac: {  	[tilespmem:s6+$0x12000] =	vst @!p1 v5;
	v5 =	vimm.s32 @!p0 $0x0  }
0xad: {  	[tilespmem:s20+$0x12000] =	vst @!p0 v5;
	p0 =	slt.s32 s0, $0x80  }
.Ltmp4:
0xae: {  	_ = 	snop;
	(pc) =	sbr.rel @p0 .LBB2_41-.Ltmp4, $4  }
0xaf: {  	s7 =	sadd.s32 $0x70, s3  }
0xb0: {  	p1 =	sge.s32 s7, s31  }
0xb1: {  	v5 =	vimm.s32 @!p1 $0x0  }
0xb2: {  	[tilespmem:s7+$0x12000] =	vst @!p1 v5;
	s7 =	simm.s32 $0x80  }
0xb3: {  	s2 =	sshra.s32 s2, $0x7  }
0xb4: {  	s2 =	sshll.u32 s2, $0x3  }
0xb5: {  	s4 =	smax.u32 s2, $0x1  }
0xb6: {  	p1 =	sne.s32 s4, $0x1  }
.Ltmp5:
0xb7: {  	_ = 	snop;
	(pc) =	sbr.rel @!p1 .LBB2_7-.Ltmp5, $3  }
0xb8: {  	_ =	sdelay $0x1  }
0xb9: {  	s25 =	simm.s32 $0x11000;
	s6 =	simm.s32 $0x12000;
	v5 =	vmov s3;
	s3 =	simm.s32 $0x0  }
0xba: {  	p0 =	por $0x0, $0x0;
	v6 =	vld [tilespmem:s6+$0x0];
	s2 =	simm.s32 $0x11800;
	s4 =	sadd.s32 $0xFFFFFFFF, s4  }
0xbb: {  	_ =	sdelay $0x1  }
0xbc: {  	v7 =	vor.u32 s3, v4;
	p1 =	sne.s32 s4, $0x1  }
.Ltmp6:
0xbd: {  	vm0 =	vlt.s32 v7, v5;
	(pc) =	sbr.rel @!p1 .LBB2_9-.Ltmp6, $4  }
0xbe: {  	[tilespmem:s25+$0x0] =	vst v6;
	v6 =	vsel vm0, $0x3F800000, v2  }
0xbf: {  	s20 =	simm.s32 $0x12010;
	[tilespmem:s2+$0x0] =	vst v6  }
0xc0: {  	s21 =	sadd.s32 $0xFFFFFFFF, s4;
	p0 =	por $0x1, $0x1;
	v6 =	vld [tilespmem:s20+$0x0]  }
0xc1: {  	s4 =	simm.s32 $0x0;
	s31 =	simm.s32 $0x11000;
	s6 =	simm.s32 $0x11800  }
.LBB2_10:
0xc2: {  	p1 =	sne.s32 s21, $0x1;
	s4 =	sadd.s32 $0x10, s4  }
0xc3: {  	v7 =	vor.u32 s4, v4  }
.Ltmp7:
0xc4: {  	s31 =	sadd.s32 $0x10, s31;
	vm0 =	vlt.s32 v7, v5;
	(pc) =	sbr.rel @p1 .LBB2_10-.Ltmp7, $4  }
0xc5: {  	s6 =	sadd.s32 $0x10, s6;
	[tilespmem:s31+$0x0] =	vst v6;
	v6 =	vsel vm0, $0x3F800000, v2  }
0xc6: {  	s20 =	sadd.s32 $0x10, s20;
	[tilespmem:s6+$0x0] =	vst v6  }
0xc7: {  	v6 =	vld [tilespmem:s20+$0x0]  }
0xc8: {  	s21 =	sadd.s32 $0xFFFFFFFF, s21  }
.LBB2_11:
0xc9: {  	s4 =	sadd.s32 @p0 $0x10, s4  }
0xca: {  	s3 =	smov.u32 @p0 s4  }
0xcb: {  	v7 =	vor.u32 s3, v4;
	s3 =	sadd.s32 @p0 $0x10, s31  }
0xcc: {  	s25 =	smov.u32 @p0 s3;
	s3 =	sadd.s32 @p0 $0x10, s6  }
0xcd: {  	s2 =	smov.u32 @p0 s3;
	p0 =	slt.u32 s0, $0x100  }
.Ltmp8:
0xce: {  	_ = 	snop;
	(pc) =	sbr.rel @p0 .LBB2_40-.Ltmp8, $4  }
0xcf: {  	vm0 =	vlt.s32 v7, v5  }
0xd0: {  	[tilespmem:s25+$0x0] =	vst v6;
	v5 =	vsel vm0, $0x3F800000, v2  }
0xd1: {  	s31 =	simm.s32 $0x11800;
	s25 =	simm.s32 $0x11000;
	[tilespmem:s2+$0x0] =	vst v5  }
0xd2: {  	[spmem:s1] =	stream.indirect.scatter.add.f32 [tilespmem:s31], [sflag:$0x1], $0x1, s25, s7, $0xb8;
	[tilespmem:$0x13880] =	vst v63  }
0xd3: {  	s2 =	simm.s32 $0x11080;
	s3 =	simm.s32 $0x11880;
	p3 =	slt.u32 s0, $0x180  }
0xd4: {  	[spmem:s1] =	stream.indirect.scatter.add.f32 [tilespmem:s3], [sflag:$0x1], $0x1, s2, s7, $0xb8;
	[tilespmem:$0x13880] =	vst v63  }
0xd5: {  	s2 =	simm.s32 @!p3 $0x80;
	p0 =	slt.u32 @!p3 s0, $0x200  }
0xd6: {  	s3 =	simm.s32 @!p3 $0x11100;
	s4 =	simm.s32 @!p3 $0x11900;
	p1 =	por p3, p0  }
0xd7: {  	[spmem:s1] =	stream.indirect.scatter.add.f32 @!p3 [tilespmem:s4], [sflag:$0x1], $0x1, s3, s2, $0xb8;
	[tilespmem:$0x13880] =	vst v63  }
0xd8: {  	s2 =	simm.s32 @!p1 $0x80;
	p0 =	slt.u32 @!p1 s0, $0x280  }
0xd9: {  	s3 =	simm.s32 @!p1 $0x11180;
	s4 =	simm.s32 @!p1 $0x11980;
	p0 =	por p1, p0  }
0xda: {  	[spmem:s1] =	stream.indirect.scatter.add.f32 @!p1 [tilespmem:s4], [sflag:$0x1], $0x1, s3, s2, $0xb8;
	[tilespmem:$0x13880] =	vst v63  }
0xdb: {  	s2 =	simm.s32 @!p0 $0x80;
	p2 =	slt.u32 @!p0 s0, $0x300  }
0xdc: {  	s3 =	simm.s32 @!p0 $0x11200;
	s4 =	simm.s32 @!p0 $0x11A00;
	p4 =	por p0, p2  }
0xdd: {  	[spmem:s1] =	stream.indirect.scatter.add.f32 @!p0 [tilespmem:s4], [sflag:$0x1], $0x1, s3, s2, $0xb8;
	[tilespmem:$0x13880] =	vst v63  }
0xde: {  	s2 =	simm.s32 @!p4 $0x80;
	p2 =	slt.u32 @!p4 s0, $0x380  }
0xdf: {  	s3 =	simm.s32 @!p4 $0x11280;
	s4 =	simm.s32 @!p4 $0x11A80;
	p6 =	por p4, p2  }
0xe0: {  	[spmem:s1] =	stream.indirect.scatter.add.f32 @!p4 [tilespmem:s4], [sflag:$0x1], $0x1, s3, s2, $0xb8;
	[tilespmem:$0x13880] =	vst v63  }
0xe1: {  	p2 =	slt.u32 @!p6 s0, $0x400  }
0xe2: {  	p5 =	por p6, p2  }
0xe3: {  	p2 =	slt.u32 @!p5 s0, $0x480  }
0xe4: {  	p2 =	por p5, p2  }
.Ltmp9:
0xe5: {  	_ = 	snop;
	(pc) =	sbr.rel @p2 .LBB2_23-.Ltmp9, $4  }
0xe6: {  	s2 =	simm.s32 @!p6 $0x80;
	s3 =	simm.s32 @!p6 $0x11300;
	s4 =	simm.s32 @!p6 $0x11B00  }
0xe7: {  	[spmem:s1] =	stream.indirect.scatter.add.f32 @!p6 [tilespmem:s4], [sflag:$0x1], $0x1, s3, s2, $0xb8;
	[tilespmem:$0x13880] =	vst v63  }
0xe8: {  	s2 =	simm.s32 @!p5 $0x80;
	s3 =	simm.s32 @!p5 $0x11380;
	s4 =	simm.s32 @!p5 $0x11B80  }
0xe9: {  	[spmem:s1] =	stream.indirect.scatter.add.f32 @!p5 [tilespmem:s4], [sflag:$0x1], $0x1, s3, s2, $0xb8;
	[tilespmem:$0x13880] =	vst v63  }
0xea: {  	s2 =	simm.s32 $0x11400;
	s3 =	simm.s32 $0x11C00;
	p0 =	slt.u32 s0, $0x500  }
0xeb: {  	[spmem:s1] =	stream.indirect.scatter.add.f32 [tilespmem:s3], [sflag:$0x1], $0x1, s2, s7, $0xb8;
	[tilespmem:$0x13880] =	vst v63  }
0xec: {  	s2 =	simm.s32 @!p0 $0x80;
	p1 =	slt.u32 @!p0 s0, $0x580  }
0xed: {  	s3 =	simm.s32 @!p0 $0x11480;
	s4 =	simm.s32 @!p0 $0x11C80;
	p1 =	por p0, p1  }
0xee: {  	[spmem:s1] =	stream.indirect.scatter.add.f32 @!p0 [tilespmem:s4], [sflag:$0x1], $0x1, s3, s2, $0xb8;
	[tilespmem:$0x13880] =	vst v63  }
0xef: {  	p2 =	slt.u32 @!p1 s0, $0x600  }
0xf0: {  	p6 =	por p1, p2  }
0xf1: {  	p2 =	slt.u32 @!p6 s0, $0x680  }
0xf2: {  	p2 =	por p6, p2  }
.Ltmp10:
0xf3: {  	_ = 	snop;
	(pc) =	sbr.rel @p2 .LBB2_14-.Ltmp10, $4  }
0xf4: {  	s2 =	simm.s32 @!p1 $0x80;
	s3 =	simm.s32 @!p1 $0x11500;
	s4 =	simm.s32 @!p1 $0x11D00  }
0xf5: {  	[spmem:s1] =	stream.indirect.scatter.add.f32 @!p1 [tilespmem:s4], [sflag:$0x1], $0x1, s3, s2, $0xb8;
	[tilespmem:$0x13880] =	vst v63  }
0xf6: {  	s2 =	simm.s32 @!p6 $0x80;
	s3 =	simm.s32 @!p6 $0x11580;
	s4 =	simm.s32 @!p6 $0x11D80  }
0xf7: {  	[spmem:s1] =	stream.indirect.scatter.add.f32 @!p6 [tilespmem:s4], [sflag:$0x1], $0x1, s3, s2, $0xb8;
	[tilespmem:$0x13880] =	vst v63  }
0xf8: {  	s2 =	simm.s32 $0x11600;
	s3 =	simm.s32 $0x11E00;
	p6 =	slt.u32 s0, $0x700  }
0xf9: {  	[spmem:s1] =	stream.indirect.scatter.add.f32 [tilespmem:s3], [sflag:$0x1], $0x1, s2, s7, $0xb8;
	[tilespmem:$0x13880] =	vst v63  }
0xfa: {  	s2 =	simm.s32 @!p6 $0x80;
	p0 =	slt.u32 @!p6 s0, $0x780  }
0xfb: {  	s3 =	simm.s32 @!p6 $0x11680;
	s4 =	simm.s32 @!p6 $0x11E80;
	p2 =	por p0, p6  }
0xfc: {  	[spmem:s1] =	stream.indirect.scatter.add.f32 @!p6 [tilespmem:s4], [sflag:$0x1], $0x1, s3, s2, $0xb8;
	[tilespmem:$0x13880] =	vst v63  }
0xfd: {  	s2 =	simm.s32 @!p2 $0x80;
	s3 =	simm.s32 @!p2 $0x11700;
	p1 =	slt.u32 @!p2 s0, $0x800  }
0xfe: {  	s4 =	simm.s32 @!p2 $0x11F00;
	p3 =	por @!p6 p1, p0;
	p4 =	por @!p6 !p1, p0  }
0xff: {  	[spmem:s1] =	stream.indirect.scatter.add.f32 @!p2 [tilespmem:s4], [sflag:$0x1], $0x1, s3, s2, $0xb8;
	[tilespmem:$0x13880] =	vst v63  }
0x100: {  	p1 =	por @!p2 $0x1, $0x1;
	p0 =	por !p0, p6;
	p3 =	por p3, p6  }
0x101: {  	p4 =	por !p4, p6;
	p2 =	por @!p2 $0x0, $0x0;
	s2 =	simm.s32 @!p3 $0x80  }
0x102: {  	s3 =	simm.s32 @!p3 $0x11780;
	s4 =	simm.s32 @!p3 $0x11F80;
	p5 =	por @!p3 $0x1, $0x1  }
0x103: {  	[spmem:s1] =	stream.indirect.scatter.add.f32 @!p3 [tilespmem:s4], [sflag:$0x1], $0x1, s3, s2, $0xb8;
	[tilespmem:$0x13880] =	vst v63  }
0x104: {  	p1 =	por @!p4 p5, p5;
	p2 =	por @!p4 p5, p5;
	p4 =	por @!p6 $0x1, $0x1  }
0x105: {  	p5 =	por @!p6 $0x0, $0x0;
	p3 =	por p1, p1;
	p1 =	por @!p0 p4, p4  }
0x106: {  	p2 =	por @!p0 p5, p5;
	p3 =	por @!p0 p5, p5;
	p0 =	por $0x0, $0x0  }
0x107: {  	p0 =	por @!p6 p3, p3  }
0x108: {  	p4 =	por $0x1, $0x1;
	s2 =	simm.s32 @!p0 $0x0  }
.Ltmp11:
0x109: {  	s2 =	simm.s32 @p0 $0x1;
	p0 =	por $0x1, $0x1;
	(pc) =	sbr.rel .LBB2_16-.Ltmp11, $4  }
0x10a: {  	p4 =	por @!p6 p1, p1;
	p5 =	por $0x1, $0x1;
	p0 =	por @!p6 p1, p1  }
0x10b: {  	p5 =	por @!p6 p1, p1;
	[smem:$0x7FC] =	sst s2;
	s2 =	simm.s32 @!p0 $0x0  }
0x10c: {  	p3 =	por $0x0, $0x0;
	s2 =	simm.s32 @p0 $0x1;
	p0 =	por $0x0, $0x0  }
0x10d: {  	p3 =	por @!p6 p1, p1;
	[smem:$0x7FD] =	sst s2;
	p0 =	por @!p6 p2, p2  }
.LBB2_23:
0x10e: {  	p2 =	por @!p3 $0x0, $0x0  }
0x10f: {  	s0 =	simm.s32 @!p2 $0x0  }
0x110: {  	s0 =	simm.s32 @p2 $0x1  }
0x111: {  	[smem:$0x7F4] =	sst s0;
	s0 =	simm.s32 @!p3 $0x0  }
0x112: {  	p2 =	por $0x0, $0x0;
	s0 =	simm.s32 @p3 $0x1;
	s31 =	sld [smem:$0x7F4]  }
0x113: {  	[smem:$0x7FB] =	sst s0;
	s0 =	simm.s32 @!p2 $0x0  }
0x114: {  	s0 =	simm.s32 @p2 $0x1;
	s2 =	sld [smem:$0x7FB]  }
0x115: {  	[smem:$0x7F5] =	sst s0  }
0x116: {  	s3 =	sld [smem:$0x7F5];
	_ =	sdelay $0x1  }
0x117: {  	p2 =	seq.s32 s31, $0x1;
	s0 =	simm.s32 @!p5 $0x0  }
0x118: {  	s0 =	simm.s32 @p5 $0x1;
	p3 =	seq.s32 s2, $0x1;
	p5 =	seq.s32 s3, $0x1  }
0x119: {  	p5 =	por @!p3 p2, p2  }
0x11a: {  	[smem:$0x7F8] =	sst s0;
	s0 =	simm.s32 @!p5 $0x0  }
0x11b: {  	s0 =	simm.s32 @p5 $0x1  }
0x11c: {  	[smem:$0x7F5] =	sst s0  }
0x11d: {  	s0 =	sld [smem:$0x7F5];
	_ =	sdelay $0x2  }
0x11e: {  	p3 =	seq.s32 s0, $0x1  }
0x11f: {  	p5 =	por @!p1 $0x0, $0x0;
	p2 =	por p3, p3  }
0x120: {  	p2 =	por @!p1 p5, p5  }
0x121: {  	s0 =	simm.s32 @!p2 $0x0  }
0x122: {  	s0 =	simm.s32 @p2 $0x1  }
0x123: {  	[smem:$0x7F9] =	sst s0  }
0x124: {  	s0 =	sld [smem:$0x7F9];
	_ =	sdelay $0x1  }
0x125: {  	p2 =	por @!p1 $0x1, $0x1  }
0x126: {  	p3 =	por @!p1 p2, p2;
	p2 =	seq.s32 s0, $0x1  }
0x127: {  	p5 =	por @!p0 $0x0, $0x0;
	p1 =	por p2, p2  }
0x128: {  	p1 =	por @!p0 p5, p5  }
0x129: {  	p5 =	por p1, p1;
	p1 =	por @!p0 $0x1, $0x1  }
0x12a: {  	p2 =	por @!p0 p1, p1  }
0x12b: {  	s0 =	simm.s32 @!p2 $0x0  }
0x12c: {  	s0 =	simm.s32 @p2 $0x1;
	p2 =	por @!p0 $0x1, $0x1  }
0x12d: {  	[smem:$0x7F9] =	sst s0;
	p3 =	por @!p0 p2, p2  }
0x12e: {  	p2 =	por @!p4 $0x0, $0x0;
	p0 =	por p5, p5;
	s4 =	sld [smem:$0x7F9]  }
0x12f: {  	p0 =	por @!p4 p2, p2  }
0x130: {  	p1 =	por p5, p5;
	s0 =	simm.s32 @!p0 $0x0  }
0x131: {  	p2 =	por @!p4 $0x1, $0x1;
	s0 =	simm.s32 @p0 $0x1;
	p0 =	seq.s32 s4, $0x1  }
0x132: {  	[smem:$0x7F6] =	sst s0;
	p0 =	por @!p4 p2, p2;
	p2 =	por @!p4 $0x1, $0x1  }
0x133: {  	s6 =	sld [smem:$0x7F6];
	p3 =	por @!p4 p2, p2;
	p2 =	por @!p4 $0x1, $0x1  }
0x134: {  	p1 =	por @!p4 p2, p2  }
0x135: {  	s0 =	simm.s32 @!p1 $0x0  }
0x136: {  	p2 =	seq.s32 s6, $0x1;
	s0 =	simm.s32 @p1 $0x1  }
0x137: {  	[smem:$0x7F7] =	sst s0;
	s0 =	simm.s32 @!p2 $0x0  }
0x138: {  	s0 =	simm.s32 @p2 $0x1  }
0x139: {  	[smem:$0x7FA] =	sst s0  }
0x13a: {  	s0 =	sld [smem:$0x7FA];
	_ =	sdelay $0x2  }
0x13b: {  	p4 =	por @!p6 $0x1, $0x1;
	p1 =	seq.s32 s0, $0x1  }
0x13c: {  	p1 =	por @!p6 p4, p4  }
0x13d: {  	p4 =	por @!p6 $0x1, $0x1;
	s0 =	simm.s32 @!p1 $0x0  }
0x13e: {  	p0 =	por @!p6 p4, p4;
	s0 =	simm.s32 @p1 $0x1  }
0x13f: {  	[smem:$0x7FA] =	sst s0;
	s0 =	simm.s32 @!p0 $0x0  }
0x140: {  	s0 =	simm.s32 @p0 $0x1  }
0x141: {  	[smem:$0x7F9] =	sst s0  }
0x142: {  	_ =	swait.ge [sflag:s30], $0x80  }
0x143: {  	s7 =	sld [smem:$0x7F7]  }
0x144: {  	s20 =	sld [smem:$0x7F8]  }
0x145: {  	p4 =	por @!p6 $0x0, $0x0;
	s21 =	sld [smem:$0x7FA]  }
0x146: {  	p2 =	por @!p6 p4, p4;
	p0 =	por @!p6 $0x1, $0x1  }
0x147: {  	p3 =	por @!p6 p0, p0;
	p1 =	seq.s32 s7, $0x1;
	p5 =	seq.s32 s20, $0x1  }
0x148: {  	p4 =	seq.s32 s21, $0x1;
	p1 =	por @!p6 p0, p0;
	p0 =	por @!p5 $0x1, $0x1  }
0x149: {  	p4 =	por @!p5 p0, p0  }
0x14a: {  	s0 =	simm.s32 @!p4 $0x0  }
0x14b: {  	[sflag:s30] =	ssyncset.done $0x0;
	s0 =	simm.s32 @p4 $0x1  }
0x14c: {  	[sflag:s30] =	ssyncadd.s32 $0xFFFFFF80;
	[smem:$0x7FA] =	sst s0  }
0x14d: {  	s25 =	sld [smem:$0x7F9];
	_ =	swait.ge [sflag:s30], $0x80  }
0x14e: {  	s31 =	sld [smem:$0x7FB];
	_ =	sdelay $0x2  }
0x14f: {  	p4 =	seq.s32 s31, $0x1  }
.Ltmp12:
0x150: {  	_ = 	snop;
	(pc) =	sbr.rel @p4 .LBB2_29-.Ltmp12, $4  }
0x151: {  	_ = 	snop  }
0x152: {  	p6 =	seq.s32 s25, $0x1  }
0x153: {  	p6 =	por @!p5 p0, p0;
	p3 =	por @!p5 p0, p0;
	[sflag:s30] =	ssyncset.done $0x0  }
0x154: {  	p1 =	por @!p5 p0, p0;
	p2 =	por @!p5 p0, p0;
	[sflag:s30] =	ssyncadd.s32 $0xFFFFFF80  }
.Ltmp13:
0x155: {  	(pc) =	sbr.rel @p3 .LBB2_30-.Ltmp13, $4  }
0x156: {  	_ = 	snop  }
0x157: {  	_ =	swait.ge [sflag:s30], $0x80  }
0x158: {  	[sflag:s30] =	ssyncset.done $0x0  }
0x159: {  	[sflag:s30] =	ssyncadd.s32 $0xFFFFFF80  }
.LBB2_25:
.Ltmp14:
0x15a: {  	(pc) =	sbr.rel @!p6 .LBB2_26-.Ltmp14, $1  }
0x15b: {  	_ =	sdelay $0x3  }
.LBB2_31:
.Ltmp15:
0x15c: {  	(pc) =	sbr.rel @p1 .LBB2_32-.Ltmp15, $4  }
0x15d: {  	_ = 	snop  }
0x15e: {  	_ =	swait.ge [sflag:s30], $0x80  }
0x15f: {  	[sflag:s30] =	ssyncset.done $0x0  }
0x160: {  	[sflag:s30] =	ssyncadd.s32 $0xFFFFFF80  }
.LBB2_27:
0x161: {  	s0 =	sld [smem:$0x7FA];
	_ =	sdelay $0x2  }
0x162: {  	p0 =	seq.s32 s0, $0x1  }
.Ltmp16:
0x163: {  	_ = 	snop;
	(pc) =	sbr.rel @!p0 .LBB2_28-.Ltmp16, $1  }
0x164: {  	_ =	sdelay $0x3  }
.LBB2_33:
.Ltmp17:
0x165: {  	(pc) =	sbr.rel @p2 .LBB2_40-.Ltmp17, $4  }
.Ltmp18:
0x166: {  	(pc) =	sbr.rel @!p2 .LBB2_41-.Ltmp18, $4  }
0x167: {  	_ =	swait.ge [sflag:s30], $0x80  }
0x168: {  	[sflag:s30] =	ssyncset.done $0x0  }
0x169: {  	[sflag:s30] =	ssyncadd.s32 $0xFFFFFF80  }
0x16a: {  	_ = 	snop  }
.LBB2_14:
0x16b: {  	p2 =	por @!p0 $0x0, $0x0;
	p4 =	por $0x0, $0x0  }
0x16c: {  	p4 =	por @!p0 p2, p2  }
0x16d: {  	p3 =	por @!p1 $0x1, $0x1;
	p2 =	por @!p1 $0x0, $0x0;
	p0 =	por p4, p4  }
0x16e: {  	p4 =	por @!p1 p3, p3;
	p0 =	por @!p1 p2, p2  }
0x16f: {  	p1 =	por @!p6 $0x1, $0x1;
	p2 =	por @!p6 $0x0, $0x0;
	p3 =	por p0, p0  }
0x170: {  	p5 =	por p0, p0;
	p4 =	por @!p6 p1, p1;
	p3 =	por @!p6 p2, p2  }
0x171: {  	p5 =	por @!p6 p1, p1;
	p1 =	por p0, p0;
	s2 =	simm.s32 @!p3 $0x0  }
0x172: {  	p1 =	por @!p6 p2, p2;
	s2 =	simm.s32 @p3 $0x1  }
0x173: {  	[smem:$0x7FC] =	sst s2;
	s2 =	simm.s32 @!p1 $0x0  }
0x174: {  	p3 =	por p0, p0;
	s2 =	simm.s32 @p1 $0x1  }
0x175: {  	p0 =	por @!p6 p2, p2;
	p3 =	por @!p6 p2, p2;
	[smem:$0x7FD] =	sst s2  }
.LBB2_16:
0x176: {  	_ =	swait.ge [sflag:s30], $0x80  }
0x177: {  	[sflag:s30] =	ssyncset.done $0x0  }
0x178: {  	[sflag:s30] =	ssyncadd.s32 $0xFFFFFF80  }
0x179: {  	_ =	swait.ge [sflag:s30], $0x80  }
0x17a: {  	[sflag:s30] =	ssyncset.done $0x0  }
0x17b: {  	[sflag:s30] =	ssyncadd.s32 $0xFFFFFF80  }
0x17c: {  	_ =	swait.ge [sflag:s30], $0x80  }
0x17d: {  	[sflag:s30] =	ssyncset.done $0x0  }
0x17e: {  	[sflag:s30] =	ssyncadd.s32 $0xFFFFFF80  }
0x17f: {  	_ =	swait.ge [sflag:s30], $0x80  }
0x180: {  	[sflag:s30] =	ssyncset.done $0x0  }
0x181: {  	[sflag:s30] =	ssyncadd.s32 $0xFFFFFF80  }
0x182: {  	_ =	swait.ge [sflag:s30], $0x80  }
0x183: {  	[sflag:s30] =	ssyncset.done $0x0  }
0x184: {  	[sflag:s30] =	ssyncadd.s32 $0xFFFFFF80  }
0x185: {  	_ =	swait.ge [sflag:s30], $0x80  }
0x186: {  	[sflag:s30] =	ssyncset.done $0x0  }
0x187: {  	[sflag:s30] =	ssyncadd.s32 $0xFFFFFF80  }
0x188: {  	_ =	swait.ge [sflag:s30], $0x80  }
0x189: {  	[sflag:s30] =	ssyncset.done $0x0  }
0x18a: {  	[sflag:s30] =	ssyncadd.s32 $0xFFFFFF80  }
0x18b: {  	p1 =	sgt.u32 s0, $0x4FF;
	_ =	swait.ge [sflag:s30], $0x80  }
.Ltmp19:
0x18c: {  	[sflag:s30] =	ssyncset.done $0x0;
	(pc) =	sbr.rel @!p1 .LBB2_34-.Ltmp19, $4  }
0x18d: {  	[sflag:s30] =	ssyncadd.s32 $0xFFFFFF80  }
0x18e: {  	_ =	swait.ge [sflag:s30], $0x80  }
0x18f: {  	[sflag:s30] =	ssyncset.done $0x0  }
0x190: {  	[sflag:s30] =	ssyncadd.s32 $0xFFFFFF80  }
.Ltmp20:
0x191: {  	(pc) =	sbr.rel @p4 .LBB2_35-.Ltmp20, $4  }
0x192: {  	_ = 	snop  }
0x193: {  	_ =	swait.ge [sflag:s30], $0x80  }
0x194: {  	[sflag:s30] =	ssyncset.done $0x0  }
0x195: {  	[sflag:s30] =	ssyncadd.s32 $0xFFFFFF80  }
.LBB2_18:
.Ltmp21:
0x196: {  	(pc) =	sbr.rel @!p5 .LBB2_19-.Ltmp21, $1  }
0x197: {  	_ =	sdelay $0x3  }
.LBB2_36:
0x198: {  	_ =	swait.ge [sflag:s30], $0x80  }
0x199: {  	s0 =	sld [smem:$0x7FD];
	_ =	sdelay $0x2  }
0x19a: {  	p1 =	seq.s32 s0, $0x1  }
.Ltmp22:
0x19b: {  	_ = 	snop;
	(pc) =	sbr.rel @p1 .LBB2_37-.Ltmp22, $3  }
0x19c: {  	_ =	sdelay $0x1  }
0x19d: {  	[sflag:s30] =	ssyncset.done $0x0  }
0x19e: {  	[sflag:s30] =	ssyncadd.s32 $0xFFFFFF80  }
.LBB2_20:
.Ltmp23:
0x19f: {  	(pc) =	sbr.rel @!p3 .LBB2_21-.Ltmp23, $1  }
0x1a0: {  	_ =	sdelay $0x3  }
.LBB2_38:
0x1a1: {  	_ =	swait.ge [sflag:s30], $0x80  }
0x1a2: {  	s0 =	sld [smem:$0x7FC];
	_ =	sdelay $0x2  }
0x1a3: {  	p1 =	seq.s32 s0, $0x1  }
.Ltmp24:
0x1a4: {  	_ = 	snop;
	(pc) =	sbr.rel @p1 .LBB2_39-.Ltmp24, $3  }
0x1a5: {  	_ =	sdelay $0x1  }
0x1a6: {  	[sflag:s30] =	ssyncset.done $0x0  }
0x1a7: {  	[sflag:s30] =	ssyncadd.s32 $0xFFFFFF80  }
.LBB2_22:
.Ltmp25:
0x1a8: {  	(pc) =	sbr.rel @!p0 .LBB2_41-.Ltmp25, $4  }
.Ltmp26:
0x1a9: {  	(pc) =	sbr.rel @p0 .LBB2_40-.Ltmp26, $4  }
0x1aa: {  	_ = 	snop  }
0x1ab: {  	_ = 	snop  }
0x1ac: {  	_ = 	snop  }
0x1ad: {  	_ = 	snop  }
.LBB2_29:
.Ltmp27:
0x1ae: {  	(pc) =	sbr.rel @!p3 .LBB2_25-.Ltmp27, $1  }
0x1af: {  	_ =	sdelay $0x3  }
.LBB2_30:
.Ltmp28:
0x1b0: {  	(pc) =	sbr.rel @p6 .LBB2_31-.Ltmp28, $4  }
0x1b1: {  	_ = 	snop  }
0x1b2: {  	_ =	swait.ge [sflag:s30], $0x80  }
0x1b3: {  	[sflag:s30] =	ssyncset.done $0x0  }
0x1b4: {  	[sflag:s30] =	ssyncadd.s32 $0xFFFFFF80  }
.LBB2_26:
.Ltmp29:
0x1b5: {  	(pc) =	sbr.rel @!p1 .LBB2_27-.Ltmp29, $1  }
0x1b6: {  	_ =	sdelay $0x3  }
.LBB2_32:
0x1b7: {  	_ =	swait.ge [sflag:s30], $0x80  }
0x1b8: {  	s0 =	sld [smem:$0x7FA];
	_ =	sdelay $0x2  }
0x1b9: {  	p0 =	seq.s32 s0, $0x1  }
.Ltmp30:
0x1ba: {  	_ = 	snop;
	(pc) =	sbr.rel @p0 .LBB2_33-.Ltmp30, $3  }
0x1bb: {  	_ =	sdelay $0x1  }
0x1bc: {  	[sflag:s30] =	ssyncset.done $0x0  }
0x1bd: {  	[sflag:s30] =	ssyncadd.s32 $0xFFFFFF80  }
.LBB2_28:
.Ltmp31:
0x1be: {  	(pc) =	sbr.rel @!p2 .LBB2_41-.Ltmp31, $1  }
0x1bf: {  	_ =	sdelay $0x3  }
.LBB2_40:
0x1c0: {  	_ =	swait.ge [sflag:s30], $0x80  }
0x1c1: {  	[sflag:s30] =	ssyncset.done $0x0  }
0x1c2: {  	[sflag:s30] =	ssyncadd.s32 $0xFFFFFF80  }
.LBB2_41:
0x1c3: {  	s0 =	sshll.u32 s23, $0x6;
	[bflag:$0x0] =	sbarrier.arrive $0xFFFF  }
0x1c4: {  	s25 =	sshrl.u32 s5, $0x3;
	s0 =	sor.u32 $0x1C02, s0;
	s2 =	rddreg [dreg:$0x7]  }
0x1c5: {  	[hbm:s2], [sflag:s0] =	dma.local [spmem:s25], $0x2000  }
0x1c6: {  	_ =	swait.ge [sflag:s26], $0x2000  }
0x1c7: {  	[sflag:s26] =	ssyncset.done $0x0  }
0x1c8: {  	[sflag:s26] =	ssyncadd.s32 $0xFFFFE000  }
0x1c9: {  	[spmem:s5] =	stream.linear.scatter [tilespmem:s29], [sflag:$0x1], $0x1000, $0x38;
	[tilespmem:$0x13880] =	vst v63  }
0x1ca: {  	s7 =	rddreg [dreg:$0x6]  }
0x1cb: {  	[spmem:s7] =	stream.linear.scatter [tilespmem:s29], [sflag:$0x1], $0x1000, $0x38;
	[tilespmem:$0x13880] =	vst v63  }
0x1cc: {  	s20 =	rddreg [dreg:$0xa]  }
0x1cd: {  	[spmem:s20] =	stream.linear.scatter [tilespmem:s29], [sflag:$0x1], $0x1000, $0x38;
	[tilespmem:$0x13880] =	vst v63  }
0x1ce: {  	_ = 	snop  }
0x1cf: {  	[spmem:s9] =	stream.linear.scatter [tilespmem:s29], [sflag:$0x1], $0x1000, $0x38;
	[tilespmem:$0x13880] =	vst v63  }
0x1d0: {  	_ = 	snop  }
0x1d1: {  	[spmem:s10] =	stream.linear.scatter [tilespmem:s29], [sflag:$0x1], $0x1000, $0x38;
	[tilespmem:$0x13880] =	vst v63  }
0x1d2: {  	_ = 	snop  }
0x1d3: {  	[spmem:s11] =	stream.linear.scatter [tilespmem:s29], [sflag:$0x1], $0x1000, $0x38;
	[tilespmem:$0x13880] =	vst v63  }
0x1d4: {  	_ = 	snop  }
0x1d5: {  	[spmem:s12] =	stream.linear.scatter [tilespmem:s29], [sflag:$0x1], $0x1000, $0x38;
	[tilespmem:$0x13880] =	vst v63  }
0x1d6: {  	_ = 	snop  }
0x1d7: {  	[spmem:s13] =	stream.linear.scatter [tilespmem:s29], [sflag:$0x1], $0x1000, $0x38;
	[tilespmem:$0x13880] =	vst v63  }
0x1d8: {  	_ = 	snop  }
0x1d9: {  	[spmem:s14] =	stream.linear.scatter [tilespmem:s29], [sflag:$0x1], $0x1000, $0x38;
	[tilespmem:$0x13880] =	vst v63  }
0x1da: {  	_ = 	snop  }
0x1db: {  	[spmem:s15] =	stream.linear.scatter [tilespmem:s29], [sflag:$0x1], $0x1000, $0x38;
	[tilespmem:$0x13880] =	vst v63  }
0x1dc: {  	_ = 	snop  }
0x1dd: {  	[spmem:s16] =	stream.linear.scatter [tilespmem:s29], [sflag:$0x1], $0x1000, $0x38;
	[tilespmem:$0x13880] =	vst v63  }
0x1de: {  	_ = 	snop  }
0x1df: {  	[spmem:s17] =	stream.linear.scatter [tilespmem:s29], [sflag:$0x1], $0x1000, $0x38;
	[tilespmem:$0x13880] =	vst v63  }
0x1e0: {  	_ = 	snop  }
0x1e1: {  	[spmem:s18] =	stream.linear.scatter [tilespmem:s29], [sflag:$0x1], $0x1000, $0x38;
	[tilespmem:$0x13880] =	vst v63  }
0x1e2: {  	_ = 	snop  }
0x1e3: {  	[spmem:s19] =	stream.linear.scatter [tilespmem:s29], [sflag:$0x1], $0x1000, $0x38;
	[tilespmem:$0x13880] =	vst v63  }
0x1e4: {  	_ = 	snop  }
0x1e5: {  	[spmem:s22] =	stream.linear.scatter [tilespmem:s29], [sflag:$0x1], $0x1000, $0x38;
	[tilespmem:$0x13880] =	vst v63  }
0x1e6: {  	_ = 	snop  }
0x1e7: {  	[spmem:s24] =	stream.linear.scatter [tilespmem:s29], [sflag:$0x1], $0x1000, $0x38;
	[tilespmem:$0x13880] =	vst v63  }
0x1e8: {  	_ =	swait.ge [sflag:s30], $0x1000  }
0x1e9: {  	[sflag:s30] =	ssyncset.done $0x0  }
0x1ea: {  	[sflag:s30] =	ssyncadd.s32 $0xFFFFF000  }
0x1eb: {  	_ =	swait.ge [sflag:s30], $0x1000  }
0x1ec: {  	[sflag:s30] =	ssyncset.done $0x0  }
0x1ed: {  	[sflag:s30] =	ssyncadd.s32 $0xFFFFF000  }
0x1ee: {  	_ =	swait.ge [sflag:s30], $0x1000  }
0x1ef: {  	[sflag:s30] =	ssyncset.done $0x0  }
0x1f0: {  	[sflag:s30] =	ssyncadd.s32 $0xFFFFF000  }
0x1f1: {  	_ =	swait.ge [sflag:s30], $0x1000  }
0x1f2: {  	[sflag:s30] =	ssyncset.done $0x0  }
0x1f3: {  	[sflag:s30] =	ssyncadd.s32 $0xFFFFF000  }
0x1f4: {  	_ =	swait.ge [sflag:s30], $0x1000  }
0x1f5: {  	[sflag:s30] =	ssyncset.done $0x0  }
0x1f6: {  	[sflag:s30] =	ssyncadd.s32 $0xFFFFF000  }
0x1f7: {  	_ =	swait.ge [sflag:s30], $0x1000  }
0x1f8: {  	[sflag:s30] =	ssyncset.done $0x0  }
0x1f9: {  	[sflag:s30] =	ssyncadd.s32 $0xFFFFF000  }
0x1fa: {  	_ =	swait.ge [sflag:s30], $0x1000  }
0x1fb: {  	[sflag:s30] =	ssyncset.done $0x0  }
0x1fc: {  	[sflag:s30] =	ssyncadd.s32 $0xFFFFF000  }
0x1fd: {  	_ =	swait.ge [sflag:s30], $0x1000  }
0x1fe: {  	[sflag:s30] =	ssyncset.done $0x0  }
0x1ff: {  	[sflag:s30] =	ssyncadd.s32 $0xFFFFF000  }
0x200: {  	_ =	swait.ge [sflag:s30], $0x1000  }
0x201: {  	[sflag:s30] =	ssyncset.done $0x0  }
0x202: {  	[sflag:s30] =	ssyncadd.s32 $0xFFFFF000  }
0x203: {  	_ =	swait.ge [sflag:s30], $0x1000  }
0x204: {  	[sflag:s30] =	ssyncset.done $0x0  }
0x205: {  	[sflag:s30] =	ssyncadd.s32 $0xFFFFF000  }
0x206: {  	_ =	swait.ge [sflag:s30], $0x1000  }
0x207: {  	[sflag:s30] =	ssyncset.done $0x0  }
0x208: {  	[sflag:s30] =	ssyncadd.s32 $0xFFFFF000  }
0x209: {  	_ =	swait.ge [sflag:s30], $0x1000  }
0x20a: {  	[sflag:s30] =	ssyncset.done $0x0  }
0x20b: {  	[sflag:s30] =	ssyncadd.s32 $0xFFFFF000  }
0x20c: {  	_ =	swait.ge [sflag:s30], $0x1000  }
0x20d: {  	[sflag:s30] =	ssyncset.done $0x0  }
0x20e: {  	[sflag:s30] =	ssyncadd.s32 $0xFFFFF000  }
0x20f: {  	_ =	swait.ge [sflag:s30], $0x1000  }
0x210: {  	[sflag:s30] =	ssyncset.done $0x0  }
0x211: {  	[sflag:s30] =	ssyncadd.s32 $0xFFFFF000  }
0x212: {  	_ =	swait.ge [sflag:s30], $0x1000  }
0x213: {  	[sflag:s30] =	ssyncset.done $0x0  }
0x214: {  	[sflag:s30] =	ssyncadd.s32 $0xFFFFF000  }
0x215: {  	_ =	swait.ge [sflag:s30], $0x1000  }
0x216: {  	[sflag:s30] =	ssyncset.done $0x0  }
0x217: {  	[sflag:s30] =	ssyncadd.s32 $0xFFFFF000  }
0x218: {  	s21 =	simm.s32 $0x0;
	[bflag:$0x0] =	sbarrier.arrive $0xFFFF  }
0x219: {  	v5 =	vld [tilespmem:s21+$0x10800];
	_ =	sdelay $0x4  }
0x21a: {  	v5 =	vsub.s32 v5, v1  }
0x21b: {  	vm0 =	vlt.u32 v5, $0x200  }
0x21c: {  	v6 =	vsel vm0, $0x1, v3  }
0x21d: {  	(xrf0) =	vadd.scan.msk.s32 $0xffff, v6  }
0x21e: {  	v6 =	vld [tilespmem:s21+$0x10000];
	_ =	sdelay $0x3  }
0x21f: {  	v5 =	vshll.u32 v5, $0xB  }
0x220: {  	v5 =	vadd.s32 v6, v5;
	v6, _, _ =	vpop (xrf0)  }
0x221: {  	s2 =	simm.s32 $0x0;
	(v2sf) =	vpush v6, $0xF  }
0x222: {  	s31 =	simm.s32 $0x10;
	s3 =	simm.s32 $0x80;
	[tilespmem:s2+$0x12000] =	vst.msk vm0, v5  }
.LBB2_42:
0x223: {  	p0 =	sne.s32 s3, $0x1FC0;
	v5 =	vld [tilespmem:s31+$0x10800];
	_ =	sdelay $0x4  }
0x224: {  	v5 =	vsub.s32 v5, v1  }
0x225: {  	vm0 =	vlt.u32 v5, $0x200;
	v5 =	vshll.u32 v5, $0xB  }
0x226: {  	v6 =	vsel vm0, $0x1, v3  }
0x227: {  	(xrf0) =	vadd.scan.msk.s32 $0xffff, v6  }
0x228: {  	v6 =	vld [tilespmem:s31+$0x10000];
	_ =	sdelay $0x2  }
.Ltmp32:
0x229: {  	(pc) =	sbr.rel @p0 .LBB2_42-.Ltmp32, $4  }
0x22a: {  	s4 =	spop (v2sf)  }
0x22b: {  	v5 =	vadd.s32 v6, v5;
	v6, _, _ =	vpop (xrf0);
	s2 =	sadd.s32 s2, s4  }
0x22c: {  	[tilespmem:s2+$0x12000] =	vst.msk vm0, v5;
	(v2sf) =	vpush v6, $0xF  }
0x22d: {  	s31 =	sshra.s32 s3, $0x2;
	s3 =	sadd.s32 $0x40, s3  }
0x22e: {  	v5 =	vld [tilespmem:s31+$0x10800];
	_ =	sdelay $0x4  }
0x22f: {  	v5 =	vsub.s32 v5, v1  }
0x230: {  	vm0 =	vlt.u32 v5, $0x200  }
0x231: {  	v6 =	vsel vm0, $0x1, v3  }
0x232: {  	(xrf0) =	vadd.scan.msk.s32 $0xffff, v6;
	_ =	sdelay $0x5  }
0x233: {  	v6, _, _ =	vpop (xrf0)  }
0x234: {  	(v2sf) =	vpush v6, $0xF;
	_ =	sdelay $0xd  }
0x235: {  	s3 =	spop (v2sf)  }
0x236: {  	s6 =	sadd.s32 s2, s3;
	s21 =	spop (v2sf)  }
0x237: {  	s4 =	sadd.s32 s6, s21  }
0x238: {  	v6 =	vld [tilespmem:s31+$0x10000];
	s2 =	sadd.s32 $0x7F, s4  }
0x239: {  	s31 =	sshra.s32 s2, $0x1F  }
0x23a: {  	s3 =	sshrl.u32 s31, $0x19  }
0x23b: {  	s3 =	sadd.s32 s3, s2  }
0x23c: {  	v5 =	vshll.u32 v5, $0xB;
	s7 =	sand.u32 $0xFFFFFF80, s3  }
0x23d: {  	v5 =	vadd.s32 v6, v5;
	s20 =	sadd.s32 $0x10, s4;
	p0 =	sge.s32 s4, s7  }
0x23e: {  	[tilespmem:s6+$0x12000] =	vst.msk vm0, v5;
	s6 =	sadd.s32 $0x20, s4;
	p1 =	sge.s32 s20, s7;
	v5 =	vimm.s32 @!p0 $0x0  }
0x23f: {  	s21 =	sadd.s32 $0x30, s4;
	[tilespmem:s4+$0x12000] =	vst @!p0 v5;
	v5 =	vimm.s32 @!p1 $0x0;
	p0 =	sge.s32 s6, s7  }
0x240: {  	[tilespmem:s20+$0x12000] =	vst @!p1 v5;
	v5 =	vimm.s32 @!p0 $0x0;
	p1 =	sge.s32 s21, s7;
	s20 =	sadd.s32 $0x40, s4  }
0x241: {  	[tilespmem:s6+$0x12000] =	vst @!p0 v5;
	v5 =	vimm.s32 @!p1 $0x0;
	p0 =	sge.s32 s20, s7;
	s6 =	sadd.s32 $0x50, s4  }
0x242: {  	[tilespmem:s21+$0x12000] =	vst @!p1 v5;
	v5 =	vimm.s32 @!p0 $0x0;
	p1 =	sge.s32 s6, s7;
	s21 =	sadd.s32 $0x60, s4  }
0x243: {  	[tilespmem:s20+$0x12000] =	vst @!p0 v5;
	v5 =	vimm.s32 @!p1 $0x0;
	p0 =	sge.s32 s21, s7  }
0x244: {  	[tilespmem:s6+$0x12000] =	vst @!p1 v5;
	v5 =	vimm.s32 @!p0 $0x0  }
0x245: {  	[tilespmem:s21+$0x12000] =	vst @!p0 v5;
	p0 =	slt.s32 s2, $0x80  }
.Ltmp33:
0x246: {  	_ = 	snop;
	(pc) =	sbr.rel @p0 .LBB2_80-.Ltmp33, $4  }
0x247: {  	s20 =	sadd.s32 $0x70, s4  }
0x248: {  	p1 =	sge.s32 s20, s7  }
0x249: {  	v5 =	vimm.s32 @!p1 $0x0  }
0x24a: {  	[tilespmem:s20+$0x12000] =	vst @!p1 v5  }
0x24b: {  	s3 =	sshra.s32 s3, $0x7  }
0x24c: {  	s3 =	sshll.u32 s3, $0x3  }
0x24d: {  	s6 =	smax.u32 s3, $0x1  }
0x24e: {  	p1 =	sne.s32 s6, $0x1  }
.Ltmp34:
0x24f: {  	_ = 	snop;
	(pc) =	sbr.rel @!p1 .LBB2_45-.Ltmp34, $3  }
0x250: {  	_ =	sdelay $0x1  }
0x251: {  	s31 =	simm.s32 $0x11800;
	s7 =	simm.s32 $0x12000;
	v5 =	vmov s4;
	s4 =	simm.s32 $0x0  }
0x252: {  	p0 =	por $0x0, $0x0;
	v6 =	vld [tilespmem:s7+$0x0];
	s3 =	simm.s32 $0x11000;
	s6 =	sadd.s32 $0xFFFFFFFF, s6  }
0x253: {  	_ =	sdelay $0x1  }
0x254: {  	v7 =	vor.u32 s4, v4;
	p1 =	sne.s32 s6, $0x1  }
.Ltmp35:
0x255: {  	vm0 =	vlt.s32 v7, v5;
	(pc) =	sbr.rel @!p1 .LBB2_47-.Ltmp35, $4  }
0x256: {  	[tilespmem:s3+$0x0] =	vst v6;
	v6 =	vsel vm0, $0x3F800000, v2  }
0x257: {  	s23 =	simm.s32 $0x12010;
	[tilespmem:s31+$0x0] =	vst v6  }
0x258: {  	s7 =	sadd.s32 $0xFFFFFFFF, s6;
	p0 =	por $0x1, $0x1;
	v6 =	vld [tilespmem:s23+$0x0]  }
0x259: {  	s6 =	simm.s32 $0x0;
	s20 =	simm.s32 $0x11000;
	s21 =	simm.s32 $0x11800  }
.LBB2_48:
0x25a: {  	p1 =	sne.s32 s7, $0x1;
	s6 =	sadd.s32 $0x10, s6  }
0x25b: {  	v7 =	vor.u32 s6, v4  }
.Ltmp36:
0x25c: {  	s20 =	sadd.s32 $0x10, s20;
	vm0 =	vlt.s32 v7, v5;
	(pc) =	sbr.rel @p1 .LBB2_48-.Ltmp36, $4  }
0x25d: {  	s21 =	sadd.s32 $0x10, s21;
	[tilespmem:s20+$0x0] =	vst v6;
	v6 =	vsel vm0, $0x3F800000, v2  }
0x25e: {  	s23 =	sadd.s32 $0x10, s23;
	[tilespmem:s21+$0x0] =	vst v6  }
0x25f: {  	v6 =	vld [tilespmem:s23+$0x0]  }
0x260: {  	s7 =	sadd.s32 $0xFFFFFFFF, s7  }
0x261: {  	s23 =	stileid.u32  }
.LBB2_50:
0x262: {  	s6 =	sadd.s32 @p0 $0x10, s6  }
0x263: {  	s4 =	smov.u32 @p0 s6  }
0x264: {  	v7 =	vor.u32 s4, v4;
	s4 =	sadd.s32 @p0 $0x10, s20  }
0x265: {  	s3 =	smov.u32 @p0 s4;
	s4 =	sadd.s32 @p0 $0x10, s21  }
0x266: {  	s31 =	smov.u32 @p0 s4;
	p0 =	slt.u32 s2, $0x100  }
.Ltmp37:
0x267: {  	_ = 	snop;
	(pc) =	sbr.rel @p0 .LBB2_79-.Ltmp37, $4  }
0x268: {  	vm0 =	vlt.s32 v7, v5  }
0x269: {  	[tilespmem:s3+$0x0] =	vst v6;
	v5 =	vsel vm0, $0x3F800000, v2  }
0x26a: {  	s21 =	simm.s32 $0x11000;
	[tilespmem:s31+$0x0] =	vst v5;
	s31 =	simm.s32 $0x11800  }
0x26b: {  	[spmem:s1] =	stream.indirect.scatter.add.f32 [tilespmem:s31], [sflag:$0x1], $0x1, s21, s8, $0xb8;
	[tilespmem:$0x13880] =	vst v63  }
0x26c: {  	s7 =	simm.s32 $0x80  }
0x26d: {  	s3 =	simm.s32 $0x11080;
	s4 =	simm.s32 $0x11880;
	p3 =	slt.u32 s2, $0x180  }
0x26e: {  	[spmem:s1] =	stream.indirect.scatter.add.f32 [tilespmem:s4], [sflag:$0x1], $0x1, s3, s7, $0xb8;
	[tilespmem:$0x13880] =	vst v63  }
0x26f: {  	s3 =	simm.s32 @!p3 $0x80;
	p0 =	slt.u32 @!p3 s2, $0x200  }
0x270: {  	s4 =	simm.s32 @!p3 $0x11100;
	s6 =	simm.s32 @!p3 $0x11900;
	p1 =	por p3, p0  }
0x271: {  	[spmem:s1] =	stream.indirect.scatter.add.f32 @!p3 [tilespmem:s6], [sflag:$0x1], $0x1, s4, s3, $0xb8;
	[tilespmem:$0x13880] =	vst v63  }
0x272: {  	s3 =	simm.s32 @!p1 $0x80;
	p0 =	slt.u32 @!p1 s2, $0x280  }
0x273: {  	s4 =	simm.s32 @!p1 $0x11180;
	s6 =	simm.s32 @!p1 $0x11980;
	p0 =	por p1, p0  }
0x274: {  	[spmem:s1] =	stream.indirect.scatter.add.f32 @!p1 [tilespmem:s6], [sflag:$0x1], $0x1, s4, s3, $0xb8;
	[tilespmem:$0x13880] =	vst v63  }
0x275: {  	s3 =	simm.s32 @!p0 $0x80;
	p2 =	slt.u32 @!p0 s2, $0x300  }
0x276: {  	s4 =	simm.s32 @!p0 $0x11200;
	s6 =	simm.s32 @!p0 $0x11A00;
	p4 =	por p0, p2  }
0x277: {  	[spmem:s1] =	stream.indirect.scatter.add.f32 @!p0 [tilespmem:s6], [sflag:$0x1], $0x1, s4, s3, $0xb8;
	[tilespmem:$0x13880] =	vst v63  }
0x278: {  	s3 =	simm.s32 @!p4 $0x80;
	p2 =	slt.u32 @!p4 s2, $0x380  }
0x279: {  	s4 =	simm.s32 @!p4 $0x11280;
	s6 =	simm.s32 @!p4 $0x11A80;
	p6 =	por p4, p2  }
0x27a: {  	[spmem:s1] =	stream.indirect.scatter.add.f32 @!p4 [tilespmem:s6], [sflag:$0x1], $0x1, s4, s3, $0xb8;
	[tilespmem:$0x13880] =	vst v63  }
0x27b: {  	p2 =	slt.u32 @!p6 s2, $0x400  }
0x27c: {  	p5 =	por p6, p2  }
0x27d: {  	p2 =	slt.u32 @!p5 s2, $0x480  }
0x27e: {  	p2 =	por p5, p2  }
.Ltmp38:
0x27f: {  	_ = 	snop;
	(pc) =	sbr.rel @p2 .LBB2_62-.Ltmp38, $4  }
0x280: {  	s3 =	simm.s32 @!p6 $0x80;
	s4 =	simm.s32 @!p6 $0x11300;
	s6 =	simm.s32 @!p6 $0x11B00  }
0x281: {  	[spmem:s1] =	stream.indirect.scatter.add.f32 @!p6 [tilespmem:s6], [sflag:$0x1], $0x1, s4, s3, $0xb8;
	[tilespmem:$0x13880] =	vst v63  }
0x282: {  	s3 =	simm.s32 @!p5 $0x80;
	s4 =	simm.s32 @!p5 $0x11380;
	s6 =	simm.s32 @!p5 $0x11B80  }
0x283: {  	[spmem:s1] =	stream.indirect.scatter.add.f32 @!p5 [tilespmem:s6], [sflag:$0x1], $0x1, s4, s3, $0xb8;
	[tilespmem:$0x13880] =	vst v63  }
0x284: {  	s3 =	simm.s32 $0x11400;
	s4 =	simm.s32 $0x11C00;
	p0 =	slt.u32 s2, $0x500  }
0x285: {  	[spmem:s1] =	stream.indirect.scatter.add.f32 [tilespmem:s4], [sflag:$0x1], $0x1, s3, s7, $0xb8;
	[tilespmem:$0x13880] =	vst v63  }
0x286: {  	s3 =	simm.s32 @!p0 $0x80;
	p1 =	slt.u32 @!p0 s2, $0x580  }
0x287: {  	s4 =	simm.s32 @!p0 $0x11480;
	s6 =	simm.s32 @!p0 $0x11C80;
	p1 =	por p0, p1  }
0x288: {  	[spmem:s1] =	stream.indirect.scatter.add.f32 @!p0 [tilespmem:s6], [sflag:$0x1], $0x1, s4, s3, $0xb8;
	[tilespmem:$0x13880] =	vst v63  }
0x289: {  	p2 =	slt.u32 @!p1 s2, $0x600  }
0x28a: {  	p6 =	por p1, p2  }
0x28b: {  	p2 =	slt.u32 @!p6 s2, $0x680  }
0x28c: {  	p2 =	por p6, p2  }
.Ltmp39:
0x28d: {  	_ = 	snop;
	(pc) =	sbr.rel @p2 .LBB2_53-.Ltmp39, $4  }
0x28e: {  	s3 =	simm.s32 @!p1 $0x80;
	s4 =	simm.s32 @!p1 $0x11500;
	s6 =	simm.s32 @!p1 $0x11D00  }
0x28f: {  	[spmem:s1] =	stream.indirect.scatter.add.f32 @!p1 [tilespmem:s6], [sflag:$0x1], $0x1, s4, s3, $0xb8;
	[tilespmem:$0x13880] =	vst v63  }
0x290: {  	s3 =	simm.s32 @!p6 $0x80;
	s4 =	simm.s32 @!p6 $0x11580;
	s6 =	simm.s32 @!p6 $0x11D80  }
0x291: {  	[spmem:s1] =	stream.indirect.scatter.add.f32 @!p6 [tilespmem:s6], [sflag:$0x1], $0x1, s4, s3, $0xb8;
	[tilespmem:$0x13880] =	vst v63  }
0x292: {  	s3 =	simm.s32 $0x11600;
	s4 =	simm.s32 $0x11E00;
	p6 =	slt.u32 s2, $0x700  }
0x293: {  	[spmem:s1] =	stream.indirect.scatter.add.f32 [tilespmem:s4], [sflag:$0x1], $0x1, s3, s7, $0xb8;
	[tilespmem:$0x13880] =	vst v63  }
0x294: {  	s3 =	simm.s32 @!p6 $0x80;
	p0 =	slt.u32 @!p6 s2, $0x780  }
0x295: {  	s4 =	simm.s32 @!p6 $0x11680;
	s6 =	simm.s32 @!p6 $0x11E80;
	p2 =	por p0, p6  }
0x296: {  	[spmem:s1] =	stream.indirect.scatter.add.f32 @!p6 [tilespmem:s6], [sflag:$0x1], $0x1, s4, s3, $0xb8;
	[tilespmem:$0x13880] =	vst v63  }
0x297: {  	s3 =	simm.s32 @!p2 $0x80;
	s4 =	simm.s32 @!p2 $0x11700;
	p1 =	slt.u32 @!p2 s2, $0x800  }
0x298: {  	s6 =	simm.s32 @!p2 $0x11F00;
	p3 =	por @!p6 p1, p0;
	p4 =	por @!p6 !p1, p0  }
0x299: {  	[spmem:s1] =	stream.indirect.scatter.add.f32 @!p2 [tilespmem:s6], [sflag:$0x1], $0x1, s4, s3, $0xb8;
	[tilespmem:$0x13880] =	vst v63  }
0x29a: {  	p1 =	por @!p2 $0x1, $0x1;
	p0 =	por !p0, p6;
	p3 =	por p3, p6  }
0x29b: {  	p4 =	por !p4, p6;
	p2 =	por @!p2 $0x0, $0x0;
	s3 =	simm.s32 @!p3 $0x80  }
0x29c: {  	s4 =	simm.s32 @!p3 $0x11780;
	s6 =	simm.s32 @!p3 $0x11F80;
	p5 =	por @!p3 $0x1, $0x1  }
0x29d: {  	[spmem:s1] =	stream.indirect.scatter.add.f32 @!p3 [tilespmem:s6], [sflag:$0x1], $0x1, s4, s3, $0xb8;
	[tilespmem:$0x13880] =	vst v63  }
0x29e: {  	p1 =	por @!p4 p5, p5;
	p2 =	por @!p4 p5, p5;
	p4 =	por @!p6 $0x1, $0x1  }
0x29f: {  	p5 =	por @!p6 $0x0, $0x0;
	p3 =	por p1, p1;
	p1 =	por @!p0 p4, p4  }
0x2a0: {  	p2 =	por @!p0 p5, p5;
	p3 =	por @!p0 p5, p5;
	p0 =	por $0x0, $0x0  }
0x2a1: {  	p0 =	por @!p6 p3, p3  }
0x2a2: {  	p4 =	por $0x1, $0x1;
	s3 =	simm.s32 @!p0 $0x0  }
.Ltmp40:
0x2a3: {  	s3 =	simm.s32 @p0 $0x1;
	p0 =	por $0x1, $0x1;
	(pc) =	sbr.rel .LBB2_55-.Ltmp40, $4  }
0x2a4: {  	p4 =	por @!p6 p1, p1;
	p5 =	por $0x1, $0x1;
	p0 =	por @!p6 p1, p1  }
0x2a5: {  	p5 =	por @!p6 p1, p1;
	[smem:$0x7F2] =	sst s3;
	s3 =	simm.s32 @!p0 $0x0  }
0x2a6: {  	p3 =	por $0x0, $0x0;
	s3 =	simm.s32 @p0 $0x1;
	p0 =	por $0x0, $0x0  }
0x2a7: {  	p3 =	por @!p6 p1, p1;
	[smem:$0x7F3] =	sst s3;
	p0 =	por @!p6 p2, p2  }
.LBB2_62:
0x2a8: {  	p2 =	por @!p3 $0x0, $0x0  }
0x2a9: {  	s2 =	simm.s32 @!p2 $0x0  }
0x2aa: {  	s2 =	simm.s32 @p2 $0x1  }
0x2ab: {  	[smem:$0x7EA] =	sst s2;
	s2 =	simm.s32 @!p3 $0x0  }
0x2ac: {  	p2 =	por $0x0, $0x0;
	s2 =	simm.s32 @p3 $0x1;
	s20 =	sld [smem:$0x7EA]  }
0x2ad: {  	[smem:$0x7F1] =	sst s2;
	s2 =	simm.s32 @!p2 $0x0  }
0x2ae: {  	s2 =	simm.s32 @p2 $0x1;
	s21 =	sld [smem:$0x7F1]  }
0x2af: {  	[smem:$0x7EB] =	sst s2  }
0x2b0: {  	s31 =	sld [smem:$0x7EB];
	_ =	sdelay $0x1  }
0x2b1: {  	p2 =	seq.s32 s20, $0x1;
	s2 =	simm.s32 @!p5 $0x0  }
0x2b2: {  	s2 =	simm.s32 @p5 $0x1;
	p3 =	seq.s32 s21, $0x1;
	p5 =	seq.s32 s31, $0x1  }
0x2b3: {  	p5 =	por @!p3 p2, p2  }
0x2b4: {  	[smem:$0x7EE] =	sst s2;
	s2 =	simm.s32 @!p5 $0x0  }
0x2b5: {  	s2 =	simm.s32 @p5 $0x1  }
0x2b6: {  	[smem:$0x7EB] =	sst s2  }
0x2b7: {  	s2 =	sld [smem:$0x7EB];
	_ =	sdelay $0x2  }
0x2b8: {  	p3 =	seq.s32 s2, $0x1  }
0x2b9: {  	p5 =	por @!p1 $0x0, $0x0;
	p2 =	por p3, p3  }
0x2ba: {  	p2 =	por @!p1 p5, p5  }
0x2bb: {  	s2 =	simm.s32 @!p2 $0x0  }
0x2bc: {  	s2 =	simm.s32 @p2 $0x1  }
0x2bd: {  	[smem:$0x7EF] =	sst s2  }
0x2be: {  	s2 =	sld [smem:$0x7EF];
	_ =	sdelay $0x1  }
0x2bf: {  	p2 =	por @!p1 $0x1, $0x1  }
0x2c0: {  	p3 =	por @!p1 p2, p2;
	p2 =	seq.s32 s2, $0x1  }
0x2c1: {  	p5 =	por @!p0 $0x0, $0x0;
	p1 =	por p2, p2  }
0x2c2: {  	p1 =	por @!p0 p5, p5  }
0x2c3: {  	p5 =	por p1, p1;
	p1 =	por @!p0 $0x1, $0x1  }
0x2c4: {  	p2 =	por @!p0 p1, p1  }
0x2c5: {  	s2 =	simm.s32 @!p2 $0x0  }
0x2c6: {  	s2 =	simm.s32 @p2 $0x1;
	p2 =	por @!p0 $0x1, $0x1  }
0x2c7: {  	[smem:$0x7EF] =	sst s2;
	p3 =	por @!p0 p2, p2  }
0x2c8: {  	p2 =	por @!p4 $0x0, $0x0;
	p0 =	por p5, p5;
	s3 =	sld [smem:$0x7EF]  }
0x2c9: {  	p0 =	por @!p4 p2, p2  }
0x2ca: {  	p1 =	por p5, p5;
	s2 =	simm.s32 @!p0 $0x0  }
0x2cb: {  	p2 =	por @!p4 $0x1, $0x1;
	s2 =	simm.s32 @p0 $0x1;
	p0 =	seq.s32 s3, $0x1  }
0x2cc: {  	[smem:$0x7EC] =	sst s2;
	p0 =	por @!p4 p2, p2;
	p2 =	por @!p4 $0x1, $0x1  }
0x2cd: {  	s4 =	sld [smem:$0x7EC];
	p3 =	por @!p4 p2, p2;
	p2 =	por @!p4 $0x1, $0x1  }
0x2ce: {  	p1 =	por @!p4 p2, p2  }
0x2cf: {  	s2 =	simm.s32 @!p1 $0x0  }
0x2d0: {  	p2 =	seq.s32 s4, $0x1;
	s2 =	simm.s32 @p1 $0x1  }
0x2d1: {  	[smem:$0x7ED] =	sst s2;
	s2 =	simm.s32 @!p2 $0x0  }
0x2d2: {  	s2 =	simm.s32 @p2 $0x1  }
0x2d3: {  	[smem:$0x7F0] =	sst s2  }
0x2d4: {  	s2 =	sld [smem:$0x7F0];
	_ =	sdelay $0x2  }
0x2d5: {  	p4 =	por @!p6 $0x1, $0x1;
	p1 =	seq.s32 s2, $0x1  }
0x2d6: {  	p1 =	por @!p6 p4, p4  }
0x2d7: {  	p4 =	por @!p6 $0x1, $0x1;
	s2 =	simm.s32 @!p1 $0x0  }
0x2d8: {  	p0 =	por @!p6 p4, p4;
	s2 =	simm.s32 @p1 $0x1  }
0x2d9: {  	[smem:$0x7F0] =	sst s2;
	s2 =	simm.s32 @!p0 $0x0  }
0x2da: {  	s2 =	simm.s32 @p0 $0x1  }
0x2db: {  	[smem:$0x7EF] =	sst s2  }
0x2dc: {  	_ =	swait.ge [sflag:s30], $0x80  }
0x2dd: {  	s6 =	sld [smem:$0x7ED]  }
0x2de: {  	s7 =	sld [smem:$0x7EE]  }
0x2df: {  	p4 =	por @!p6 $0x0, $0x0;
	s20 =	sld [smem:$0x7F0]  }
0x2e0: {  	p2 =	por @!p6 p4, p4;
	p0 =	por @!p6 $0x1, $0x1  }
0x2e1: {  	p3 =	por @!p6 p0, p0;
	p1 =	seq.s32 s6, $0x1;
	p5 =	seq.s32 s7, $0x1  }
0x2e2: {  	p4 =	seq.s32 s20, $0x1;
	p1 =	por @!p6 p0, p0;
	p0 =	por @!p5 $0x1, $0x1  }
0x2e3: {  	p4 =	por @!p5 p0, p0  }
0x2e4: {  	s2 =	simm.s32 @!p4 $0x0  }
0x2e5: {  	[sflag:s30] =	ssyncset.done $0x0;
	s2 =	simm.s32 @p4 $0x1  }
0x2e6: {  	[sflag:s30] =	ssyncadd.s32 $0xFFFFFF80;
	[smem:$0x7F0] =	sst s2  }
0x2e7: {  	s21 =	sld [smem:$0x7EF];
	_ =	swait.ge [sflag:s30], $0x80  }
0x2e8: {  	s31 =	sld [smem:$0x7F1];
	_ =	sdelay $0x2  }
0x2e9: {  	p4 =	seq.s32 s31, $0x1  }
.Ltmp41:
0x2ea: {  	_ = 	snop;
	(pc) =	sbr.rel @p4 .LBB2_68-.Ltmp41, $4  }
0x2eb: {  	_ = 	snop  }
0x2ec: {  	p6 =	seq.s32 s21, $0x1  }
0x2ed: {  	p6 =	por @!p5 p0, p0;
	p3 =	por @!p5 p0, p0;
	[sflag:s30] =	ssyncset.done $0x0  }
0x2ee: {  	p1 =	por @!p5 p0, p0;
	p2 =	por @!p5 p0, p0;
	[sflag:s30] =	ssyncadd.s32 $0xFFFFFF80  }
.Ltmp42:
0x2ef: {  	(pc) =	sbr.rel @p3 .LBB2_69-.Ltmp42, $4  }
0x2f0: {  	_ = 	snop  }
0x2f1: {  	_ =	swait.ge [sflag:s30], $0x80  }
0x2f2: {  	[sflag:s30] =	ssyncset.done $0x0  }
0x2f3: {  	[sflag:s30] =	ssyncadd.s32 $0xFFFFFF80  }
.LBB2_64:
.Ltmp43:
0x2f4: {  	(pc) =	sbr.rel @!p6 .LBB2_65-.Ltmp43, $1  }
0x2f5: {  	_ =	sdelay $0x3  }
.LBB2_70:
.Ltmp44:
0x2f6: {  	(pc) =	sbr.rel @p1 .LBB2_71-.Ltmp44, $4  }
0x2f7: {  	_ = 	snop  }
0x2f8: {  	_ =	swait.ge [sflag:s30], $0x80  }
0x2f9: {  	[sflag:s30] =	ssyncset.done $0x0  }
0x2fa: {  	[sflag:s30] =	ssyncadd.s32 $0xFFFFFF80  }
.LBB2_66:
0x2fb: {  	s2 =	sld [smem:$0x7F0];
	_ =	sdelay $0x2  }
0x2fc: {  	p0 =	seq.s32 s2, $0x1  }
.Ltmp45:
0x2fd: {  	_ = 	snop;
	(pc) =	sbr.rel @!p0 .LBB2_67-.Ltmp45, $1  }
0x2fe: {  	_ =	sdelay $0x3  }
.LBB2_72:
.Ltmp46:
0x2ff: {  	(pc) =	sbr.rel @p2 .LBB2_79-.Ltmp46, $4  }
.Ltmp47:
0x300: {  	(pc) =	sbr.rel @!p2 .LBB2_80-.Ltmp47, $4  }
0x301: {  	_ =	swait.ge [sflag:s30], $0x80  }
0x302: {  	[sflag:s30] =	ssyncset.done $0x0  }
0x303: {  	[sflag:s30] =	ssyncadd.s32 $0xFFFFFF80  }
0x304: {  	_ = 	snop  }
.LBB2_34:
.Ltmp48:
0x305: {  	(pc) =	sbr.rel @!p4 .LBB2_18-.Ltmp48, $1  }
0x306: {  	_ =	sdelay $0x3  }
.LBB2_35:
.Ltmp49:
0x307: {  	(pc) =	sbr.rel @p5 .LBB2_36-.Ltmp49, $4  }
0x308: {  	_ = 	snop  }
0x309: {  	_ =	swait.ge [sflag:s30], $0x80  }
0x30a: {  	[sflag:s30] =	ssyncset.done $0x0  }
0x30b: {  	[sflag:s30] =	ssyncadd.s32 $0xFFFFFF80  }
.LBB2_19:
0x30c: {  	s0 =	sld [smem:$0x7FD];
	_ =	sdelay $0x2  }
0x30d: {  	p1 =	seq.s32 s0, $0x1  }
.Ltmp50:
0x30e: {  	_ = 	snop;
	(pc) =	sbr.rel @!p1 .LBB2_20-.Ltmp50, $1  }
0x30f: {  	_ =	sdelay $0x3  }
.LBB2_37:
.Ltmp51:
0x310: {  	(pc) =	sbr.rel @p3 .LBB2_38-.Ltmp51, $4  }
0x311: {  	_ = 	snop  }
0x312: {  	_ =	swait.ge [sflag:s30], $0x80  }
0x313: {  	[sflag:s30] =	ssyncset.done $0x0  }
0x314: {  	[sflag:s30] =	ssyncadd.s32 $0xFFFFFF80  }
.LBB2_21:
0x315: {  	s0 =	sld [smem:$0x7FC];
	_ =	sdelay $0x2  }
0x316: {  	p1 =	seq.s32 s0, $0x1  }
.Ltmp52:
0x317: {  	_ = 	snop;
	(pc) =	sbr.rel @!p1 .LBB2_22-.Ltmp52, $1  }
0x318: {  	_ =	sdelay $0x3  }
.LBB2_39:
.Ltmp53:
0x319: {  	(pc) =	sbr.rel @!p0 .LBB2_41-.Ltmp53, $4  }
.Ltmp54:
0x31a: {  	(pc) =	sbr.rel @p0 .LBB2_40-.Ltmp54, $4  }
0x31b: {  	_ =	swait.ge [sflag:s30], $0x80  }
0x31c: {  	[sflag:s30] =	ssyncset.done $0x0  }
0x31d: {  	[sflag:s30] =	ssyncadd.s32 $0xFFFFFF80  }
0x31e: {  	_ = 	snop  }
.LBB2_53:
0x31f: {  	p2 =	por @!p0 $0x0, $0x0;
	p4 =	por $0x0, $0x0  }
0x320: {  	p4 =	por @!p0 p2, p2  }
0x321: {  	p3 =	por @!p1 $0x1, $0x1;
	p2 =	por @!p1 $0x0, $0x0;
	p0 =	por p4, p4  }
0x322: {  	p4 =	por @!p1 p3, p3;
	p0 =	por @!p1 p2, p2  }
0x323: {  	p1 =	por @!p6 $0x1, $0x1;
	p2 =	por @!p6 $0x0, $0x0;
	p3 =	por p0, p0  }
0x324: {  	p5 =	por p0, p0;
	p4 =	por @!p6 p1, p1;
	p3 =	por @!p6 p2, p2  }
0x325: {  	p5 =	por @!p6 p1, p1;
	p1 =	por p0, p0;
	s3 =	simm.s32 @!p3 $0x0  }
0x326: {  	p1 =	por @!p6 p2, p2;
	s3 =	simm.s32 @p3 $0x1  }
0x327: {  	[smem:$0x7F2] =	sst s3;
	s3 =	simm.s32 @!p1 $0x0  }
0x328: {  	p3 =	por p0, p0;
	s3 =	simm.s32 @p1 $0x1  }
0x329: {  	p0 =	por @!p6 p2, p2;
	p3 =	por @!p6 p2, p2;
	[smem:$0x7F3] =	sst s3  }
.LBB2_55:
0x32a: {  	_ =	swait.ge [sflag:s30], $0x80  }
0x32b: {  	[sflag:s30] =	ssyncset.done $0x0  }
0x32c: {  	[sflag:s30] =	ssyncadd.s32 $0xFFFFFF80  }
0x32d: {  	_ =	swait.ge [sflag:s30], $0x80  }
0x32e: {  	[sflag:s30] =	ssyncset.done $0x0  }
0x32f: {  	[sflag:s30] =	ssyncadd.s32 $0xFFFFFF80  }
0x330: {  	_ =	swait.ge [sflag:s30], $0x80  }
0x331: {  	[sflag:s30] =	ssyncset.done $0x0  }
0x332: {  	[sflag:s30] =	ssyncadd.s32 $0xFFFFFF80  }
0x333: {  	_ =	swait.ge [sflag:s30], $0x80  }
0x334: {  	[sflag:s30] =	ssyncset.done $0x0  }
0x335: {  	[sflag:s30] =	ssyncadd.s32 $0xFFFFFF80  }
0x336: {  	_ =	swait.ge [sflag:s30], $0x80  }
0x337: {  	[sflag:s30] =	ssyncset.done $0x0  }
0x338: {  	[sflag:s30] =	ssyncadd.s32 $0xFFFFFF80  }
0x339: {  	_ =	swait.ge [sflag:s30], $0x80  }
0x33a: {  	[sflag:s30] =	ssyncset.done $0x0  }
0x33b: {  	[sflag:s30] =	ssyncadd.s32 $0xFFFFFF80  }
0x33c: {  	_ =	swait.ge [sflag:s30], $0x80  }
0x33d: {  	[sflag:s30] =	ssyncset.done $0x0  }
0x33e: {  	[sflag:s30] =	ssyncadd.s32 $0xFFFFFF80  }
0x33f: {  	p1 =	sgt.u32 s2, $0x4FF;
	_ =	swait.ge [sflag:s30], $0x80  }
.Ltmp55:
0x340: {  	[sflag:s30] =	ssyncset.done $0x0;
	(pc) =	sbr.rel @!p1 .LBB2_73-.Ltmp55, $4  }
0x341: {  	[sflag:s30] =	ssyncadd.s32 $0xFFFFFF80  }
0x342: {  	_ =	swait.ge [sflag:s30], $0x80  }
0x343: {  	[sflag:s30] =	ssyncset.done $0x0  }
0x344: {  	[sflag:s30] =	ssyncadd.s32 $0xFFFFFF80  }
.Ltmp56:
0x345: {  	(pc) =	sbr.rel @p4 .LBB2_74-.Ltmp56, $4  }
0x346: {  	_ = 	snop  }
0x347: {  	_ =	swait.ge [sflag:s30], $0x80  }
0x348: {  	[sflag:s30] =	ssyncset.done $0x0  }
0x349: {  	[sflag:s30] =	ssyncadd.s32 $0xFFFFFF80  }
.LBB2_57:
.Ltmp57:
0x34a: {  	(pc) =	sbr.rel @!p5 .LBB2_58-.Ltmp57, $1  }
0x34b: {  	_ =	sdelay $0x3  }
.LBB2_75:
0x34c: {  	_ =	swait.ge [sflag:s30], $0x80  }
0x34d: {  	s2 =	sld [smem:$0x7F3];
	_ =	sdelay $0x2  }
0x34e: {  	p1 =	seq.s32 s2, $0x1  }
.Ltmp58:
0x34f: {  	_ = 	snop;
	(pc) =	sbr.rel @p1 .LBB2_76-.Ltmp58, $3  }
0x350: {  	_ =	sdelay $0x1  }
0x351: {  	[sflag:s30] =	ssyncset.done $0x0  }
0x352: {  	[sflag:s30] =	ssyncadd.s32 $0xFFFFFF80  }
.LBB2_59:
.Ltmp59:
0x353: {  	(pc) =	sbr.rel @!p3 .LBB2_60-.Ltmp59, $1  }
0x354: {  	_ =	sdelay $0x3  }
.LBB2_77:
0x355: {  	_ =	swait.ge [sflag:s30], $0x80  }
0x356: {  	s2 =	sld [smem:$0x7F2];
	_ =	sdelay $0x2  }
0x357: {  	p1 =	seq.s32 s2, $0x1  }
.Ltmp60:
0x358: {  	_ = 	snop;
	(pc) =	sbr.rel @p1 .LBB2_78-.Ltmp60, $3  }
0x359: {  	_ =	sdelay $0x1  }
0x35a: {  	[sflag:s30] =	ssyncset.done $0x0  }
0x35b: {  	[sflag:s30] =	ssyncadd.s32 $0xFFFFFF80  }
.LBB2_61:
.Ltmp61:
0x35c: {  	(pc) =	sbr.rel @!p0 .LBB2_80-.Ltmp61, $4  }
.Ltmp62:
0x35d: {  	(pc) =	sbr.rel @p0 .LBB2_79-.Ltmp62, $4  }
0x35e: {  	_ = 	snop  }
0x35f: {  	_ = 	snop  }
0x360: {  	_ = 	snop  }
0x361: {  	_ = 	snop  }
.LBB2_68:
.Ltmp63:
0x362: {  	(pc) =	sbr.rel @!p3 .LBB2_64-.Ltmp63, $1  }
0x363: {  	_ =	sdelay $0x3  }
.LBB2_69:
.Ltmp64:
0x364: {  	(pc) =	sbr.rel @p6 .LBB2_70-.Ltmp64, $4  }
0x365: {  	_ = 	snop  }
0x366: {  	_ =	swait.ge [sflag:s30], $0x80  }
0x367: {  	[sflag:s30] =	ssyncset.done $0x0  }
0x368: {  	[sflag:s30] =	ssyncadd.s32 $0xFFFFFF80  }
.LBB2_65:
.Ltmp65:
0x369: {  	(pc) =	sbr.rel @!p1 .LBB2_66-.Ltmp65, $1  }
0x36a: {  	_ =	sdelay $0x3  }
.LBB2_71:
0x36b: {  	_ =	swait.ge [sflag:s30], $0x80  }
0x36c: {  	s2 =	sld [smem:$0x7F0];
	_ =	sdelay $0x2  }
0x36d: {  	p0 =	seq.s32 s2, $0x1  }
.Ltmp66:
0x36e: {  	_ = 	snop;
	(pc) =	sbr.rel @p0 .LBB2_72-.Ltmp66, $3  }
0x36f: {  	_ =	sdelay $0x1  }
0x370: {  	[sflag:s30] =	ssyncset.done $0x0  }
0x371: {  	[sflag:s30] =	ssyncadd.s32 $0xFFFFFF80  }
.LBB2_67:
.Ltmp67:
0x372: {  	(pc) =	sbr.rel @p2 .LBB2_79-.Ltmp67, $4  }
.Ltmp68:
0x373: {  	(pc) =	sbr.rel @!p2 .LBB2_80-.Ltmp68, $4  }
0x374: {  	_ = 	snop  }
0x375: {  	_ = 	snop  }
0x376: {  	_ = 	snop  }
0x377: {  	_ = 	snop  }
.LBB2_73:
.Ltmp69:
0x378: {  	(pc) =	sbr.rel @!p4 .LBB2_57-.Ltmp69, $1  }
0x379: {  	_ =	sdelay $0x3  }
.LBB2_74:
.Ltmp70:
0x37a: {  	(pc) =	sbr.rel @p5 .LBB2_75-.Ltmp70, $4  }
0x37b: {  	_ = 	snop  }
0x37c: {  	_ =	swait.ge [sflag:s30], $0x80  }
0x37d: {  	[sflag:s30] =	ssyncset.done $0x0  }
0x37e: {  	[sflag:s30] =	ssyncadd.s32 $0xFFFFFF80  }
.LBB2_58:
0x37f: {  	s2 =	sld [smem:$0x7F3];
	_ =	sdelay $0x2  }
0x380: {  	p1 =	seq.s32 s2, $0x1  }
.Ltmp71:
0x381: {  	_ = 	snop;
	(pc) =	sbr.rel @!p1 .LBB2_59-.Ltmp71, $1  }
0x382: {  	_ =	sdelay $0x3  }
.LBB2_76:
.Ltmp72:
0x383: {  	(pc) =	sbr.rel @p3 .LBB2_77-.Ltmp72, $4  }
0x384: {  	_ = 	snop  }
0x385: {  	_ =	swait.ge [sflag:s30], $0x80  }
0x386: {  	[sflag:s30] =	ssyncset.done $0x0  }
0x387: {  	[sflag:s30] =	ssyncadd.s32 $0xFFFFFF80  }
.LBB2_60:
0x388: {  	s2 =	sld [smem:$0x7F2];
	_ =	sdelay $0x2  }
0x389: {  	p1 =	seq.s32 s2, $0x1  }
.Ltmp73:
0x38a: {  	_ = 	snop;
	(pc) =	sbr.rel @!p1 .LBB2_61-.Ltmp73, $1  }
0x38b: {  	_ =	sdelay $0x3  }
.LBB2_78:
.Ltmp74:
0x38c: {  	(pc) =	sbr.rel @!p0 .LBB2_80-.Ltmp74, $4  }
.Ltmp75:
0x38d: {  	(pc) =	sbr.rel @p0 .LBB2_79-.Ltmp75, $4  }
0x38e: {  	_ =	swait.ge [sflag:s30], $0x80  }
0x38f: {  	[sflag:s30] =	ssyncset.done $0x0  }
0x390: {  	[sflag:s30] =	ssyncadd.s32 $0xFFFFFF80  }
0x391: {  	_ = 	snop  }
.LBB2_7:
.Ltmp76:
0x392: {  	(pc) =	sbr.rel .LBB2_11-.Ltmp76, $2  }
0x393: {  	_ =	sdelay $0x2  }
0x394: {  	s4 =	simm.s32 $0x0;
	s31 =	simm.s32 $0x11000;
	s6 =	simm.s32 $0x11800  }
.LBB2_45:
.Ltmp77:
0x395: {  	(pc) =	sbr.rel .LBB2_50-.Ltmp77, $2  }
0x396: {  	_ =	sdelay $0x2  }
0x397: {  	s6 =	simm.s32 $0x0;
	s20 =	simm.s32 $0x11000;
	s21 =	simm.s32 $0x11800  }
.LBB2_9:
.Ltmp78:
0x398: {  	(pc) =	sbr.rel .LBB2_11-.Ltmp78, $2  }
0x399: {  	_ =	sdelay $0x2  }
0x39a: {  	s4 =	simm.s32 $0x0;
	s31 =	simm.s32 $0x11000;
	s6 =	simm.s32 $0x11800  }
.LBB2_47:
.Ltmp79:
0x39b: {  	(pc) =	sbr.rel .LBB2_50-.Ltmp79, $3  }
0x39c: {  	_ =	sdelay $0x1  }
0x39d: {  	s6 =	simm.s32 $0x0  }
0x39e: {  	s20 =	simm.s32 $0x11000;
	s21 =	simm.s32 $0x11800;
	s23 =	stileid.u32  }
.LBB2_81:
0x39f: {  	_ =	sfence.sel $0x180000  }
0x3a0: {  	[bflag:$0x0] =	sbarrier.arrive $0xFFFF  }
0x3a1: {  	_ =	strace $0x90000047  }
0x3a2: {  	[bflag:$0x2] =	sbarrier.arrive $0xFFFF  }
0x3a3: {  	p0 =	sne.s32 s23, $0x0;
	s0 =	rddreg [dreg:$0x3]  }
0x3a4: {  	s0 =	sadd.s32 @!p0 $0x100000, s0  }
0x3a5: {  	[sflag:s0] =	ssyncadd.tile.s32 @!p0 $0x1;
	_ =	shalt  }
.Lfunc_end2:
_tile_overlayer_lowered:
.L_overlay_start_2:
0x3a6: {  	(tag) =	ssettag $0x2  }
0x3a7: {  	s0 =	rddreg [dreg:$0x0];
	s2 =	stileid.u32  }
0x3a8: {  	s1 =	rddreg [dreg:$0x1];
	p0 =	sne.s32 s2, $0x0  }
0x3a9: {  	s3 =	rddreg [dreg:$0x2];
	[bflag:$0x3] =	sbarrier.arrive $0xFFFF;
	s2 =	simm.s32 @!p0 $0x1C02  }
0x3aa: {  	[timem:s3], [sflag:s2] =	dma.local @!p0 [hbm:s0], s1  }
0x3ab: {  	s0 =	simm.s32 @!p0 $0x2  }
0x3ac: {  	_ =	swait.ge @!p0 [sflag:s0], s1  }
0x3ad: {  	s1 =	ssub.s32 @!p0 $0x0, s1;
	[sflag:s0] =	ssyncset.done @!p0 $0x0  }
0x3ae: {  	[sflag:s0] =	ssyncadd.s32 @!p0 s1  }
0x3af: {  	[bflag:$0x3] =	sbarrier.arrive $0xFFFF  }
0x3b0: {  	_ =	shalt  }

</sc_bundles>
